<compile_context>
chip_gen: v7x
topology: tpu7x:2x2x1
jax: 0.10.2.dev20260603
libtpu: 0.0.44.dev20260713+nightly
codegen_flags: <defaults>
</compile_context>

<pallas_src>
import functools

import jax
import jax.numpy as jnp
from jax import lax
from jax.experimental import pallas as pl
from jax.experimental.pallas import tpu as pltpu
from jax.experimental.pallas import tpu_sc as plsc

N = 10000
NP = 10240
G = 64
D = 128
H = 300
HP = 320
OUT = 256
BLK_D = 128
NSUB = 16
NCORE = 2
LANES = 16
RB = 512
F32 = jnp.float32
BF16 = jnp.bfloat16



@functools.lru_cache(maxsize=None)
def _spmm_call(Wh, NB, BLK, CB):
    NBW = NB // NSUB
    NCH = NBW // CB
    RPW = NP // NSUB
    mesh = plsc.VectorSubcoreMesh(core_axis_name="c", subcore_axis_name="s")

    def body(t_hbm, src_hbm, dst_hbm, out_hbm, idx_s, idx_d, rb0, rb1,
             acc_sh, sem0, sem1):
        c = lax.axis_index("c")
        s = lax.axis_index("s")

        z = jnp.zeros((LANES,), F32)

        @pl.loop(0, BLK)
        def _(i):
            @pl.loop(0, Wh, step=LANES)
            def _(k):
                rb0[i, pl.ds(k, LANES)] = z

        @pl.loop(0, RPW, step=BLK)
        def _(r):
            pltpu.sync_copy(rb0, acc_sh.at[pl.ds(s * RPW + r, BLK)])

        plsc.subcore_barrier()

        def start(j, buf, sem):
            pltpu.async_copy(t_hbm.at[idx_s.at[j]], buf, sem)

        def wait(buf, sem):
            pltpu.make_async_copy(t_hbm.at[idx_s.at[0]], buf, sem).wait()

        def scat(j, buf):
            pltpu.sync_copy(buf, acc_sh.at[idx_d.at[j]], add=True)

        @pl.loop(0, NCH)
        def _(ch):
            base = s * NBW + ch * CB
            pltpu.sync_copy(src_hbm.at[c, pl.ds(base, CB)], idx_s)
            pltpu.sync_copy(dst_hbm.at[pl.ds(base, CB)], idx_d)

            start(0, rb0, sem0)

            @pl.loop(0, CB - 2, step=2)
            def _(j):
                start(j + 1, rb1, sem1)
                wait(rb0, sem0)
                scat(j, rb0)
                start(j + 2, rb0, sem0)
                wait(rb1, sem1)
                scat(j + 1, rb1)

            start(CB - 1, rb1, sem1)
            wait(rb0, sem0)
            scat(CB - 2, rb0)
            wait(rb1, sem1)
            scat(CB - 1, rb1)

        plsc.subcore_barrier()
        pltpu.sync_copy(acc_sh.at[pl.ds(s * RPW, RPW)],
                        out_hbm.at[c, pl.ds(s * RPW, RPW)])

    return pl.kernel(
        body,
        out_type=jax.ShapeDtypeStruct((NCORE, NP, Wh), F32),
        mesh=mesh,
        compiler_params=pltpu.CompilerParams(use_tc_tiling_on_sc=False),
        scratch_types=[
            pltpu.VMEM((CB, BLK), jnp.int32),
            pltpu.VMEM((CB, BLK), jnp.int32),
            pltpu.VMEM((BLK, Wh), F32),
            pltpu.VMEM((BLK, Wh), F32),
            pltpu.VMEM_SHARED((NP, Wh), F32),
            pltpu.SemaphoreType.DMA,
            pltpu.SemaphoreType.DMA,
        ],
    )


@functools.lru_cache(maxsize=None)
def _deg_call(NB):
    NBC = NB // (NCORE * NSUB)
    RPW = NP // NSUB
    mesh = plsc.VectorSubcoreMesh(core_axis_name="c", subcore_axis_name="s")

    def body(dst_hbm, out_hbm, idx_d, ones_b, deg_sh):
        c = lax.axis_index("c")
        s = lax.axis_index("s")
        z = jnp.zeros((LANES,), F32)

        @pl.loop(0, BLK_D)
        def _(i):
            ones_b[i, pl.ds(0, LANES)] = z

        @pl.loop(0, RPW, step=BLK_D)
        def _(r):
            pltpu.sync_copy(ones_b, deg_sh.at[pl.ds(s * RPW + r, BLK_D)])

        o = jnp.ones((LANES,), F32)

        @pl.loop(0, BLK_D)
        def _(i):
            ones_b[i, pl.ds(0, LANES)] = o

        plsc.subcore_barrier()
        pltpu.sync_copy(dst_hbm.at[pl.ds((c * NSUB + s) * NBC, NBC)], idx_d)

        @pl.loop(0, NBC)
        def _(j):
            pltpu.sync_copy(ones_b, deg_sh.at[idx_d.at[j]], add=True)

        plsc.subcore_barrier()
        pltpu.sync_copy(deg_sh.at[pl.ds(s * RPW, RPW)],
                        out_hbm.at[c, pl.ds(s * RPW, RPW)])

    return pl.kernel(
        body,
        out_type=jax.ShapeDtypeStruct((NCORE, NP, LANES), F32),
        mesh=mesh,
        compiler_params=pltpu.CompilerParams(use_tc_tiling_on_sc=False),
        scratch_types=[
            pltpu.VMEM((NBC, BLK_D), jnp.int32),
            pltpu.VMEM((BLK_D, LANES), F32),
            pltpu.VMEM_SHARED((NP, LANES), F32),
        ],
    )



def _dinv_of(deg_block):
    return lax.rsqrt(deg_block[0, :, 0] + deg_block[1, :, 0] + 1.0)


def _matmul1(xp, W1p):
    def body(x_ref, w_ref, o_ref):
        o_ref[...] = jnp.dot(x_ref[...], w_ref[...], preferred_element_type=F32)

    return pl.pallas_call(
        body,
        grid=(NP // RB,),
        in_specs=[pl.BlockSpec((RB, D), lambda i: (i, 0)),
                  pl.BlockSpec((D, HP), lambda i: (0, 0))],
        out_specs=pl.BlockSpec((RB, HP), lambda i: (i, 0)),
        out_shape=jax.ShapeDtypeStruct((NP, HP), F32),
    )(xp, W1p)


def _scale_split(t1, degp, Wh):
    def body(t_ref, deg_ref, o_ref):
        dinv = _dinv_of(deg_ref[...])
        tv = t_ref[...] * dinv[:, None]
        o_ref[0] = tv[:, :Wh]
        o_ref[1] = tv[:, Wh:]

    return pl.pallas_call(
        body,
        grid=(NP // RB,),
        in_specs=[pl.BlockSpec((RB, 2 * Wh), lambda i: (i, 0)),
                  pl.BlockSpec((NCORE, RB, LANES), lambda i: (0, i, 0))],
        out_specs=pl.BlockSpec((NCORE, RB, Wh), lambda i: (0, i, 0)),
        out_shape=jax.ShapeDtypeStruct((NCORE, NP, Wh), F32),
    )(t1, degp)


def _fuse_layer(acc, tp, degp, b_row, Wn, Wh_out):
    Wh_in = tp.shape[2]

    def body(a_ref, t_ref, deg_ref, b_ref, w_ref, o_ref):
        dinv = _dinv_of(deg_ref[...])
        a = jnp.concatenate([a_ref[0], a_ref[1]], axis=1)
        t = jnp.concatenate([t_ref[0], t_ref[1]], axis=1)
        h = jnp.maximum((a + t) * dinv[:, None] + b_ref[...], 0.0)
        tn = jnp.dot(h, w_ref[...], preferred_element_type=F32) * dinv[:, None]
        o_ref[0] = tn[:, :Wh_out]
        o_ref[1] = tn[:, Wh_out:]

    return pl.pallas_call(
        body,
        grid=(NP // RB,),
        in_specs=[pl.BlockSpec((NCORE, RB, Wh_in), lambda i: (0, i, 0)),
                  pl.BlockSpec((NCORE, RB, Wh_in), lambda i: (0, i, 0)),
                  pl.BlockSpec((NCORE, RB, LANES), lambda i: (0, i, 0)),
                  pl.BlockSpec((1, 2 * Wh_in), lambda i: (0, 0)),
                  pl.BlockSpec((2 * Wh_in, 2 * Wh_out), lambda i: (0, 0))],
        out_specs=pl.BlockSpec((NCORE, RB, Wh_out), lambda i: (0, i, 0)),
        out_shape=jax.ShapeDtypeStruct((NCORE, NP, Wh_out), F32),
    )(acc, tp, degp, b_row, Wn)


def _final(acc, tp, degp, b_row, batch3, Wm, bm):
    nb = NP // RB
    Wh_in = tp.shape[2]
    OUTP = 2 * Wh_in

    def body(a_ref, t_ref, deg_ref, b_ref, bt_ref, wm_ref, bm_ref, o_ref,
             sums, counts):
        i = pl.program_id(0)

        @pl.when(i == 0)
        def _():
            sums[...] = jnp.zeros_like(sums)
            counts[...] = jnp.zeros_like(counts)

        dinv = _dinv_of(deg_ref[...])
        a = jnp.concatenate([a_ref[0], a_ref[1]], axis=1)
        t = jnp.concatenate([t_ref[0], t_ref[1]], axis=1)
        h = jnp.maximum((a + t) * dinv[:, None] + b_ref[...], 0.0)
        bt = bt_ref[0, 0, :]
        gid = lax.broadcasted_iota(jnp.int32, (G, RB), 0)
        ind = (bt[None, :] == gid).astype(F32)
        hh = h.astype(BF16)
        hl = (h - hh.astype(F32)).astype(BF16)
        indb = ind.astype(BF16)
        sums[...] += (jnp.dot(indb, hh, preferred_element_type=F32)
                      + jnp.dot(indb, hl, preferred_element_type=F32))
        counts[...] += jnp.sum(ind, axis=1)[None, :]

        @pl.when(i == nb - 1)
        def _():
            ro = sums[...] / jnp.maximum(counts[0, :], 1.0)[:, None]
            o_ref[...] = jnp.dot(ro, wm_ref[...],
                                 preferred_element_type=F32) + bm_ref[0, 0]

    return pl.pallas_call(
        body,
        grid=(nb,),
        in_specs=[pl.BlockSpec((NCORE, RB, Wh_in), lambda i: (0, i, 0)),
                  pl.BlockSpec((NCORE, RB, Wh_in), lambda i: (0, i, 0)),
                  pl.BlockSpec((NCORE, RB, LANES), lambda i: (0, i, 0)),
                  pl.BlockSpec((1, OUTP), lambda i: (0, 0)),
                  pl.BlockSpec((1, 1, RB), lambda i: (i, 0, 0)),
                  pl.BlockSpec((OUTP, 1), lambda i: (0, 0)),
                  pl.BlockSpec((1, 1), lambda i: (0, 0))],
        out_specs=pl.BlockSpec((G, 1), lambda i: (0, 0)),
        out_shape=jax.ShapeDtypeStruct((G, 1), F32),
        scratch_shapes=[pltpu.VMEM((G, OUTP), F32), pltpu.VMEM((1, G), F32)],
    )(acc, tp, degp, b_row, batch3, Wm, bm)



def kernel(x, edge_index, batch, W1, b1, W2, b2, W3, b3, Wm, bm):
    E = edge_index.shape[1]
    CH = NCORE * NSUB * 128 * 8
    EP = -(-E // CH) * CH
    NB64 = EP // 64
    NB128 = EP // 128

    src = edge_index[0].astype(jnp.int32)
    dst = edge_index[1].astype(jnp.int32)
    pad = jnp.full((EP - E,), N, jnp.int32)
    srcf = jnp.concatenate([src, pad])
    dstf = jnp.concatenate([dst, pad])
    srcp64 = srcf.reshape(NB64, 64)
    dstp64 = dstf.reshape(NB64, 64)
    srcp128 = srcf.reshape(NB128, 128)
    dstp128 = dstf.reshape(NB128, 128)
    src2_64 = jnp.stack([srcp64, srcp64 + NP])
    src2_128 = jnp.stack([srcp128, srcp128 + NP])

    xp = jnp.pad(x.astype(F32), ((0, NP - N), (0, 0)))
    W1p = jnp.pad(W1, ((0, 0), (0, HP - H)))
    W2p = jnp.pad(W2, ((0, HP - H), (0, HP - H)))
    W3p = jnp.pad(W3, ((0, HP - H), (0, 0)))
    b1r = jnp.pad(b1, (0, HP - H))[None, :]
    b2r = jnp.pad(b2, (0, HP - H))[None, :]
    b3r = b3[None, :]
    batchp = jnp.concatenate(
        [batch.astype(jnp.int32), jnp.full((NP - N,), G, jnp.int32)])
    batch3 = batchp.reshape(NP // RB, 1, RB)

    degp = _deg_call(NB128)(dstp128)
    t1 = _matmul1(xp, W1p)
    t1p = _scale_split(t1, degp, HP // 2)
    acc1 = _spmm_call(HP // 2, NB64, 64, 32)(
        t1p.reshape(NCORE * NP, HP // 2), src2_64, dstp64)
    t2p = _fuse_layer(acc1, t1p, degp, b1r, W2p, HP // 2)
    acc2 = _spmm_call(HP // 2, NB64, 64, 32)(
        t2p.reshape(NCORE * NP, HP // 2), src2_64, dstp64)
    t3p = _fuse_layer(acc2, t2p, degp, b2r, W3p, OUT // 2)
    acc3 = _spmm_call(OUT // 2, NB128, 128, 16)(
        t3p.reshape(NCORE * NP, OUT // 2), src2_128, dstp128)
    out = _final(acc3, t3p, degp, b3r, batch3, Wm, bm[None, :])
    return out[:, 0]

# --- scband reference (transcript-rebuilt; emitter-appended) ---
"""Pipeline reference for scband-amgcn-54623394070845 (READ-ONLY COPY).

The authoritative reference and input builder live on the scoring server;
editing this copy changes nothing except your own understanding.
"""

import jax, jax.numpy as jnp
import numpy as np

N = 10000
E = 320000
D = 128
H = 300
OUT = 256  # 2 * SEQUENCE_LENGTH, SEQUENCE_LENGTH=128
G = 64     # number of graphs in the batch


def setup_inputs(seed: int = 0) -> dict:
    key = jax.random.key(seed)
    ks = jax.random.split(key, 12)
    x = jax.random.normal(ks[0], (N, D), dtype=jnp.float32)
    edge_index = jax.random.randint(ks[1], (2, E), 0, N)
    batch = jnp.sort(jax.random.randint(ks[2], (N,), 0, G))
    W1 = jax.random.normal(ks[3], (D, H), dtype=jnp.float32) * 0.05
    b1 = jnp.zeros((H,), dtype=jnp.float32)
    W2 = jax.random.normal(ks[4], (H, H), dtype=jnp.float32) * 0.05
    b2 = jnp.zeros((H,), dtype=jnp.float32)
    W3 = jax.random.normal(ks[5], (H, OUT), dtype=jnp.float32) * 0.05
    b3 = jnp.zeros((OUT,), dtype=jnp.float32)
    Wm = jax.random.normal(ks[6], (OUT, 1), dtype=jnp.float32) * 0.05
    bm = jnp.zeros((1,), dtype=jnp.float32)
    return {"x": x, "edge_index": edge_index, "batch": batch,
            "W1": W1, "b1": b1, "W2": W2, "b2": b2,
            "W3": W3, "b3": b3, "Wm": Wm, "bm": bm}


def _gcn_conv(x, edge_index, W, b):
    # GCNConv: x' = D^{-1/2} (A + I) D^{-1/2} (x W) + b
    num_nodes = x.shape[0]
    src = edge_index[0]
    dst = edge_index[1]
    loop = jnp.arange(num_nodes, dtype=src.dtype)
    src = jnp.concatenate([src, loop])
    dst = jnp.concatenate([dst, loop])
    deg = jnp.zeros((num_nodes,), dtype=jnp.float32).at[dst].add(1.0)
    dinv = jnp.where(deg > 0, jax.lax.rsqrt(jnp.maximum(deg, 1e-12)), 0.0)
    norm = dinv[src] * dinv[dst]
    h = x @ W
    msg = h[src] * norm[:, None]
    out = jax.ops.segment_sum(msg, dst, num_segments=num_nodes)
    return out + b


def reference(x, edge_index, batch, W1, b1, W2, b2, W3, b3, Wm, bm):
    # Dropout is identity at inference time.
    h = x.astype(jnp.float32)
    h = _gcn_conv(h, edge_index, W1, b1)
    h = jax.nn.relu(h)
    h = _gcn_conv(h, edge_index, W2, b2)
    h = jax.nn.relu(h)
    h = _gcn_conv(h, edge_index, W3, b3)
    h = jax.nn.relu(h)
    sums = jax.ops.segment_sum(h, batch, num_segments=G)
    counts = jax.ops.segment_sum(jnp.ones((h.shape[0],), dtype=jnp.float32), batch, num_segments=G)
    readout = sums / jnp.maximum(counts, 1.0)[:, None]
    out = readout @ Wm + bm
    return out.squeeze(1)

if __name__ == "__main__":
    import jax
    _d = setup_inputs()
    print(jax.jit(kernel)(*tuple(_d.values())))

</pallas_src>

<mosaic_0001>
#map = affine_map<(d0, d1) -> (0, 0)>
#map1 = affine_map<(d0, d1) -> (0, 0, 0)>
module attributes {stable_mosaic.version = 14 : i64} {
  func.func @body(%arg0: i32, %arg1: i32, %arg2: memref<2560x128xi32, #tpu.memory_space<hbm>>, %arg3: memref<2x10240x16xf32, #tpu.memory_space<hbm>>, %arg4: memref<80x128xi32, #tpu.memory_space<vmem>>, %arg5: memref<128x16xf32, #tpu.memory_space<vmem>>, %arg6: memref<10240x16xf32, #tpu.memory_space<vmem_shared>>) attributes {dimension_semantics = [#tpu.dimension_semantics<core_parallel>, #tpu.dimension_semantics<subcore_parallel>], iteration_bounds = array<i64: 2, 16>, scalar_prefetch = 0 : i64, scratch_operands = 3 : i64, tpu.core_type = #tpu.core_type<sc_vector_subcore>, window_params = [{transform_indices = #map}, {transform_indices = #map1}]} {
    %broadcast_in_dim3A = arith.constant 0.000000e+00 : f32
    %broadcast_in_dim3A_0 = vector.broadcast %broadcast_in_dim3A : f32 to vector<16xf32>
    %scan3A = arith.constant 0 : i32
    %scan3A_1 = arith.constant 128 : i32
    %scan3A_2 = arith.addi %scan3A, %scan3A_1 : i32
    %scan3A_3 = arith.constant 1 : i32
    scf.for %scan3A_30 = %scan3A to %scan3A_2 step %scan3A_3  : i32 {
      %mul3A_31 = arith.constant 1 : i32
      %mul3A_32 = arith.muli %scan3A_30, %mul3A_31 : i32
      %add3A_33 = arith.constant 0 : i32
      %add3A_34 = arith.addi %add3A_33, %mul3A_32 : i32
      %swap3A = arith.index_cast %add3A_34 : i32 to index
      %swap3A_35 = arith.constant 0 : index
      %swap3A_36 = tpu.vector_load %arg5[%swap3A, %swap3A_35] {strides = array<i32>} : memref<128x16xf32, #tpu.memory_space<vmem>>, vector<1x16xf32>,
      %swap3A_37 = vector.shape_cast %swap3A_36 : vector<1x16xf32> to vector<16xf32>
      %swap3A_38 = vector.shape_cast %broadcast_in_dim3A_0 : vector<16xf32> to vector<1x16xf32>
      tpu.vector_store %arg5[%swap3A, %swap3A_35], %swap3A_38 {strides = array<i32>} : memref<128x16xf32, #tpu.memory_space<vmem>>, vector<1x16xf32>,
    }
    %scan3A_4 = arith.constant 128 : i32
    %scan3A_5 = arith.constant 0 : i32
    %scan3A_6 = arith.constant 5 : i32
    %scan3A_7 = arith.addi %scan3A_5, %scan3A_6 : i32
    %scan3A_8 = arith.constant 1 : i32
    scf.for %scan3A_30 = %scan3A_5 to %scan3A_7 step %scan3A_8  : i32 {
      %mul3A_31 = arith.constant 128 : i32
      %mul3A_32 = arith.muli %scan3A_30, %mul3A_31 : i32
      %add3A_33 = arith.constant 0 : i32
      %add3A_34 = arith.addi %add3A_33, %mul3A_32 : i32
      %mul3A_35 = arith.constant 640 : i32
      %mul3A_36 = arith.muli %arg1, %mul3A_35 : i32
      %add3A_37 = arith.addi %mul3A_36, %add3A_34 : i32
      "tpu.region"() ({
        %run_scoped3A = tpu.sem_alloc : memref<!tpu.dma_semaphore, #tpu.memory_space<semaphore_mem>>
        %dma_start3A = arith.constant 0 : i32
        %dma_start3A_38 = tpu.memref_slice %arg6[%add3A_37, %dma_start3A] : memref<10240x16xf32, #tpu.memory_space<vmem_shared>> -> memref<128x16xf32, #tpu.memory_space<vmem_shared>>
        %dma_start3A_39 = arith.constant 0 : i32
        %dma_start3A_40 = tpu.memref_slice %arg6[%add3A_37, %dma_start3A_39] : memref<10240x16xf32, #tpu.memory_space<vmem_shared>> -> memref<128x16xf32, #tpu.memory_space<vmem_shared>>
        tpu.enqueue_dma source(%arg5 : memref<128x16xf32, #tpu.memory_space<vmem>>) target(%dma_start3A_40 : memref<128x16xf32, #tpu.memory_space<vmem_shared>>) target_semaphore(%run_scoped3A : memref<!tpu.dma_semaphore, #tpu.memory_space<semaphore_mem>>)
        %dma_wait3A = arith.constant 0 : i32
        %dma_wait3A_41 = tpu.memref_slice %arg6[%add3A_37, %dma_wait3A] : memref<10240x16xf32, #tpu.memory_space<vmem_shared>> -> memref<128x16xf32, #tpu.memory_space<vmem_shared>>
        %dma_wait3A_42 = arith.constant 0 : i32
        %dma_wait3A_43 = tpu.memref_slice %arg6[%add3A_37, %dma_wait3A_42] : memref<10240x16xf32, #tpu.memory_space<vmem_shared>> -> memref<128x16xf32, #tpu.memory_space<vmem_shared>>
        tpu.wait_dma2 semaphore(%run_scoped3A : memref<!tpu.dma_semaphore, #tpu.memory_space<semaphore_mem>>) src(%arg5 : memref<128x16xf32, #tpu.memory_space<vmem>>) dst(%dma_wait3A_43 : memref<128x16xf32, #tpu.memory_space<vmem_shared>>)
        tpu.yield
      }) : () -> ()
    }
    %scan3A_9 = arith.constant 5 : i32
    %broadcast_in_dim3A_10 = arith.constant 1.000000e+00 : f32
    %broadcast_in_dim3A_11 = vector.broadcast %broadcast_in_dim3A_10 : f32 to vector<16xf32>
    %scan3A_12 = arith.constant 0 : i32
    %scan3A_13 = arith.constant 128 : i32
    %scan3A_14 = arith.addi %scan3A_12, %scan3A_13 : i32
    %scan3A_15 = arith.constant 1 : i32
    scf.for %scan3A_30 = %scan3A_12 to %scan3A_14 step %scan3A_15  : i32 {
      %mul3A_31 = arith.constant 1 : i32
      %mul3A_32 = arith.muli %scan3A_30, %mul3A_31 : i32
      %add3A_33 = arith.constant 0 : i32
      %add3A_34 = arith.addi %add3A_33, %mul3A_32 : i32
      %swap3A = arith.index_cast %add3A_34 : i32 to index
      %swap3A_35 = arith.constant 0 : index
      %swap3A_36 = tpu.vector_load %arg5[%swap3A, %swap3A_35] {strides = array<i32>} : memref<128x16xf32, #tpu.memory_space<vmem>>, vector<1x16xf32>,
      %swap3A_37 = vector.shape_cast %swap3A_36 : vector<1x16xf32> to vector<16xf32>
      %swap3A_38 = vector.shape_cast %broadcast_in_dim3A_11 : vector<16xf32> to vector<1x16xf32>
      tpu.vector_store %arg5[%swap3A, %swap3A_35], %swap3A_38 {strides = array<i32>} : memref<128x16xf32, #tpu.memory_space<vmem>>, vector<1x16xf32>,
    }
    %scan3A_16 = arith.constant 128 : i32
    %barrier3A = arith.constant 0 : index
    tpu.barrier barrier_id(%barrier3A)
    %mul3A = arith.constant 16 : i32
    %mul3A_17 = arith.muli %arg0, %mul3A : i32
    %add3A = arith.addi %mul3A_17, %arg1 : i32
    %mul3A_18 = arith.constant 80 : i32
    %mul3A_19 = arith.muli %add3A, %mul3A_18 : i32
    "tpu.region"() ({
      %run_scoped3A = tpu.sem_alloc : memref<!tpu.dma_semaphore, #tpu.memory_space<semaphore_mem>>
      %dma_start3A = arith.constant 0 : i32
      %dma_start3A_30 = tpu.memref_slice %arg2[%mul3A_19, %dma_start3A] : memref<2560x128xi32, #tpu.memory_space<hbm>> -> memref<80x128xi32, #tpu.memory_space<hbm>>
      %dma_start3A_31 = arith.constant 0 : i32
      %dma_start3A_32 = tpu.memref_slice %arg2[%mul3A_19, %dma_start3A_31] : memref<2560x128xi32, #tpu.memory_space<hbm>> -> memref<80x128xi32, #tpu.memory_space<hbm>>
      tpu.enqueue_dma source(%dma_start3A_32 : memref<80x128xi32, #tpu.memory_space<hbm>>) target(%arg4 : memref<80x128xi32, #tpu.memory_space<vmem>>) target_semaphore(%run_scoped3A : memref<!tpu.dma_semaphore, #tpu.memory_space<semaphore_mem>>)
      %dma_wait3A = arith.constant 0 : i32
      %dma_wait3A_33 = tpu.memref_slice %arg2[%mul3A_19, %dma_wait3A] : memref<2560x128xi32, #tpu.memory_space<hbm>> -> memref<80x128xi32, #tpu.memory_space<hbm>>
      %dma_wait3A_34 = arith.constant 0 : i32
      %dma_wait3A_35 = tpu.memref_slice %arg2[%mul3A_19, %dma_wait3A_34] : memref<2560x128xi32, #tpu.memory_space<hbm>> -> memref<80x128xi32, #tpu.memory_space<hbm>>
      tpu.wait_dma2 semaphore(%run_scoped3A : memref<!tpu.dma_semaphore, #tpu.memory_space<semaphore_mem>>) src(%dma_wait3A_35 : memref<80x128xi32, #tpu.memory_space<hbm>>) dst(%arg4 : memref<80x128xi32, #tpu.memory_space<vmem>>)
      tpu.yield
    }) : () -> ()
    %scan3A_20 = arith.constant 0 : i32
    %scan3A_21 = arith.constant 80 : i32
    %scan3A_22 = arith.addi %scan3A_20, %scan3A_21 : i32
    %scan3A_23 = arith.constant 1 : i32
    scf.for %scan3A_30 = %scan3A_20 to %scan3A_22 step %scan3A_23  : i32 {
      %mul3A_31 = arith.constant 1 : i32
      %mul3A_32 = arith.muli %scan3A_30, %mul3A_31 : i32
      %add3A_33 = arith.constant 0 : i32
      %add3A_34 = arith.addi %add3A_33, %mul3A_32 : i32
      "tpu.region"() ({
        %run_scoped3A = tpu.sem_alloc : memref<!tpu.dma_semaphore, #tpu.memory_space<semaphore_mem>>
        %dma_start3A = arith.constant 0 : i32
        %dma_start3A_35 = tpu.memref_slice %arg4[%add3A_34, %dma_start3A] : memref<80x128xi32, #tpu.memory_space<vmem>> -> memref<1x128xi32, #tpu.memory_space<vmem>>
        %dma_start3A_36 = tpu.memref_squeeze %dma_start3A_35 : memref<1x128xi32, #tpu.memory_space<vmem>> -> memref<128xi32, #tpu.memory_space<vmem>>
        %dma_start3A_37 = arith.constant 0 : i32
        %dma_start3A_38 = arith.constant 0 : i32
        %dma_start3A_39 = tpu.memref_slice %arg6[%dma_start3A_37, %dma_start3A_38] : memref<10240x16xf32, #tpu.memory_space<vmem_shared>> -> memref<10240x16xf32, #tpu.memory_space<vmem_shared>>
        tpu.enqueue_indirect_dma source(%arg5 : memref<128x16xf32, #tpu.memory_space<vmem>>) target(%dma_start3A_39 : memref<10240x16xf32, #tpu.memory_space<vmem_shared>>) offsets(%dma_start3A_36 : memref<128xi32, #tpu.memory_space<vmem>>) semaphore(%run_scoped3A : memref<!tpu.dma_semaphore, #tpu.memory_space<semaphore_mem>>) {add = true}
        %dma_wait3A = arith.constant 0 : i32
        %dma_wait3A_40 = tpu.memref_slice %arg4[%add3A_34, %dma_wait3A] : memref<80x128xi32, #tpu.memory_space<vmem>> -> memref<1x128xi32, #tpu.memory_space<vmem>>
        %dma_wait3A_41 = tpu.memref_squeeze %dma_wait3A_40 : memref<1x128xi32, #tpu.memory_space<vmem>> -> memref<128xi32, #tpu.memory_space<vmem>>
        %dma_wait3A_42 = arith.constant 0 : i32
        %dma_wait3A_43 = arith.constant 0 : i32
        %dma_wait3A_44 = tpu.memref_slice %arg6[%dma_wait3A_42, %dma_wait3A_43] : memref<10240x16xf32, #tpu.memory_space<vmem_shared>> -> memref<10240x16xf32, #tpu.memory_space<vmem_shared>>
        tpu.wait_indirect_dma semaphore(%run_scoped3A : memref<!tpu.dma_semaphore, #tpu.memory_space<semaphore_mem>>) src(%arg5 : memref<128x16xf32, #tpu.memory_space<vmem>>) dst(%dma_wait3A_44 : memref<10240x16xf32, #tpu.memory_space<vmem_shared>>)
        tpu.yield
      }) : () -> ()
    }
    %scan3A_24 = arith.constant 80 : i32
    %barrier3A_25 = arith.constant 0 : index
    tpu.barrier barrier_id(%barrier3A_25)
    %mul3A_26 = arith.constant 640 : i32
    %mul3A_27 = arith.muli %arg1, %mul3A_26 : i32
    %mul3A_28 = arith.constant 640 : i32
    %mul3A_29 = arith.muli %arg1, %mul3A_28 : i32
    "tpu.region"() ({
      %run_scoped3A = tpu.sem_alloc : memref<!tpu.dma_semaphore, #tpu.memory_space<semaphore_mem>>
      %dma_start3A = arith.constant 0 : i32
      %dma_start3A_30 = tpu.memref_slice %arg3[%arg0, %mul3A_29, %dma_start3A] : memref<2x10240x16xf32, #tpu.memory_space<hbm>> -> memref<1x640x16xf32, #tpu.memory_space<hbm>>
      %dma_start3A_31 = tpu.memref_squeeze %dma_start3A_30 : memref<1x640x16xf32, #tpu.memory_space<hbm>> -> memref<640x16xf32, #tpu.memory_space<hbm>>
      %dma_start3A_32 = arith.constant 0 : i32
      %dma_start3A_33 = tpu.memref_slice %arg6[%mul3A_27, %dma_start3A_32] : memref<10240x16xf32, #tpu.memory_space<vmem_shared>> -> memref<640x16xf32, #tpu.memory_space<vmem_shared>>
      tpu.enqueue_dma source(%dma_start3A_33 : memref<640x16xf32, #tpu.memory_space<vmem_shared>>) target(%dma_start3A_31 : memref<640x16xf32, #tpu.memory_space<hbm>>) target_semaphore(%run_scoped3A : memref<!tpu.dma_semaphore, #tpu.memory_space<semaphore_mem>>)
      %dma_wait3A = arith.constant 0 : i32
      %dma_wait3A_34 = tpu.memref_slice %arg3[%arg0, %mul3A_29, %dma_wait3A] : memref<2x10240x16xf32, #tpu.memory_space<hbm>> -> memref<1x640x16xf32, #tpu.memory_space<hbm>>
      %dma_wait3A_35 = tpu.memref_squeeze %dma_wait3A_34 : memref<1x640x16xf32, #tpu.memory_space<hbm>> -> memref<640x16xf32, #tpu.memory_space<hbm>>
      %dma_wait3A_36 = arith.constant 0 : i32
      %dma_wait3A_37 = tpu.memref_slice %arg6[%mul3A_27, %dma_wait3A_36] : memref<10240x16xf32, #tpu.memory_space<vmem_shared>> -> memref<640x16xf32, #tpu.memory_space<vmem_shared>>
      tpu.wait_dma2 semaphore(%run_scoped3A : memref<!tpu.dma_semaphore, #tpu.memory_space<semaphore_mem>>) src(%dma_wait3A_37 : memref<640x16xf32, #tpu.memory_space<vmem_shared>>) dst(%dma_wait3A_35 : memref<640x16xf32, #tpu.memory_space<hbm>>)
      tpu.yield
    }) : () -> ()
    return
  }
}

#map = affine_map<(d0, d1) -> (0, 0)>
#map1 = affine_map<(d0, d1) -> (0, 0, 0)>
module attributes {stable_mosaic.version = 14 : i64} {
  func.func @body(%arg0: i32, %arg1: i32, %arg2: memref<20480x160xf32, #tpu.memory_space<hbm>>, %arg3: memref<2x5120x64xi32, #tpu.memory_space<hbm>>, %arg4: memref<5120x64xi32, #tpu.memory_space<hbm>>, %arg5: memref<2x10240x160xf32, #tpu.memory_space<hbm>>, %arg6: memref<32x64xi32, #tpu.memory_space<vmem>>, %arg7: memref<32x64xi32, #tpu.memory_space<vmem>>, %arg8: memref<64x160xf32, #tpu.memory_space<vmem>>, %arg9: memref<64x160xf32, #tpu.memory_space<vmem>>, %arg10: memref<10240x160xf32, #tpu.memory_space<vmem_shared>>, %arg11: memref<!tpu.dma_semaphore, #tpu.memory_space<semaphore_mem>>, %arg12: memref<!tpu.dma_semaphore, #tpu.memory_space<semaphore_mem>>) attributes {dimension_semantics = [#tpu.dimension_semantics<core_parallel>, #tpu.dimension_semantics<subcore_parallel>], iteration_bounds = array<i64: 2, 16>, scalar_prefetch = 0 : i64, scratch_operands = 7 : i64, tpu.core_type = #tpu.core_type<sc_vector_subcore>, window_params = [{transform_indices = #map}, {transform_indices = #map1}, {transform_indices = #map}, {transform_indices = #map1}]} {
    %broadcast_in_dim3A = arith.constant 0.000000e+00 : f32
    %broadcast_in_dim3A_0 = vector.broadcast %broadcast_in_dim3A : f32 to vector<16xf32>
    %scan3A = arith.constant 0 : i32
    %scan3A_1 = arith.constant 64 : i32
    %scan3A_2 = arith.addi %scan3A, %scan3A_1 : i32
    %scan3A_3 = arith.constant 1 : i32
    scf.for %scan3A_19 = %scan3A to %scan3A_2 step %scan3A_3  : i32 {
      %mul3A_20 = arith.constant 1 : i32
      %mul3A_21 = arith.muli %scan3A_19, %mul3A_20 : i32
      %add3A = arith.constant 0 : i32
      %add3A_22 = arith.addi %add3A, %mul3A_21 : i32
      %scan3A_23 = arith.constant 0 : i32
      %scan3A_24 = arith.constant 10 : i32
      %scan3A_25 = arith.addi %scan3A_23, %scan3A_24 : i32
      %scan3A_26 = arith.constant 1 : i32
      scf.for %scan3A_28 = %scan3A_23 to %scan3A_25 step %scan3A_26  : i32 {
        %mul3A_29 = arith.constant 16 : i32
        %mul3A_30 = arith.muli %scan3A_28, %mul3A_29 : i32
        %add3A_31 = arith.constant 0 : i32
        %add3A_32 = arith.addi %add3A_31, %mul3A_30 : i32
        %swap3A = arith.index_cast %add3A_22 : i32 to index
        %swap3A_33 = arith.index_cast %add3A_32 : i32 to index
        %swap3A_34 = tpu.vector_load %arg8[%swap3A, %swap3A_33] {strides = array<i32>} : memref<64x160xf32, #tpu.memory_space<vmem>>, vector<1x16xf32>,
        %swap3A_35 = vector.shape_cast %swap3A_34 : vector<1x16xf32> to vector<16xf32>
        %swap3A_36 = vector.shape_cast %broadcast_in_dim3A_0 : vector<16xf32> to vector<1x16xf32>
        tpu.vector_store %arg8[%swap3A, %swap3A_33], %swap3A_36 {strides = array<i32>} : memref<64x160xf32, #tpu.memory_space<vmem>>, vector<1x16xf32>,
      }
      %scan3A_27 = arith.constant 10 : i32
    }
    %scan3A_4 = arith.constant 64 : i32
    %scan3A_5 = arith.constant 0 : i32
    %scan3A_6 = arith.constant 10 : i32
    %scan3A_7 = arith.addi %scan3A_5, %scan3A_6 : i32
    %scan3A_8 = arith.constant 1 : i32
    scf.for %scan3A_19 = %scan3A_5 to %scan3A_7 step %scan3A_8  : i32 {
      %mul3A_20 = arith.constant 64 : i32
      %mul3A_21 = arith.muli %scan3A_19, %mul3A_20 : i32
      %add3A = arith.constant 0 : i32
      %add3A_22 = arith.addi %add3A, %mul3A_21 : i32
      %mul3A_23 = arith.constant 640 : i32
      %mul3A_24 = arith.muli %arg1, %mul3A_23 : i32
      %add3A_25 = arith.addi %mul3A_24, %add3A_22 : i32
      "tpu.region"() ({
        %run_scoped3A = tpu.sem_alloc : memref<!tpu.dma_semaphore, #tpu.memory_space<semaphore_mem>>
        %dma_start3A = arith.constant 0 : i32
        %dma_start3A_26 = tpu.memref_slice %arg10[%add3A_25, %dma_start3A] : memref<10240x160xf32, #tpu.memory_space<vmem_shared>> -> memref<64x160xf32, #tpu.memory_space<vmem_shared>>
        %dma_start3A_27 = arith.constant 0 : i32
        %dma_start3A_28 = tpu.memref_slice %arg10[%add3A_25, %dma_start3A_27] : memref<10240x160xf32, #tpu.memory_space<vmem_shared>> -> memref<64x160xf32, #tpu.memory_space<vmem_shared>>
        tpu.enqueue_dma source(%arg8 : memref<64x160xf32, #tpu.memory_space<vmem>>) target(%dma_start3A_28 : memref<64x160xf32, #tpu.memory_space<vmem_shared>>) target_semaphore(%run_scoped3A : memref<!tpu.dma_semaphore, #tpu.memory_space<semaphore_mem>>)
        %dma_wait3A = arith.constant 0 : i32
        %dma_wait3A_29 = tpu.memref_slice %arg10[%add3A_25, %dma_wait3A] : memref<10240x160xf32, #tpu.memory_space<vmem_shared>> -> memref<64x160xf32, #tpu.memory_space<vmem_shared>>
        %dma_wait3A_30 = arith.constant 0 : i32
        %dma_wait3A_31 = tpu.memref_slice %arg10[%add3A_25, %dma_wait3A_30] : memref<10240x160xf32, #tpu.memory_space<vmem_shared>> -> memref<64x160xf32, #tpu.memory_space<vmem_shared>>
        tpu.wait_dma2 semaphore(%run_scoped3A : memref<!tpu.dma_semaphore, #tpu.memory_space<semaphore_mem>>) src(%arg8 : memref<64x160xf32, #tpu.memory_space<vmem>>) dst(%dma_wait3A_31 : memref<64x160xf32, #tpu.memory_space<vmem_shared>>)
        tpu.yield
      }) : () -> ()
    }
    %scan3A_9 = arith.constant 10 : i32
    %barrier3A = arith.constant 0 : index
    tpu.barrier barrier_id(%barrier3A)
    %scan3A_10 = arith.constant 0 : i32
    %scan3A_11 = arith.constant 10 : i32
    %scan3A_12 = arith.addi %scan3A_10, %scan3A_11 : i32
    %scan3A_13 = arith.constant 1 : i32
    scf.for %scan3A_19 = %scan3A_10 to %scan3A_12 step %scan3A_13  : i32 {
      %mul3A_20 = arith.constant 1 : i32
      %mul3A_21 = arith.muli %scan3A_19, %mul3A_20 : i32
      %add3A = arith.constant 0 : i32
      %add3A_22 = arith.addi %add3A, %mul3A_21 : i32
      %mul3A_23 = arith.constant 320 : i32
      %mul3A_24 = arith.muli %arg1, %mul3A_23 : i32
      %mul3A_25 = arith.constant 32 : i32
      %mul3A_26 = arith.muli %add3A_22, %mul3A_25 : i32
      %add3A_27 = arith.addi %mul3A_24, %mul3A_26 : i32
      "tpu.region"() ({
        %run_scoped3A_60 = tpu.sem_alloc : memref<!tpu.dma_semaphore, #tpu.memory_space<semaphore_mem>>
        %dma_start3A_61 = arith.constant 0 : i32
        %dma_start3A_62 = tpu.memref_slice %arg3[%arg0, %add3A_27, %dma_start3A_61] : memref<2x5120x64xi32, #tpu.memory_space<hbm>> -> memref<1x32x64xi32, #tpu.memory_space<hbm>>
        %dma_start3A_63 = tpu.memref_squeeze %dma_start3A_62 : memref<1x32x64xi32, #tpu.memory_space<hbm>> -> memref<32x64xi32, #tpu.memory_space<hbm>>
        %dma_start3A_64 = arith.constant 0 : i32
        %dma_start3A_65 = tpu.memref_slice %arg3[%arg0, %add3A_27, %dma_start3A_64] : memref<2x5120x64xi32, #tpu.memory_space<hbm>> -> memref<1x32x64xi32, #tpu.memory_space<hbm>>
        %dma_start3A_66 = tpu.memref_squeeze %dma_start3A_65 : memref<1x32x64xi32, #tpu.memory_space<hbm>> -> memref<32x64xi32, #tpu.memory_space<hbm>>
        tpu.enqueue_dma source(%dma_start3A_66 : memref<32x64xi32, #tpu.memory_space<hbm>>) target(%arg6 : memref<32x64xi32, #tpu.memory_space<vmem>>) target_semaphore(%run_scoped3A_60 : memref<!tpu.dma_semaphore, #tpu.memory_space<semaphore_mem>>)
        %dma_wait3A_67 = arith.constant 0 : i32
        %dma_wait3A_68 = tpu.memref_slice %arg3[%arg0, %add3A_27, %dma_wait3A_67] : memref<2x5120x64xi32, #tpu.memory_space<hbm>> -> memref<1x32x64xi32, #tpu.memory_space<hbm>>
        %dma_wait3A_69 = tpu.memref_squeeze %dma_wait3A_68 : memref<1x32x64xi32, #tpu.memory_space<hbm>> -> memref<32x64xi32, #tpu.memory_space<hbm>>
        %dma_wait3A_70 = arith.constant 0 : i32
        %dma_wait3A_71 = tpu.memref_slice %arg3[%arg0, %add3A_27, %dma_wait3A_70] : memref<2x5120x64xi32, #tpu.memory_space<hbm>> -> memref<1x32x64xi32, #tpu.memory_space<hbm>>
        %dma_wait3A_72 = tpu.memref_squeeze %dma_wait3A_71 : memref<1x32x64xi32, #tpu.memory_space<hbm>> -> memref<32x64xi32, #tpu.memory_space<hbm>>
        tpu.wait_dma2 semaphore(%run_scoped3A_60 : memref<!tpu.dma_semaphore, #tpu.memory_space<semaphore_mem>>) src(%dma_wait3A_72 : memref<32x64xi32, #tpu.memory_space<hbm>>) dst(%arg6 : memref<32x64xi32, #tpu.memory_space<vmem>>)
        tpu.yield
      }) : () -> ()
      "tpu.region"() ({
        %run_scoped3A_60 = tpu.sem_alloc : memref<!tpu.dma_semaphore, #tpu.memory_space<semaphore_mem>>
        %dma_start3A_61 = arith.constant 0 : i32
        %dma_start3A_62 = tpu.memref_slice %arg4[%add3A_27, %dma_start3A_61] : memref<5120x64xi32, #tpu.memory_space<hbm>> -> memref<32x64xi32, #tpu.memory_space<hbm>>
        %dma_start3A_63 = arith.constant 0 : i32
        %dma_start3A_64 = tpu.memref_slice %arg4[%add3A_27, %dma_start3A_63] : memref<5120x64xi32, #tpu.memory_space<hbm>> -> memref<32x64xi32, #tpu.memory_space<hbm>>
        tpu.enqueue_dma source(%dma_start3A_64 : memref<32x64xi32, #tpu.memory_space<hbm>>) target(%arg7 : memref<32x64xi32, #tpu.memory_space<vmem>>) target_semaphore(%run_scoped3A_60 : memref<!tpu.dma_semaphore, #tpu.memory_space<semaphore_mem>>)
        %dma_wait3A_65 = arith.constant 0 : i32
        %dma_wait3A_66 = tpu.memref_slice %arg4[%add3A_27, %dma_wait3A_65] : memref<5120x64xi32, #tpu.memory_space<hbm>> -> memref<32x64xi32, #tpu.memory_space<hbm>>
        %dma_wait3A_67 = arith.constant 0 : i32
        %dma_wait3A_68 = tpu.memref_slice %arg4[%add3A_27, %dma_wait3A_67] : memref<5120x64xi32, #tpu.memory_space<hbm>> -> memref<32x64xi32, #tpu.memory_space<hbm>>
        tpu.wait_dma2 semaphore(%run_scoped3A_60 : memref<!tpu.dma_semaphore, #tpu.memory_space<semaphore_mem>>) src(%dma_wait3A_68 : memref<32x64xi32, #tpu.memory_space<hbm>>) dst(%arg7 : memref<32x64xi32, #tpu.memory_space<vmem>>)
        tpu.yield
      }) : () -> ()
      %dma_start3A = arith.constant 0 : i32
      %dma_start3A_28 = arith.constant 0 : i32
      %dma_start3A_29 = tpu.memref_slice %arg6[%dma_start3A, %dma_start3A_28] : memref<32x64xi32, #tpu.memory_space<vmem>> -> memref<1x64xi32, #tpu.memory_space<vmem>>
      %dma_start3A_30 = tpu.memref_squeeze %dma_start3A_29 : memref<1x64xi32, #tpu.memory_space<vmem>> -> memref<64xi32, #tpu.memory_space<vmem>>
      %dma_start3A_31 = arith.constant 0 : i32
      %dma_start3A_32 = arith.constant 0 : i32
      %dma_start3A_33 = tpu.memref_slice %arg2[%dma_start3A_31, %dma_start3A_32] : memref<20480x160xf32, #tpu.memory_space<hbm>> -> memref<20480x160xf32, #tpu.memory_space<hbm>>
      tpu.enqueue_indirect_dma source(%dma_start3A_33 : memref<20480x160xf32, #tpu.memory_space<hbm>>) target(%arg8 : memref<64x160xf32, #tpu.memory_space<vmem>>) offsets(%dma_start3A_30 : memref<64xi32, #tpu.memory_space<vmem>>) semaphore(%arg11 : memref<!tpu.dma_semaphore, #tpu.memory_space<semaphore_mem>>)
      %scan3A_34 = arith.constant 0 : i32
      %scan3A_35 = arith.constant 15 : i32
      %scan3A_36 = arith.addi %scan3A_34, %scan3A_35 : i32
      %scan3A_37 = arith.constant 1 : i32
      scf.for %scan3A_60 = %scan3A_34 to %scan3A_36 step %scan3A_37  : i32 {
        %mul3A_61 = arith.constant 2 : i32
        %mul3A_62 = arith.muli %scan3A_60, %mul3A_61 : i32
        %add3A_63 = arith.constant 0 : i32
        %add3A_64 = arith.addi %add3A_63, %mul3A_62 : i32
        %add3A_65 = arith.constant 1 : i32
        %add3A_66 = arith.addi %add3A_64, %add3A_65 : i32
        %dma_start3A_67 = arith.constant 0 : i32
        %dma_start3A_68 = tpu.memref_slice %arg6[%add3A_66, %dma_start3A_67] : memref<32x64xi32, #tpu.memory_space<vmem>> -> memref<1x64xi32, #tpu.memory_space<vmem>>
        %dma_start3A_69 = tpu.memref_squeeze %dma_start3A_68 : memref<1x64xi32, #tpu.memory_space<vmem>> -> memref<64xi32, #tpu.memory_space<vmem>>
        %dma_start3A_70 = arith.constant 0 : i32
        %dma_start3A_71 = arith.constant 0 : i32
        %dma_start3A_72 = tpu.memref_slice %arg2[%dma_start3A_70, %dma_start3A_71] : memref<20480x160xf32, #tpu.memory_space<hbm>> -> memref<20480x160xf32, #tpu.memory_space<hbm>>
        tpu.enqueue_indirect_dma source(%dma_start3A_72 : memref<20480x160xf32, #tpu.memory_space<hbm>>) target(%arg9 : memref<64x160xf32, #tpu.memory_space<vmem>>) offsets(%dma_start3A_69 : memref<64xi32, #tpu.memory_space<vmem>>) semaphore(%arg12 : memref<!tpu.dma_semaphore, #tpu.memory_space<semaphore_mem>>)
        %dma_wait3A_73 = arith.constant 0 : i32
        %dma_wait3A_74 = arith.constant 0 : i32
        %dma_wait3A_75 = tpu.memref_slice %arg6[%dma_wait3A_73, %dma_wait3A_74] : memref<32x64xi32, #tpu.memory_space<vmem>> -> memref<1x64xi32, #tpu.memory_space<vmem>>
        %dma_wait3A_76 = tpu.memref_squeeze %dma_wait3A_75 : memref<1x64xi32, #tpu.memory_space<vmem>> -> memref<64xi32, #tpu.memory_space<vmem>>
        %dma_wait3A_77 = arith.constant 0 : i32
        %dma_wait3A_78 = arith.constant 0 : i32
        %dma_wait3A_79 = tpu.memref_slice %arg2[%dma_wait3A_77, %dma_wait3A_78] : memref<20480x160xf32, #tpu.memory_space<hbm>> -> memref<20480x160xf32, #tpu.memory_space<hbm>>
        tpu.wait_indirect_dma semaphore(%arg11 : memref<!tpu.dma_semaphore, #tpu.memory_space<semaphore_mem>>) src(%dma_wait3A_79 : memref<20480x160xf32, #tpu.memory_space<hbm>>) dst(%arg8 : memref<64x160xf32, #tpu.memory_space<vmem>>)
        "tpu.region"() ({
          %run_scoped3A_97 = tpu.sem_alloc : memref<!tpu.dma_semaphore, #tpu.memory_space<semaphore_mem>>
          %dma_start3A_98 = arith.constant 0 : i32
          %dma_start3A_99 = tpu.memref_slice %arg7[%add3A_64, %dma_start3A_98] : memref<32x64xi32, #tpu.memory_space<vmem>> -> memref<1x64xi32, #tpu.memory_space<vmem>>
          %dma_start3A_100 = tpu.memref_squeeze %dma_start3A_99 : memref<1x64xi32, #tpu.memory_space<vmem>> -> memref<64xi32, #tpu.memory_space<vmem>>
          %dma_start3A_101 = arith.constant 0 : i32
          %dma_start3A_102 = arith.constant 0 : i32
          %dma_start3A_103 = tpu.memref_slice %arg10[%dma_start3A_101, %dma_start3A_102] : memref<10240x160xf32, #tpu.memory_space<vmem_shared>> -> memref<10240x160xf32, #tpu.memory_space<vmem_shared>>
          tpu.enqueue_indirect_dma source(%arg8 : memref<64x160xf32, #tpu.memory_space<vmem>>) target(%dma_start3A_103 : memref<10240x160xf32, #tpu.memory_space<vmem_shared>>) offsets(%dma_start3A_100 : memref<64xi32, #tpu.memory_space<vmem>>) semaphore(%run_scoped3A_97 : memref<!tpu.dma_semaphore, #tpu.memory_space<semaphore_mem>>) {add = true}
          %dma_wait3A_104 = arith.constant 0 : i32
          %dma_wait3A_105 = tpu.memref_slice %arg7[%add3A_64, %dma_wait3A_104] : memref<32x64xi32, #tpu.memory_space<vmem>> -> memref<1x64xi32, #tpu.memory_space<vmem>>
          %dma_wait3A_106 = tpu.memref_squeeze %dma_wait3A_105 : memref<1x64xi32, #tpu.memory_space<vmem>> -> memref<64xi32, #tpu.memory_space<vmem>>
          %dma_wait3A_107 = arith.constant 0 : i32
          %dma_wait3A_108 = arith.constant 0 : i32
          %dma_wait3A_109 = tpu.memref_slice %arg10[%dma_wait3A_107, %dma_wait3A_108] : memref<10240x160xf32, #tpu.memory_space<vmem_shared>> -> memref<10240x160xf32, #tpu.memory_space<vmem_shared>>
          tpu.wait_indirect_dma semaphore(%run_scoped3A_97 : memref<!tpu.dma_semaphore, #tpu.memory_space<semaphore_mem>>) src(%arg8 : memref<64x160xf32, #tpu.memory_space<vmem>>) dst(%dma_wait3A_109 : memref<10240x160xf32, #tpu.memory_space<vmem_shared>>)
          tpu.yield
        }) : () -> ()
        %add3A_80 = arith.constant 2 : i32
        %add3A_81 = arith.addi %add3A_64, %add3A_80 : i32
        %dma_start3A_82 = arith.constant 0 : i32
        %dma_start3A_83 = tpu.memref_slice %arg6[%add3A_81, %dma_start3A_82] : memref<32x64xi32, #tpu.memory_space<vmem>> -> memref<1x64xi32, #tpu.memory_space<vmem>>
        %dma_start3A_84 = tpu.memref_squeeze %dma_start3A_83 : memref<1x64xi32, #tpu.memory_space<vmem>> -> memref<64xi32, #tpu.memory_space<vmem>>
        %dma_start3A_85 = arith.constant 0 : i32
        %dma_start3A_86 = arith.constant 0 : i32
        %dma_start3A_87 = tpu.memref_slice %arg2[%dma_start3A_85, %dma_start3A_86] : memref<20480x160xf32, #tpu.memory_space<hbm>> -> memref<20480x160xf32, #tpu.memory_space<hbm>>
        tpu.enqueue_indirect_dma source(%dma_start3A_87 : memref<20480x160xf32, #tpu.memory_space<hbm>>) target(%arg8 : memref<64x160xf32, #tpu.memory_space<vmem>>) offsets(%dma_start3A_84 : memref<64xi32, #tpu.memory_space<vmem>>) semaphore(%arg11 : memref<!tpu.dma_semaphore, #tpu.memory_space<semaphore_mem>>)
        %dma_wait3A_88 = arith.constant 0 : i32
        %dma_wait3A_89 = arith.constant 0 : i32
        %dma_wait3A_90 = tpu.memref_slice %arg6[%dma_wait3A_88, %dma_wait3A_89] : memref<32x64xi32, #tpu.memory_space<vmem>> -> memref<1x64xi32, #tpu.memory_space<vmem>>
        %dma_wait3A_91 = tpu.memref_squeeze %dma_wait3A_90 : memref<1x64xi32, #tpu.memory_space<vmem>> -> memref<64xi32, #tpu.memory_space<vmem>>
        %dma_wait3A_92 = arith.constant 0 : i32
        %dma_wait3A_93 = arith.constant 0 : i32
        %dma_wait3A_94 = tpu.memref_slice %arg2[%dma_wait3A_92, %dma_wait3A_93] : memref<20480x160xf32, #tpu.memory_space<hbm>> -> memref<20480x160xf32, #tpu.memory_space<hbm>>
        tpu.wait_indirect_dma semaphore(%arg12 : memref<!tpu.dma_semaphore, #tpu.memory_space<semaphore_mem>>) src(%dma_wait3A_94 : memref<20480x160xf32, #tpu.memory_space<hbm>>) dst(%arg9 : memref<64x160xf32, #tpu.memory_space<vmem>>)
        %add3A_95 = arith.constant 1 : i32
        %add3A_96 = arith.addi %add3A_64, %add3A_95 : i32
        "tpu.region"() ({
          %run_scoped3A_97 = tpu.sem_alloc : memref<!tpu.dma_semaphore, #tpu.memory_space<semaphore_mem>>
          %dma_start3A_98 = arith.constant 0 : i32
          %dma_start3A_99 = tpu.memref_slice %arg7[%add3A_96, %dma_start3A_98] : memref<32x64xi32, #tpu.memory_space<vmem>> -> memref<1x64xi32, #tpu.memory_space<vmem>>
          %dma_start3A_100 = tpu.memref_squeeze %dma_start3A_99 : memref<1x64xi32, #tpu.memory_space<vmem>> -> memref<64xi32, #tpu.memory_space<vmem>>
          %dma_start3A_101 = arith.constant 0 : i32
          %dma_start3A_102 = arith.constant 0 : i32
          %dma_start3A_103 = tpu.memref_slice %arg10[%dma_start3A_101, %dma_start3A_102] : memref<10240x160xf32, #tpu.memory_space<vmem_shared>> -> memref<10240x160xf32, #tpu.memory_space<vmem_shared>>
          tpu.enqueue_indirect_dma source(%arg9 : memref<64x160xf32, #tpu.memory_space<vmem>>) target(%dma_start3A_103 : memref<10240x160xf32, #tpu.memory_space<vmem_shared>>) offsets(%dma_start3A_100 : memref<64xi32, #tpu.memory_space<vmem>>) semaphore(%run_scoped3A_97 : memref<!tpu.dma_semaphore, #tpu.memory_space<semaphore_mem>>) {add = true}
          %dma_wait3A_104 = arith.constant 0 : i32
          %dma_wait3A_105 = tpu.memref_slice %arg7[%add3A_96, %dma_wait3A_104] : memref<32x64xi32, #tpu.memory_space<vmem>> -> memref<1x64xi32, #tpu.memory_space<vmem>>
          %dma_wait3A_106 = tpu.memref_squeeze %dma_wait3A_105 : memref<1x64xi32, #tpu.memory_space<vmem>> -> memref<64xi32, #tpu.memory_space<vmem>>
          %dma_wait3A_107 = arith.constant 0 : i32
          %dma_wait3A_108 = arith.constant 0 : i32
          %dma_wait3A_109 = tpu.memref_slice %arg10[%dma_wait3A_107, %dma_wait3A_108] : memref<10240x160xf32, #tpu.memory_space<vmem_shared>> -> memref<10240x160xf32, #tpu.memory_space<vmem_shared>>
          tpu.wait_indirect_dma semaphore(%run_scoped3A_97 : memref<!tpu.dma_semaphore, #tpu.memory_space<semaphore_mem>>) src(%arg9 : memref<64x160xf32, #tpu.memory_space<vmem>>) dst(%dma_wait3A_109 : memref<10240x160xf32, #tpu.memory_space<vmem_shared>>)
          tpu.yield
        }) : () -> ()
      }
      %scan3A_38 = arith.constant 15 : i32
      %dma_start3A_39 = arith.constant 31 : i32
      %dma_start3A_40 = arith.constant 0 : i32
      %dma_start3A_41 = tpu.memref_slice %arg6[%dma_start3A_39, %dma_start3A_40] : memref<32x64xi32, #tpu.memory_space<vmem>> -> memref<1x64xi32, #tpu.memory_space<vmem>>
      %dma_start3A_42 = tpu.memref_squeeze %dma_start3A_41 : memref<1x64xi32, #tpu.memory_space<vmem>> -> memref<64xi32, #tpu.memory_space<vmem>>
      %dma_start3A_43 = arith.constant 0 : i32
      %dma_start3A_44 = arith.constant 0 : i32
      %dma_start3A_45 = tpu.memref_slice %arg2[%dma_start3A_43, %dma_start3A_44] : memref<20480x160xf32, #tpu.memory_space<hbm>> -> memref<20480x160xf32, #tpu.memory_space<hbm>>
      tpu.enqueue_indirect_dma source(%dma_start3A_45 : memref<20480x160xf32, #tpu.memory_space<hbm>>) target(%arg9 : memref<64x160xf32, #tpu.memory_space<vmem>>) offsets(%dma_start3A_42 : memref<64xi32, #tpu.memory_space<vmem>>) semaphore(%arg12 : memref<!tpu.dma_semaphore, #tpu.memory_space<semaphore_mem>>)
      %dma_wait3A = arith.constant 0 : i32
      %dma_wait3A_46 = arith.constant 0 : i32
      %dma_wait3A_47 = tpu.memref_slice %arg6[%dma_wait3A, %dma_wait3A_46] : memref<32x64xi32, #tpu.memory_space<vmem>> -> memref<1x64xi32, #tpu.memory_space<vmem>>
      %dma_wait3A_48 = tpu.memref_squeeze %dma_wait3A_47 : memref<1x64xi32, #tpu.memory_space<vmem>> -> memref<64xi32, #tpu.memory_space<vmem>>
      %dma_wait3A_49 = arith.constant 0 : i32
      %dma_wait3A_50 = arith.constant 0 : i32
      %dma_wait3A_51 = tpu.memref_slice %arg2[%dma_wait3A_49, %dma_wait3A_50] : memref<20480x160xf32, #tpu.memory_space<hbm>> -> memref<20480x160xf32, #tpu.memory_space<hbm>>
      tpu.wait_indirect_dma semaphore(%arg11 : memref<!tpu.dma_semaphore, #tpu.memory_space<semaphore_mem>>) src(%dma_wait3A_51 : memref<20480x160xf32, #tpu.memory_space<hbm>>) dst(%arg8 : memref<64x160xf32, #tpu.memory_space<vmem>>)
      %run_scoped3A = arith.constant 30 : i32
      "tpu.region"() ({
        %run_scoped3A_60 = tpu.sem_alloc : memref<!tpu.dma_semaphore, #tpu.memory_space<semaphore_mem>>
        %dma_start3A_61 = arith.constant 0 : i32
        %dma_start3A_62 = tpu.memref_slice %arg7[%run_scoped3A, %dma_start3A_61] : memref<32x64xi32, #tpu.memory_space<vmem>> -> memref<1x64xi32, #tpu.memory_space<vmem>>
        %dma_start3A_63 = tpu.memref_squeeze %dma_start3A_62 : memref<1x64xi32, #tpu.memory_space<vmem>> -> memref<64xi32, #tpu.memory_space<vmem>>
        %dma_start3A_64 = arith.constant 0 : i32
        %dma_start3A_65 = arith.constant 0 : i32
        %dma_start3A_66 = tpu.memref_slice %arg10[%dma_start3A_64, %dma_start3A_65] : memref<10240x160xf32, #tpu.memory_space<vmem_shared>> -> memref<10240x160xf32, #tpu.memory_space<vmem_shared>>
        tpu.enqueue_indirect_dma source(%arg8 : memref<64x160xf32, #tpu.memory_space<vmem>>) target(%dma_start3A_66 : memref<10240x160xf32, #tpu.memory_space<vmem_shared>>) offsets(%dma_start3A_63 : memref<64xi32, #tpu.memory_space<vmem>>) semaphore(%run_scoped3A_60 : memref<!tpu.dma_semaphore, #tpu.memory_space<semaphore_mem>>) {add = true}
        %dma_wait3A_67 = arith.constant 0 : i32
        %dma_wait3A_68 = tpu.memref_slice %arg7[%run_scoped3A, %dma_wait3A_67] : memref<32x64xi32, #tpu.memory_space<vmem>> -> memref<1x64xi32, #tpu.memory_space<vmem>>
        %dma_wait3A_69 = tpu.memref_squeeze %dma_wait3A_68 : memref<1x64xi32, #tpu.memory_space<vmem>> -> memref<64xi32, #tpu.memory_space<vmem>>
        %dma_wait3A_70 = arith.constant 0 : i32
        %dma_wait3A_71 = arith.constant 0 : i32
        %dma_wait3A_72 = tpu.memref_slice %arg10[%dma_wait3A_70, %dma_wait3A_71] : memref<10240x160xf32, #tpu.memory_space<vmem_shared>> -> memref<10240x160xf32, #tpu.memory_space<vmem_shared>>
        tpu.wait_indirect_dma semaphore(%run_scoped3A_60 : memref<!tpu.dma_semaphore, #tpu.memory_space<semaphore_mem>>) src(%arg8 : memref<64x160xf32, #tpu.memory_space<vmem>>) dst(%dma_wait3A_72 : memref<10240x160xf32, #tpu.memory_space<vmem_shared>>)
        tpu.yield
      }) : () -> ()
      %dma_wait3A_52 = arith.constant 0 : i32
      %dma_wait3A_53 = arith.constant 0 : i32
      %dma_wait3A_54 = tpu.memref_slice %arg6[%dma_wait3A_52, %dma_wait3A_53] : memref<32x64xi32, #tpu.memory_space<vmem>> -> memref<1x64xi32, #tpu.memory_space<vmem>>
      %dma_wait3A_55 = tpu.memref_squeeze %dma_wait3A_54 : memref<1x64xi32, #tpu.memory_space<vmem>> -> memref<64xi32, #tpu.memory_space<vmem>>
      %dma_wait3A_56 = arith.constant 0 : i32
      %dma_wait3A_57 = arith.constant 0 : i32
      %dma_wait3A_58 = tpu.memref_slice %arg2[%dma_wait3A_56, %dma_wait3A_57] : memref<20480x160xf32, #tpu.memory_space<hbm>> -> memref<20480x160xf32, #tpu.memory_space<hbm>>
      tpu.wait_indirect_dma semaphore(%arg12 : memref<!tpu.dma_semaphore, #tpu.memory_space<semaphore_mem>>) src(%dma_wait3A_58 : memref<20480x160xf32, #tpu.memory_space<hbm>>) dst(%arg9 : memref<64x160xf32, #tpu.memory_space<vmem>>)
      %run_scoped3A_59 = arith.constant 31 : i32
      "tpu.region"() ({
        %run_scoped3A_60 = tpu.sem_alloc : memref<!tpu.dma_semaphore, #tpu.memory_space<semaphore_mem>>
        %dma_start3A_61 = arith.constant 0 : i32
        %dma_start3A_62 = tpu.memref_slice %arg7[%run_scoped3A_59, %dma_start3A_61] : memref<32x64xi32, #tpu.memory_space<vmem>> -> memref<1x64xi32, #tpu.memory_space<vmem>>
        %dma_start3A_63 = tpu.memref_squeeze %dma_start3A_62 : memref<1x64xi32, #tpu.memory_space<vmem>> -> memref<64xi32, #tpu.memory_space<vmem>>
        %dma_start3A_64 = arith.constant 0 : i32
        %dma_start3A_65 = arith.constant 0 : i32
        %dma_start3A_66 = tpu.memref_slice %arg10[%dma_start3A_64, %dma_start3A_65] : memref<10240x160xf32, #tpu.memory_space<vmem_shared>> -> memref<10240x160xf32, #tpu.memory_space<vmem_shared>>
        tpu.enqueue_indirect_dma source(%arg9 : memref<64x160xf32, #tpu.memory_space<vmem>>) target(%dma_start3A_66 : memref<10240x160xf32, #tpu.memory_space<vmem_shared>>) offsets(%dma_start3A_63 : memref<64xi32, #tpu.memory_space<vmem>>) semaphore(%run_scoped3A_60 : memref<!tpu.dma_semaphore, #tpu.memory_space<semaphore_mem>>) {add = true}
        %dma_wait3A_67 = arith.constant 0 : i32
        %dma_wait3A_68 = tpu.memref_slice %arg7[%run_scoped3A_59, %dma_wait3A_67] : memref<32x64xi32, #tpu.memory_space<vmem>> -> memref<1x64xi32, #tpu.memory_space<vmem>>
        %dma_wait3A_69 = tpu.memref_squeeze %dma_wait3A_68 : memref<1x64xi32, #tpu.memory_space<vmem>> -> memref<64xi32, #tpu.memory_space<vmem>>
        %dma_wait3A_70 = arith.constant 0 : i32
        %dma_wait3A_71 = arith.constant 0 : i32
        %dma_wait3A_72 = tpu.memref_slice %arg10[%dma_wait3A_70, %dma_wait3A_71] : memref<10240x160xf32, #tpu.memory_space<vmem_shared>> -> memref<10240x160xf32, #tpu.memory_space<vmem_shared>>
        tpu.wait_indirect_dma semaphore(%run_scoped3A_60 : memref<!tpu.dma_semaphore, #tpu.memory_space<semaphore_mem>>) src(%arg9 : memref<64x160xf32, #tpu.memory_space<vmem>>) dst(%dma_wait3A_72 : memref<10240x160xf32, #tpu.memory_space<vmem_shared>>)
        tpu.yield
      }) : () -> ()
    }
    %scan3A_14 = arith.constant 10 : i32
    %barrier3A_15 = arith.constant 0 : index
    tpu.barrier barrier_id(%barrier3A_15)
    %mul3A = arith.constant 640 : i32
    %mul3A_16 = arith.muli %arg1, %mul3A : i32
    %mul3A_17 = arith.constant 640 : i32
    %mul3A_18 = arith.muli %arg1, %mul3A_17 : i32
    "tpu.region"() ({
      %run_scoped3A = tpu.sem_alloc : memref<!tpu.dma_semaphore, #tpu.memory_space<semaphore_mem>>
      %dma_start3A = arith.constant 0 : i32
      %dma_start3A_19 = tpu.memref_slice %arg5[%arg0, %mul3A_18, %dma_start3A] : memref<2x10240x160xf32, #tpu.memory_space<hbm>> -> memref<1x640x160xf32, #tpu.memory_space<hbm>>
      %dma_start3A_20 = tpu.memref_squeeze %dma_start3A_19 : memref<1x640x160xf32, #tpu.memory_space<hbm>> -> memref<640x160xf32, #tpu.memory_space<hbm>>
      %dma_start3A_21 = arith.constant 0 : i32
      %dma_start3A_22 = tpu.memref_slice %arg10[%mul3A_16, %dma_start3A_21] : memref<10240x160xf32, #tpu.memory_space<vmem_shared>> -> memref<640x160xf32, #tpu.memory_space<vmem_shared>>
      tpu.enqueue_dma source(%dma_start3A_22 : memref<640x160xf32, #tpu.memory_space<vmem_shared>>) target(%dma_start3A_20 : memref<640x160xf32, #tpu.memory_space<hbm>>) target_semaphore(%run_scoped3A : memref<!tpu.dma_semaphore, #tpu.memory_space<semaphore_mem>>)
      %dma_wait3A = arith.constant 0 : i32
      %dma_wait3A_23 = tpu.memref_slice %arg5[%arg0, %mul3A_18, %dma_wait3A] : memref<2x10240x160xf32, #tpu.memory_space<hbm>> -> memref<1x640x160xf32, #tpu.memory_space<hbm>>
      %dma_wait3A_24 = tpu.memref_squeeze %dma_wait3A_23 : memref<1x640x160xf32, #tpu.memory_space<hbm>> -> memref<640x160xf32, #tpu.memory_space<hbm>>
      %dma_wait3A_25 = arith.constant 0 : i32
      %dma_wait3A_26 = tpu.memref_slice %arg10[%mul3A_16, %dma_wait3A_25] : memref<10240x160xf32, #tpu.memory_space<vmem_shared>> -> memref<640x160xf32, #tpu.memory_space<vmem_shared>>
      tpu.wait_dma2 semaphore(%run_scoped3A : memref<!tpu.dma_semaphore, #tpu.memory_space<semaphore_mem>>) src(%dma_wait3A_26 : memref<640x160xf32, #tpu.memory_space<vmem_shared>>) dst(%dma_wait3A_24 : memref<640x160xf32, #tpu.memory_space<hbm>>)
      tpu.yield
    }) : () -> ()
    return
  }
}

#map = affine_map<(d0, d1) -> (0, 0)>
#map1 = affine_map<(d0, d1) -> (0, 0, 0)>
module attributes {stable_mosaic.version = 14 : i64} {
  func.func @body(%arg0: i32, %arg1: i32, %arg2: memref<20480x128xf32, #tpu.memory_space<hbm>>, %arg3: memref<2x2560x128xi32, #tpu.memory_space<hbm>>, %arg4: memref<2560x128xi32, #tpu.memory_space<hbm>>, %arg5: memref<2x10240x128xf32, #tpu.memory_space<hbm>>, %arg6: memref<16x128xi32, #tpu.memory_space<vmem>>, %arg7: memref<16x128xi32, #tpu.memory_space<vmem>>, %arg8: memref<128x128xf32, #tpu.memory_space<vmem>>, %arg9: memref<128x128xf32, #tpu.memory_space<vmem>>, %arg10: memref<10240x128xf32, #tpu.memory_space<vmem_shared>>, %arg11: memref<!tpu.dma_semaphore, #tpu.memory_space<semaphore_mem>>, %arg12: memref<!tpu.dma_semaphore, #tpu.memory_space<semaphore_mem>>) attributes {dimension_semantics = [#tpu.dimension_semantics<core_parallel>, #tpu.dimension_semantics<subcore_parallel>], iteration_bounds = array<i64: 2, 16>, scalar_prefetch = 0 : i64, scratch_operands = 7 : i64, tpu.core_type = #tpu.core_type<sc_vector_subcore>, window_params = [{transform_indices = #map}, {transform_indices = #map1}, {transform_indices = #map}, {transform_indices = #map1}]} {
    %broadcast_in_dim3A = arith.constant 0.000000e+00 : f32
    %broadcast_in_dim3A_0 = vector.broadcast %broadcast_in_dim3A : f32 to vector<16xf32>
    %scan3A = arith.constant 0 : i32
    %scan3A_1 = arith.constant 128 : i32
    %scan3A_2 = arith.addi %scan3A, %scan3A_1 : i32
    %scan3A_3 = arith.constant 1 : i32
    scf.for %scan3A_19 = %scan3A to %scan3A_2 step %scan3A_3  : i32 {
      %mul3A_20 = arith.constant 1 : i32
      %mul3A_21 = arith.muli %scan3A_19, %mul3A_20 : i32
      %add3A = arith.constant 0 : i32
      %add3A_22 = arith.addi %add3A, %mul3A_21 : i32
      %scan3A_23 = arith.constant 0 : i32
      %scan3A_24 = arith.constant 8 : i32
      %scan3A_25 = arith.addi %scan3A_23, %scan3A_24 : i32
      %scan3A_26 = arith.constant 1 : i32
      scf.for %scan3A_28 = %scan3A_23 to %scan3A_25 step %scan3A_26  : i32 {
        %mul3A_29 = arith.constant 16 : i32
        %mul3A_30 = arith.muli %scan3A_28, %mul3A_29 : i32
        %add3A_31 = arith.constant 0 : i32
        %add3A_32 = arith.addi %add3A_31, %mul3A_30 : i32
        %swap3A = arith.index_cast %add3A_22 : i32 to index
        %swap3A_33 = arith.index_cast %add3A_32 : i32 to index
        %swap3A_34 = tpu.vector_load %arg8[%swap3A, %swap3A_33] {strides = array<i32>} : memref<128x128xf32, #tpu.memory_space<vmem>>, vector<1x16xf32>,
        %swap3A_35 = vector.shape_cast %swap3A_34 : vector<1x16xf32> to vector<16xf32>
        %swap3A_36 = vector.shape_cast %broadcast_in_dim3A_0 : vector<16xf32> to vector<1x16xf32>
        tpu.vector_store %arg8[%swap3A, %swap3A_33], %swap3A_36 {strides = array<i32>} : memref<128x128xf32, #tpu.memory_space<vmem>>, vector<1x16xf32>,
      }
      %scan3A_27 = arith.constant 8 : i32
    }
    %scan3A_4 = arith.constant 128 : i32
    %scan3A_5 = arith.constant 0 : i32
    %scan3A_6 = arith.constant 5 : i32
    %scan3A_7 = arith.addi %scan3A_5, %scan3A_6 : i32
    %scan3A_8 = arith.constant 1 : i32
    scf.for %scan3A_19 = %scan3A_5 to %scan3A_7 step %scan3A_8  : i32 {
      %mul3A_20 = arith.constant 128 : i32
      %mul3A_21 = arith.muli %scan3A_19, %mul3A_20 : i32
      %add3A = arith.constant 0 : i32
      %add3A_22 = arith.addi %add3A, %mul3A_21 : i32
      %mul3A_23 = arith.constant 640 : i32
      %mul3A_24 = arith.muli %arg1, %mul3A_23 : i32
      %add3A_25 = arith.addi %mul3A_24, %add3A_22 : i32
      "tpu.region"() ({
        %run_scoped3A = tpu.sem_alloc : memref<!tpu.dma_semaphore, #tpu.memory_space<semaphore_mem>>
        %dma_start3A = arith.constant 0 : i32
        %dma_start3A_26 = tpu.memref_slice %arg10[%add3A_25, %dma_start3A] : memref<10240x128xf32, #tpu.memory_space<vmem_shared>> -> memref<128x128xf32, #tpu.memory_space<vmem_shared>>
        %dma_start3A_27 = arith.constant 0 : i32
        %dma_start3A_28 = tpu.memref_slice %arg10[%add3A_25, %dma_start3A_27] : memref<10240x128xf32, #tpu.memory_space<vmem_shared>> -> memref<128x128xf32, #tpu.memory_space<vmem_shared>>
        tpu.enqueue_dma source(%arg8 : memref<128x128xf32, #tpu.memory_space<vmem>>) target(%dma_start3A_28 : memref<128x128xf32, #tpu.memory_space<vmem_shared>>) target_semaphore(%run_scoped3A : memref<!tpu.dma_semaphore, #tpu.memory_space<semaphore_mem>>)
        %dma_wait3A = arith.constant 0 : i32
        %dma_wait3A_29 = tpu.memref_slice %arg10[%add3A_25, %dma_wait3A] : memref<10240x128xf32, #tpu.memory_space<vmem_shared>> -> memref<128x128xf32, #tpu.memory_space<vmem_shared>>
        %dma_wait3A_30 = arith.constant 0 : i32
        %dma_wait3A_31 = tpu.memref_slice %arg10[%add3A_25, %dma_wait3A_30] : memref<10240x128xf32, #tpu.memory_space<vmem_shared>> -> memref<128x128xf32, #tpu.memory_space<vmem_shared>>
        tpu.wait_dma2 semaphore(%run_scoped3A : memref<!tpu.dma_semaphore, #tpu.memory_space<semaphore_mem>>) src(%arg8 : memref<128x128xf32, #tpu.memory_space<vmem>>) dst(%dma_wait3A_31 : memref<128x128xf32, #tpu.memory_space<vmem_shared>>)
        tpu.yield
      }) : () -> ()
    }
    %scan3A_9 = arith.constant 5 : i32
    %barrier3A = arith.constant 0 : index
    tpu.barrier barrier_id(%barrier3A)
    %scan3A_10 = arith.constant 0 : i32
    %scan3A_11 = arith.constant 10 : i32
    %scan3A_12 = arith.addi %scan3A_10, %scan3A_11 : i32
    %scan3A_13 = arith.constant 1 : i32
    scf.for %scan3A_19 = %scan3A_10 to %scan3A_12 step %scan3A_13  : i32 {
      %mul3A_20 = arith.constant 1 : i32
      %mul3A_21 = arith.muli %scan3A_19, %mul3A_20 : i32
      %add3A = arith.constant 0 : i32
      %add3A_22 = arith.addi %add3A, %mul3A_21 : i32
      %mul3A_23 = arith.constant 160 : i32
      %mul3A_24 = arith.muli %arg1, %mul3A_23 : i32
      %mul3A_25 = arith.constant 16 : i32
      %mul3A_26 = arith.muli %add3A_22, %mul3A_25 : i32
      %add3A_27 = arith.addi %mul3A_24, %mul3A_26 : i32
      "tpu.region"() ({
        %run_scoped3A_60 = tpu.sem_alloc : memref<!tpu.dma_semaphore, #tpu.memory_space<semaphore_mem>>
        %dma_start3A_61 = arith.constant 0 : i32
        %dma_start3A_62 = tpu.memref_slice %arg3[%arg0, %add3A_27, %dma_start3A_61] : memref<2x2560x128xi32, #tpu.memory_space<hbm>> -> memref<1x16x128xi32, #tpu.memory_space<hbm>>
        %dma_start3A_63 = tpu.memref_squeeze %dma_start3A_62 : memref<1x16x128xi32, #tpu.memory_space<hbm>> -> memref<16x128xi32, #tpu.memory_space<hbm>>
        %dma_start3A_64 = arith.constant 0 : i32
        %dma_start3A_65 = tpu.memref_slice %arg3[%arg0, %add3A_27, %dma_start3A_64] : memref<2x2560x128xi32, #tpu.memory_space<hbm>> -> memref<1x16x128xi32, #tpu.memory_space<hbm>>
        %dma_start3A_66 = tpu.memref_squeeze %dma_start3A_65 : memref<1x16x128xi32, #tpu.memory_space<hbm>> -> memref<16x128xi32, #tpu.memory_space<hbm>>
        tpu.enqueue_dma source(%dma_start3A_66 : memref<16x128xi32, #tpu.memory_space<hbm>>) target(%arg6 : memref<16x128xi32, #tpu.memory_space<vmem>>) target_semaphore(%run_scoped3A_60 : memref<!tpu.dma_semaphore, #tpu.memory_space<semaphore_mem>>)
        %dma_wait3A_67 = arith.constant 0 : i32
        %dma_wait3A_68 = tpu.memref_slice %arg3[%arg0, %add3A_27, %dma_wait3A_67] : memref<2x2560x128xi32, #tpu.memory_space<hbm>> -> memref<1x16x128xi32, #tpu.memory_space<hbm>>
        %dma_wait3A_69 = tpu.memref_squeeze %dma_wait3A_68 : memref<1x16x128xi32, #tpu.memory_space<hbm>> -> memref<16x128xi32, #tpu.memory_space<hbm>>
        %dma_wait3A_70 = arith.constant 0 : i32
        %dma_wait3A_71 = tpu.memref_slice %arg3[%arg0, %add3A_27, %dma_wait3A_70] : memref<2x2560x128xi32, #tpu.memory_space<hbm>> -> memref<1x16x128xi32, #tpu.memory_space<hbm>>
        %dma_wait3A_72 = tpu.memref_squeeze %dma_wait3A_71 : memref<1x16x128xi32, #tpu.memory_space<hbm>> -> memref<16x128xi32, #tpu.memory_space<hbm>>
        tpu.wait_dma2 semaphore(%run_scoped3A_60 : memref<!tpu.dma_semaphore, #tpu.memory_space<semaphore_mem>>) src(%dma_wait3A_72 : memref<16x128xi32, #tpu.memory_space<hbm>>) dst(%arg6 : memref<16x128xi32, #tpu.memory_space<vmem>>)
        tpu.yield
      }) : () -> ()
      "tpu.region"() ({
        %run_scoped3A_60 = tpu.sem_alloc : memref<!tpu.dma_semaphore, #tpu.memory_space<semaphore_mem>>
        %dma_start3A_61 = arith.constant 0 : i32
        %dma_start3A_62 = tpu.memref_slice %arg4[%add3A_27, %dma_start3A_61] : memref<2560x128xi32, #tpu.memory_space<hbm>> -> memref<16x128xi32, #tpu.memory_space<hbm>>
        %dma_start3A_63 = arith.constant 0 : i32
        %dma_start3A_64 = tpu.memref_slice %arg4[%add3A_27, %dma_start3A_63] : memref<2560x128xi32, #tpu.memory_space<hbm>> -> memref<16x128xi32, #tpu.memory_space<hbm>>
        tpu.enqueue_dma source(%dma_start3A_64 : memref<16x128xi32, #tpu.memory_space<hbm>>) target(%arg7 : memref<16x128xi32, #tpu.memory_space<vmem>>) target_semaphore(%run_scoped3A_60 : memref<!tpu.dma_semaphore, #tpu.memory_space<semaphore_mem>>)
        %dma_wait3A_65 = arith.constant 0 : i32
        %dma_wait3A_66 = tpu.memref_slice %arg4[%add3A_27, %dma_wait3A_65] : memref<2560x128xi32, #tpu.memory_space<hbm>> -> memref<16x128xi32, #tpu.memory_space<hbm>>
        %dma_wait3A_67 = arith.constant 0 : i32
        %dma_wait3A_68 = tpu.memref_slice %arg4[%add3A_27, %dma_wait3A_67] : memref<2560x128xi32, #tpu.memory_space<hbm>> -> memref<16x128xi32, #tpu.memory_space<hbm>>
        tpu.wait_dma2 semaphore(%run_scoped3A_60 : memref<!tpu.dma_semaphore, #tpu.memory_space<semaphore_mem>>) src(%dma_wait3A_68 : memref<16x128xi32, #tpu.memory_space<hbm>>) dst(%arg7 : memref<16x128xi32, #tpu.memory_space<vmem>>)
        tpu.yield
      }) : () -> ()
      %dma_start3A = arith.constant 0 : i32
      %dma_start3A_28 = arith.constant 0 : i32
      %dma_start3A_29 = tpu.memref_slice %arg6[%dma_start3A, %dma_start3A_28] : memref<16x128xi32, #tpu.memory_space<vmem>> -> memref<1x128xi32, #tpu.memory_space<vmem>>
      %dma_start3A_30 = tpu.memref_squeeze %dma_start3A_29 : memref<1x128xi32, #tpu.memory_space<vmem>> -> memref<128xi32, #tpu.memory_space<vmem>>
      %dma_start3A_31 = arith.constant 0 : i32
      %dma_start3A_32 = arith.constant 0 : i32
      %dma_start3A_33 = tpu.memref_slice %arg2[%dma_start3A_31, %dma_start3A_32] : memref<20480x128xf32, #tpu.memory_space<hbm>> -> memref<20480x128xf32, #tpu.memory_space<hbm>>
      tpu.enqueue_indirect_dma source(%dma_start3A_33 : memref<20480x128xf32, #tpu.memory_space<hbm>>) target(%arg8 : memref<128x128xf32, #tpu.memory_space<vmem>>) offsets(%dma_start3A_30 : memref<128xi32, #tpu.memory_space<vmem>>) semaphore(%arg11 : memref<!tpu.dma_semaphore, #tpu.memory_space<semaphore_mem>>)
      %scan3A_34 = arith.constant 0 : i32
      %scan3A_35 = arith.constant 7 : i32
      %scan3A_36 = arith.addi %scan3A_34, %scan3A_35 : i32
      %scan3A_37 = arith.constant 1 : i32
      scf.for %scan3A_60 = %scan3A_34 to %scan3A_36 step %scan3A_37  : i32 {
        %mul3A_61 = arith.constant 2 : i32
        %mul3A_62 = arith.muli %scan3A_60, %mul3A_61 : i32
        %add3A_63 = arith.constant 0 : i32
        %add3A_64 = arith.addi %add3A_63, %mul3A_62 : i32
        %add3A_65 = arith.constant 1 : i32
        %add3A_66 = arith.addi %add3A_64, %add3A_65 : i32
        %dma_start3A_67 = arith.constant 0 : i32
        %dma_start3A_68 = tpu.memref_slice %arg6[%add3A_66, %dma_start3A_67] : memref<16x128xi32, #tpu.memory_space<vmem>> -> memref<1x128xi32, #tpu.memory_space<vmem>>
        %dma_start3A_69 = tpu.memref_squeeze %dma_start3A_68 : memref<1x128xi32, #tpu.memory_space<vmem>> -> memref<128xi32, #tpu.memory_space<vmem>>
        %dma_start3A_70 = arith.constant 0 : i32
        %dma_start3A_71 = arith.constant 0 : i32
        %dma_start3A_72 = tpu.memref_slice %arg2[%dma_start3A_70, %dma_start3A_71] : memref<20480x128xf32, #tpu.memory_space<hbm>> -> memref<20480x128xf32, #tpu.memory_space<hbm>>
        tpu.enqueue_indirect_dma source(%dma_start3A_72 : memref<20480x128xf32, #tpu.memory_space<hbm>>) target(%arg9 : memref<128x128xf32, #tpu.memory_space<vmem>>) offsets(%dma_start3A_69 : memref<128xi32, #tpu.memory_space<vmem>>) semaphore(%arg12 : memref<!tpu.dma_semaphore, #tpu.memory_space<semaphore_mem>>)
        %dma_wait3A_73 = arith.constant 0 : i32
        %dma_wait3A_74 = arith.constant 0 : i32
        %dma_wait3A_75 = tpu.memref_slice %arg6[%dma_wait3A_73, %dma_wait3A_74] : memref<16x128xi32, #tpu.memory_space<vmem>> -> memref<1x128xi32, #tpu.memory_space<vmem>>
        %dma_wait3A_76 = tpu.memref_squeeze %dma_wait3A_75 : memref<1x128xi32, #tpu.memory_space<vmem>> -> memref<128xi32, #tpu.memory_space<vmem>>
        %dma_wait3A_77 = arith.constant 0 : i32
        %dma_wait3A_78 = arith.constant 0 : i32
        %dma_wait3A_79 = tpu.memref_slice %arg2[%dma_wait3A_77, %dma_wait3A_78] : memref<20480x128xf32, #tpu.memory_space<hbm>> -> memref<20480x128xf32, #tpu.memory_space<hbm>>
        tpu.wait_indirect_dma semaphore(%arg11 : memref<!tpu.dma_semaphore, #tpu.memory_space<semaphore_mem>>) src(%dma_wait3A_79 : memref<20480x128xf32, #tpu.memory_space<hbm>>) dst(%arg8 : memref<128x128xf32, #tpu.memory_space<vmem>>)
        "tpu.region"() ({
          %run_scoped3A_97 = tpu.sem_alloc : memref<!tpu.dma_semaphore, #tpu.memory_space<semaphore_mem>>
          %dma_start3A_98 = arith.constant 0 : i32
          %dma_start3A_99 = tpu.memref_slice %arg7[%add3A_64, %dma_start3A_98] : memref<16x128xi32, #tpu.memory_space<vmem>> -> memref<1x128xi32, #tpu.memory_space<vmem>>
          %dma_start3A_100 = tpu.memref_squeeze %dma_start3A_99 : memref<1x128xi32, #tpu.memory_space<vmem>> -> memref<128xi32, #tpu.memory_space<vmem>>
          %dma_start3A_101 = arith.constant 0 : i32
          %dma_start3A_102 = arith.constant 0 : i32
          %dma_start3A_103 = tpu.memref_slice %arg10[%dma_start3A_101, %dma_start3A_102] : memref<10240x128xf32, #tpu.memory_space<vmem_shared>> -> memref<10240x128xf32, #tpu.memory_space<vmem_shared>>
          tpu.enqueue_indirect_dma source(%arg8 : memref<128x128xf32, #tpu.memory_space<vmem>>) target(%dma_start3A_103 : memref<10240x128xf32, #tpu.memory_space<vmem_shared>>) offsets(%dma_start3A_100 : memref<128xi32, #tpu.memory_space<vmem>>) semaphore(%run_scoped3A_97 : memref<!tpu.dma_semaphore, #tpu.memory_space<semaphore_mem>>) {add = true}
          %dma_wait3A_104 = arith.constant 0 : i32
          %dma_wait3A_105 = tpu.memref_slice %arg7[%add3A_64, %dma_wait3A_104] : memref<16x128xi32, #tpu.memory_space<vmem>> -> memref<1x128xi32, #tpu.memory_space<vmem>>
          %dma_wait3A_106 = tpu.memref_squeeze %dma_wait3A_105 : memref<1x128xi32, #tpu.memory_space<vmem>> -> memref<128xi32, #tpu.memory_space<vmem>>
          %dma_wait3A_107 = arith.constant 0 : i32
          %dma_wait3A_108 = arith.constant 0 : i32
          %dma_wait3A_109 = tpu.memref_slice %arg10[%dma_wait3A_107, %dma_wait3A_108] : memref<10240x128xf32, #tpu.memory_space<vmem_shared>> -> memref<10240x128xf32, #tpu.memory_space<vmem_shared>>
          tpu.wait_indirect_dma semaphore(%run_scoped3A_97 : memref<!tpu.dma_semaphore, #tpu.memory_space<semaphore_mem>>) src(%arg8 : memref<128x128xf32, #tpu.memory_space<vmem>>) dst(%dma_wait3A_109 : memref<10240x128xf32, #tpu.memory_space<vmem_shared>>)
          tpu.yield
        }) : () -> ()
        %add3A_80 = arith.constant 2 : i32
        %add3A_81 = arith.addi %add3A_64, %add3A_80 : i32
        %dma_start3A_82 = arith.constant 0 : i32
        %dma_start3A_83 = tpu.memref_slice %arg6[%add3A_81, %dma_start3A_82] : memref<16x128xi32, #tpu.memory_space<vmem>> -> memref<1x128xi32, #tpu.memory_space<vmem>>
        %dma_start3A_84 = tpu.memref_squeeze %dma_start3A_83 : memref<1x128xi32, #tpu.memory_space<vmem>> -> memref<128xi32, #tpu.memory_space<vmem>>
        %dma_start3A_85 = arith.constant 0 : i32
        %dma_start3A_86 = arith.constant 0 : i32
        %dma_start3A_87 = tpu.memref_slice %arg2[%dma_start3A_85, %dma_start3A_86] : memref<20480x128xf32, #tpu.memory_space<hbm>> -> memref<20480x128xf32, #tpu.memory_space<hbm>>
        tpu.enqueue_indirect_dma source(%dma_start3A_87 : memref<20480x128xf32, #tpu.memory_space<hbm>>) target(%arg8 : memref<128x128xf32, #tpu.memory_space<vmem>>) offsets(%dma_start3A_84 : memref<128xi32, #tpu.memory_space<vmem>>) semaphore(%arg11 : memref<!tpu.dma_semaphore, #tpu.memory_space<semaphore_mem>>)
        %dma_wait3A_88 = arith.constant 0 : i32
        %dma_wait3A_89 = arith.constant 0 : i32
        %dma_wait3A_90 = tpu.memref_slice %arg6[%dma_wait3A_88, %dma_wait3A_89] : memref<16x128xi32, #tpu.memory_space<vmem>> -> memref<1x128xi32, #tpu.memory_space<vmem>>
        %dma_wait3A_91 = tpu.memref_squeeze %dma_wait3A_90 : memref<1x128xi32, #tpu.memory_space<vmem>> -> memref<128xi32, #tpu.memory_space<vmem>>
        %dma_wait3A_92 = arith.constant 0 : i32
        %dma_wait3A_93 = arith.constant 0 : i32
        %dma_wait3A_94 = tpu.memref_slice %arg2[%dma_wait3A_92, %dma_wait3A_93] : memref<20480x128xf32, #tpu.memory_space<hbm>> -> memref<20480x128xf32, #tpu.memory_space<hbm>>
        tpu.wait_indirect_dma semaphore(%arg12 : memref<!tpu.dma_semaphore, #tpu.memory_space<semaphore_mem>>) src(%dma_wait3A_94 : memref<20480x128xf32, #tpu.memory_space<hbm>>) dst(%arg9 : memref<128x128xf32, #tpu.memory_space<vmem>>)
        %add3A_95 = arith.constant 1 : i32
        %add3A_96 = arith.addi %add3A_64, %add3A_95 : i32
        "tpu.region"() ({
          %run_scoped3A_97 = tpu.sem_alloc : memref<!tpu.dma_semaphore, #tpu.memory_space<semaphore_mem>>
          %dma_start3A_98 = arith.constant 0 : i32
          %dma_start3A_99 = tpu.memref_slice %arg7[%add3A_96, %dma_start3A_98] : memref<16x128xi32, #tpu.memory_space<vmem>> -> memref<1x128xi32, #tpu.memory_space<vmem>>
          %dma_start3A_100 = tpu.memref_squeeze %dma_start3A_99 : memref<1x128xi32, #tpu.memory_space<vmem>> -> memref<128xi32, #tpu.memory_space<vmem>>
          %dma_start3A_101 = arith.constant 0 : i32
          %dma_start3A_102 = arith.constant 0 : i32
          %dma_start3A_103 = tpu.memref_slice %arg10[%dma_start3A_101, %dma_start3A_102] : memref<10240x128xf32, #tpu.memory_space<vmem_shared>> -> memref<10240x128xf32, #tpu.memory_space<vmem_shared>>
          tpu.enqueue_indirect_dma source(%arg9 : memref<128x128xf32, #tpu.memory_space<vmem>>) target(%dma_start3A_103 : memref<10240x128xf32, #tpu.memory_space<vmem_shared>>) offsets(%dma_start3A_100 : memref<128xi32, #tpu.memory_space<vmem>>) semaphore(%run_scoped3A_97 : memref<!tpu.dma_semaphore, #tpu.memory_space<semaphore_mem>>) {add = true}
          %dma_wait3A_104 = arith.constant 0 : i32
          %dma_wait3A_105 = tpu.memref_slice %arg7[%add3A_96, %dma_wait3A_104] : memref<16x128xi32, #tpu.memory_space<vmem>> -> memref<1x128xi32, #tpu.memory_space<vmem>>
          %dma_wait3A_106 = tpu.memref_squeeze %dma_wait3A_105 : memref<1x128xi32, #tpu.memory_space<vmem>> -> memref<128xi32, #tpu.memory_space<vmem>>
          %dma_wait3A_107 = arith.constant 0 : i32
          %dma_wait3A_108 = arith.constant 0 : i32
          %dma_wait3A_109 = tpu.memref_slice %arg10[%dma_wait3A_107, %dma_wait3A_108] : memref<10240x128xf32, #tpu.memory_space<vmem_shared>> -> memref<10240x128xf32, #tpu.memory_space<vmem_shared>>
          tpu.wait_indirect_dma semaphore(%run_scoped3A_97 : memref<!tpu.dma_semaphore, #tpu.memory_space<semaphore_mem>>) src(%arg9 : memref<128x128xf32, #tpu.memory_space<vmem>>) dst(%dma_wait3A_109 : memref<10240x128xf32, #tpu.memory_space<vmem_shared>>)
          tpu.yield
        }) : () -> ()
      }
      %scan3A_38 = arith.constant 7 : i32
      %dma_start3A_39 = arith.constant 15 : i32
      %dma_start3A_40 = arith.constant 0 : i32
      %dma_start3A_41 = tpu.memref_slice %arg6[%dma_start3A_39, %dma_start3A_40] : memref<16x128xi32, #tpu.memory_space<vmem>> -> memref<1x128xi32, #tpu.memory_space<vmem>>
      %dma_start3A_42 = tpu.memref_squeeze %dma_start3A_41 : memref<1x128xi32, #tpu.memory_space<vmem>> -> memref<128xi32, #tpu.memory_space<vmem>>
      %dma_start3A_43 = arith.constant 0 : i32
      %dma_start3A_44 = arith.constant 0 : i32
      %dma_start3A_45 = tpu.memref_slice %arg2[%dma_start3A_43, %dma_start3A_44] : memref<20480x128xf32, #tpu.memory_space<hbm>> -> memref<20480x128xf32, #tpu.memory_space<hbm>>
      tpu.enqueue_indirect_dma source(%dma_start3A_45 : memref<20480x128xf32, #tpu.memory_space<hbm>>) target(%arg9 : memref<128x128xf32, #tpu.memory_space<vmem>>) offsets(%dma_start3A_42 : memref<128xi32, #tpu.memory_space<vmem>>) semaphore(%arg12 : memref<!tpu.dma_semaphore, #tpu.memory_space<semaphore_mem>>)
      %dma_wait3A = arith.constant 0 : i32
      %dma_wait3A_46 = arith.constant 0 : i32
      %dma_wait3A_47 = tpu.memref_slice %arg6[%dma_wait3A, %dma_wait3A_46] : memref<16x128xi32, #tpu.memory_space<vmem>> -> memref<1x128xi32, #tpu.memory_space<vmem>>
      %dma_wait3A_48 = tpu.memref_squeeze %dma_wait3A_47 : memref<1x128xi32, #tpu.memory_space<vmem>> -> memref<128xi32, #tpu.memory_space<vmem>>
      %dma_wait3A_49 = arith.constant 0 : i32
      %dma_wait3A_50 = arith.constant 0 : i32
      %dma_wait3A_51 = tpu.memref_slice %arg2[%dma_wait3A_49, %dma_wait3A_50] : memref<20480x128xf32, #tpu.memory_space<hbm>> -> memref<20480x128xf32, #tpu.memory_space<hbm>>
      tpu.wait_indirect_dma semaphore(%arg11 : memref<!tpu.dma_semaphore, #tpu.memory_space<semaphore_mem>>) src(%dma_wait3A_51 : memref<20480x128xf32, #tpu.memory_space<hbm>>) dst(%arg8 : memref<128x128xf32, #tpu.memory_space<vmem>>)
      %run_scoped3A = arith.constant 14 : i32
      "tpu.region"() ({
        %run_scoped3A_60 = tpu.sem_alloc : memref<!tpu.dma_semaphore, #tpu.memory_space<semaphore_mem>>
        %dma_start3A_61 = arith.constant 0 : i32
        %dma_start3A_62 = tpu.memref_slice %arg7[%run_scoped3A, %dma_start3A_61] : memref<16x128xi32, #tpu.memory_space<vmem>> -> memref<1x128xi32, #tpu.memory_space<vmem>>
        %dma_start3A_63 = tpu.memref_squeeze %dma_start3A_62 : memref<1x128xi32, #tpu.memory_space<vmem>> -> memref<128xi32, #tpu.memory_space<vmem>>
        %dma_start3A_64 = arith.constant 0 : i32
        %dma_start3A_65 = arith.constant 0 : i32
        %dma_start3A_66 = tpu.memref_slice %arg10[%dma_start3A_64, %dma_start3A_65] : memref<10240x128xf32, #tpu.memory_space<vmem_shared>> -> memref<10240x128xf32, #tpu.memory_space<vmem_shared>>
        tpu.enqueue_indirect_dma source(%arg8 : memref<128x128xf32, #tpu.memory_space<vmem>>) target(%dma_start3A_66 : memref<10240x128xf32, #tpu.memory_space<vmem_shared>>) offsets(%dma_start3A_63 : memref<128xi32, #tpu.memory_space<vmem>>) semaphore(%run_scoped3A_60 : memref<!tpu.dma_semaphore, #tpu.memory_space<semaphore_mem>>) {add = true}
        %dma_wait3A_67 = arith.constant 0 : i32
        %dma_wait3A_68 = tpu.memref_slice %arg7[%run_scoped3A, %dma_wait3A_67] : memref<16x128xi32, #tpu.memory_space<vmem>> -> memref<1x128xi32, #tpu.memory_space<vmem>>
        %dma_wait3A_69 = tpu.memref_squeeze %dma_wait3A_68 : memref<1x128xi32, #tpu.memory_space<vmem>> -> memref<128xi32, #tpu.memory_space<vmem>>
        %dma_wait3A_70 = arith.constant 0 : i32
        %dma_wait3A_71 = arith.constant 0 : i32
        %dma_wait3A_72 = tpu.memref_slice %arg10[%dma_wait3A_70, %dma_wait3A_71] : memref<10240x128xf32, #tpu.memory_space<vmem_shared>> -> memref<10240x128xf32, #tpu.memory_space<vmem_shared>>
        tpu.wait_indirect_dma semaphore(%run_scoped3A_60 : memref<!tpu.dma_semaphore, #tpu.memory_space<semaphore_mem>>) src(%arg8 : memref<128x128xf32, #tpu.memory_space<vmem>>) dst(%dma_wait3A_72 : memref<10240x128xf32, #tpu.memory_space<vmem_shared>>)
        tpu.yield
      }) : () -> ()
      %dma_wait3A_52 = arith.constant 0 : i32
      %dma_wait3A_53 = arith.constant 0 : i32
      %dma_wait3A_54 = tpu.memref_slice %arg6[%dma_wait3A_52, %dma_wait3A_53] : memref<16x128xi32, #tpu.memory_space<vmem>> -> memref<1x128xi32, #tpu.memory_space<vmem>>
      %dma_wait3A_55 = tpu.memref_squeeze %dma_wait3A_54 : memref<1x128xi32, #tpu.memory_space<vmem>> -> memref<128xi32, #tpu.memory_space<vmem>>
      %dma_wait3A_56 = arith.constant 0 : i32
      %dma_wait3A_57 = arith.constant 0 : i32
      %dma_wait3A_58 = tpu.memref_slice %arg2[%dma_wait3A_56, %dma_wait3A_57] : memref<20480x128xf32, #tpu.memory_space<hbm>> -> memref<20480x128xf32, #tpu.memory_space<hbm>>
      tpu.wait_indirect_dma semaphore(%arg12 : memref<!tpu.dma_semaphore, #tpu.memory_space<semaphore_mem>>) src(%dma_wait3A_58 : memref<20480x128xf32, #tpu.memory_space<hbm>>) dst(%arg9 : memref<128x128xf32, #tpu.memory_space<vmem>>)
      %run_scoped3A_59 = arith.constant 15 : i32
      "tpu.region"() ({
        %run_scoped3A_60 = tpu.sem_alloc : memref<!tpu.dma_semaphore, #tpu.memory_space<semaphore_mem>>
        %dma_start3A_61 = arith.constant 0 : i32
        %dma_start3A_62 = tpu.memref_slice %arg7[%run_scoped3A_59, %dma_start3A_61] : memref<16x128xi32, #tpu.memory_space<vmem>> -> memref<1x128xi32, #tpu.memory_space<vmem>>
        %dma_start3A_63 = tpu.memref_squeeze %dma_start3A_62 : memref<1x128xi32, #tpu.memory_space<vmem>> -> memref<128xi32, #tpu.memory_space<vmem>>
        %dma_start3A_64 = arith.constant 0 : i32
        %dma_start3A_65 = arith.constant 0 : i32
        %dma_start3A_66 = tpu.memref_slice %arg10[%dma_start3A_64, %dma_start3A_65] : memref<10240x128xf32, #tpu.memory_space<vmem_shared>> -> memref<10240x128xf32, #tpu.memory_space<vmem_shared>>
        tpu.enqueue_indirect_dma source(%arg9 : memref<128x128xf32, #tpu.memory_space<vmem>>) target(%dma_start3A_66 : memref<10240x128xf32, #tpu.memory_space<vmem_shared>>) offsets(%dma_start3A_63 : memref<128xi32, #tpu.memory_space<vmem>>) semaphore(%run_scoped3A_60 : memref<!tpu.dma_semaphore, #tpu.memory_space<semaphore_mem>>) {add = true}
        %dma_wait3A_67 = arith.constant 0 : i32
        %dma_wait3A_68 = tpu.memref_slice %arg7[%run_scoped3A_59, %dma_wait3A_67] : memref<16x128xi32, #tpu.memory_space<vmem>> -> memref<1x128xi32, #tpu.memory_space<vmem>>
        %dma_wait3A_69 = tpu.memref_squeeze %dma_wait3A_68 : memref<1x128xi32, #tpu.memory_space<vmem>> -> memref<128xi32, #tpu.memory_space<vmem>>
        %dma_wait3A_70 = arith.constant 0 : i32
        %dma_wait3A_71 = arith.constant 0 : i32
        %dma_wait3A_72 = tpu.memref_slice %arg10[%dma_wait3A_70, %dma_wait3A_71] : memref<10240x128xf32, #tpu.memory_space<vmem_shared>> -> memref<10240x128xf32, #tpu.memory_space<vmem_shared>>
        tpu.wait_indirect_dma semaphore(%run_scoped3A_60 : memref<!tpu.dma_semaphore, #tpu.memory_space<semaphore_mem>>) src(%arg9 : memref<128x128xf32, #tpu.memory_space<vmem>>) dst(%dma_wait3A_72 : memref<10240x128xf32, #tpu.memory_space<vmem_shared>>)
        tpu.yield
      }) : () -> ()
    }
    %scan3A_14 = arith.constant 10 : i32
    %barrier3A_15 = arith.constant 0 : index
    tpu.barrier barrier_id(%barrier3A_15)
    %mul3A = arith.constant 640 : i32
    %mul3A_16 = arith.muli %arg1, %mul3A : i32
    %mul3A_17 = arith.constant 640 : i32
    %mul3A_18 = arith.muli %arg1, %mul3A_17 : i32
    "tpu.region"() ({
      %run_scoped3A = tpu.sem_alloc : memref<!tpu.dma_semaphore, #tpu.memory_space<semaphore_mem>>
      %dma_start3A = arith.constant 0 : i32
      %dma_start3A_19 = tpu.memref_slice %arg5[%arg0, %mul3A_18, %dma_start3A] : memref<2x10240x128xf32, #tpu.memory_space<hbm>> -> memref<1x640x128xf32, #tpu.memory_space<hbm>>
      %dma_start3A_20 = tpu.memref_squeeze %dma_start3A_19 : memref<1x640x128xf32, #tpu.memory_space<hbm>> -> memref<640x128xf32, #tpu.memory_space<hbm>>
      %dma_start3A_21 = arith.constant 0 : i32
      %dma_start3A_22 = tpu.memref_slice %arg10[%mul3A_16, %dma_start3A_21] : memref<10240x128xf32, #tpu.memory_space<vmem_shared>> -> memref<640x128xf32, #tpu.memory_space<vmem_shared>>
      tpu.enqueue_dma source(%dma_start3A_22 : memref<640x128xf32, #tpu.memory_space<vmem_shared>>) target(%dma_start3A_20 : memref<640x128xf32, #tpu.memory_space<hbm>>) target_semaphore(%run_scoped3A : memref<!tpu.dma_semaphore, #tpu.memory_space<semaphore_mem>>)
      %dma_wait3A = arith.constant 0 : i32
      %dma_wait3A_23 = tpu.memref_slice %arg5[%arg0, %mul3A_18, %dma_wait3A] : memref<2x10240x128xf32, #tpu.memory_space<hbm>> -> memref<1x640x128xf32, #tpu.memory_space<hbm>>
      %dma_wait3A_24 = tpu.memref_squeeze %dma_wait3A_23 : memref<1x640x128xf32, #tpu.memory_space<hbm>> -> memref<640x128xf32, #tpu.memory_space<hbm>>
      %dma_wait3A_25 = arith.constant 0 : i32
      %dma_wait3A_26 = tpu.memref_slice %arg10[%mul3A_16, %dma_wait3A_25] : memref<10240x128xf32, #tpu.memory_space<vmem_shared>> -> memref<640x128xf32, #tpu.memory_space<vmem_shared>>
      tpu.wait_dma2 semaphore(%run_scoped3A : memref<!tpu.dma_semaphore, #tpu.memory_space<semaphore_mem>>) src(%dma_wait3A_26 : memref<640x128xf32, #tpu.memory_space<vmem_shared>>) dst(%dma_wait3A_24 : memref<640x128xf32, #tpu.memory_space<hbm>>)
      tpu.yield
    }) : () -> ()
    return
  }
}

#map = affine_map<(d0, d1) -> (0, 0)>
#map1 = affine_map<(d0, d1) -> (0, 0, 0)>
module attributes {stable_mosaic.version = 14 : i64} {
  func.func @body(%arg0: i32, %arg1: i32, %arg2: memref<20480x160xf32, #tpu.memory_space<hbm>>, %arg3: memref<2x5120x64xi32, #tpu.memory_space<hbm>>, %arg4: memref<5120x64xi32, #tpu.memory_space<hbm>>, %arg5: memref<2x10240x160xf32, #tpu.memory_space<hbm>>, %arg6: memref<32x64xi32, #tpu.memory_space<vmem>>, %arg7: memref<32x64xi32, #tpu.memory_space<vmem>>, %arg8: memref<64x160xf32, #tpu.memory_space<vmem>>, %arg9: memref<64x160xf32, #tpu.memory_space<vmem>>, %arg10: memref<10240x160xf32, #tpu.memory_space<vmem_shared>>, %arg11: memref<!tpu.dma_semaphore, #tpu.memory_space<semaphore_mem>>, %arg12: memref<!tpu.dma_semaphore, #tpu.memory_space<semaphore_mem>>) attributes {dimension_semantics = [#tpu.dimension_semantics<core_parallel>, #tpu.dimension_semantics<subcore_parallel>], iteration_bounds = array<i64: 2, 16>, scalar_prefetch = 0 : i64, scratch_operands = 7 : i64, tpu.core_type = #tpu.core_type<sc_vector_subcore>, window_params = [{transform_indices = #map}, {transform_indices = #map1}, {transform_indices = #map}, {transform_indices = #map1}]} {
    %broadcast_in_dim3A = arith.constant 0.000000e+00 : f32
    %broadcast_in_dim3A_0 = vector.broadcast %broadcast_in_dim3A : f32 to vector<16xf32>
    %scan3A = arith.constant 0 : i32
    %scan3A_1 = arith.constant 64 : i32
    %scan3A_2 = arith.addi %scan3A, %scan3A_1 : i32
    %scan3A_3 = arith.constant 1 : i32
    scf.for %scan3A_19 = %scan3A to %scan3A_2 step %scan3A_3  : i32 {
      %mul3A_20 = arith.constant 1 : i32
      %mul3A_21 = arith.muli %scan3A_19, %mul3A_20 : i32
      %add3A = arith.constant 0 : i32
      %add3A_22 = arith.addi %add3A, %mul3A_21 : i32
      %scan3A_23 = arith.constant 0 : i32
      %scan3A_24 = arith.constant 10 : i32
      %scan3A_25 = arith.addi %scan3A_23, %scan3A_24 : i32
      %scan3A_26 = arith.constant 1 : i32
      scf.for %scan3A_28 = %scan3A_23 to %scan3A_25 step %scan3A_26  : i32 {
        %mul3A_29 = arith.constant 16 : i32
        %mul3A_30 = arith.muli %scan3A_28, %mul3A_29 : i32
        %add3A_31 = arith.constant 0 : i32
        %add3A_32 = arith.addi %add3A_31, %mul3A_30 : i32
        %swap3A = arith.index_cast %add3A_22 : i32 to index
        %swap3A_33 = arith.index_cast %add3A_32 : i32 to index
        %swap3A_34 = tpu.vector_load %arg8[%swap3A, %swap3A_33] {strides = array<i32>} : memref<64x160xf32, #tpu.memory_space<vmem>>, vector<1x16xf32>,
        %swap3A_35 = vector.shape_cast %swap3A_34 : vector<1x16xf32> to vector<16xf32>
        %swap3A_36 = vector.shape_cast %broadcast_in_dim3A_0 : vector<16xf32> to vector<1x16xf32>
        tpu.vector_store %arg8[%swap3A, %swap3A_33], %swap3A_36 {strides = array<i32>} : memref<64x160xf32, #tpu.memory_space<vmem>>, vector<1x16xf32>,
      }
      %scan3A_27 = arith.constant 10 : i32
    }
    %scan3A_4 = arith.constant 64 : i32
    %scan3A_5 = arith.constant 0 : i32
    %scan3A_6 = arith.constant 10 : i32
    %scan3A_7 = arith.addi %scan3A_5, %scan3A_6 : i32
    %scan3A_8 = arith.constant 1 : i32
    scf.for %scan3A_19 = %scan3A_5 to %scan3A_7 step %scan3A_8  : i32 {
      %mul3A_20 = arith.constant 64 : i32
      %mul3A_21 = arith.muli %scan3A_19, %mul3A_20 : i32
      %add3A = arith.constant 0 : i32
      %add3A_22 = arith.addi %add3A, %mul3A_21 : i32
      %mul3A_23 = arith.constant 640 : i32
      %mul3A_24 = arith.muli %arg1, %mul3A_23 : i32
      %add3A_25 = arith.addi %mul3A_24, %add3A_22 : i32
      "tpu.region"() ({
        %run_scoped3A = tpu.sem_alloc : memref<!tpu.dma_semaphore, #tpu.memory_space<semaphore_mem>>
        %dma_start3A = arith.constant 0 : i32
        %dma_start3A_26 = tpu.memref_slice %arg10[%add3A_25, %dma_start3A] : memref<10240x160xf32, #tpu.memory_space<vmem_shared>> -> memref<64x160xf32, #tpu.memory_space<vmem_shared>>
        %dma_start3A_27 = arith.constant 0 : i32
        %dma_start3A_28 = tpu.memref_slice %arg10[%add3A_25, %dma_start3A_27] : memref<10240x160xf32, #tpu.memory_space<vmem_shared>> -> memref<64x160xf32, #tpu.memory_space<vmem_shared>>
        tpu.enqueue_dma source(%arg8 : memref<64x160xf32, #tpu.memory_space<vmem>>) target(%dma_start3A_28 : memref<64x160xf32, #tpu.memory_space<vmem_shared>>) target_semaphore(%run_scoped3A : memref<!tpu.dma_semaphore, #tpu.memory_space<semaphore_mem>>)
        %dma_wait3A = arith.constant 0 : i32
        %dma_wait3A_29 = tpu.memref_slice %arg10[%add3A_25, %dma_wait3A] : memref<10240x160xf32, #tpu.memory_space<vmem_shared>> -> memref<64x160xf32, #tpu.memory_space<vmem_shared>>
        %dma_wait3A_30 = arith.constant 0 : i32
        %dma_wait3A_31 = tpu.memref_slice %arg10[%add3A_25, %dma_wait3A_30] : memref<10240x160xf32, #tpu.memory_space<vmem_shared>> -> memref<64x160xf32, #tpu.memory_space<vmem_shared>>
        tpu.wait_dma2 semaphore(%run_scoped3A : memref<!tpu.dma_semaphore, #tpu.memory_space<semaphore_mem>>) src(%arg8 : memref<64x160xf32, #tpu.memory_space<vmem>>) dst(%dma_wait3A_31 : memref<64x160xf32, #tpu.memory_space<vmem_shared>>)
        tpu.yield
      }) : () -> ()
    }
    %scan3A_9 = arith.constant 10 : i32
    %barrier3A = arith.constant 0 : index
    tpu.barrier barrier_id(%barrier3A)
    %scan3A_10 = arith.constant 0 : i32
    %scan3A_11 = arith.constant 10 : i32
    %scan3A_12 = arith.addi %scan3A_10, %scan3A_11 : i32
    %scan3A_13 = arith.constant 1 : i32
    scf.for %scan3A_19 = %scan3A_10 to %scan3A_12 step %scan3A_13  : i32 {
      %mul3A_20 = arith.constant 1 : i32
      %mul3A_21 = arith.muli %scan3A_19, %mul3A_20 : i32
      %add3A = arith.constant 0 : i32
      %add3A_22 = arith.addi %add3A, %mul3A_21 : i32
      %mul3A_23 = arith.constant 320 : i32
      %mul3A_24 = arith.muli %arg1, %mul3A_23 : i32
      %mul3A_25 = arith.constant 32 : i32
      %mul3A_26 = arith.muli %add3A_22, %mul3A_25 : i32
      %add3A_27 = arith.addi %mul3A_24, %mul3A_26 : i32
      "tpu.region"() ({
        %run_scoped3A_60 = tpu.sem_alloc : memref<!tpu.dma_semaphore, #tpu.memory_space<semaphore_mem>>
        %dma_start3A_61 = arith.constant 0 : i32
        %dma_start3A_62 = tpu.memref_slice %arg3[%arg0, %add3A_27, %dma_start3A_61] : memref<2x5120x64xi32, #tpu.memory_space<hbm>> -> memref<1x32x64xi32, #tpu.memory_space<hbm>>
        %dma_start3A_63 = tpu.memref_squeeze %dma_start3A_62 : memref<1x32x64xi32, #tpu.memory_space<hbm>> -> memref<32x64xi32, #tpu.memory_space<hbm>>
        %dma_start3A_64 = arith.constant 0 : i32
        %dma_start3A_65 = tpu.memref_slice %arg3[%arg0, %add3A_27, %dma_start3A_64] : memref<2x5120x64xi32, #tpu.memory_space<hbm>> -> memref<1x32x64xi32, #tpu.memory_space<hbm>>
        %dma_start3A_66 = tpu.memref_squeeze %dma_start3A_65 : memref<1x32x64xi32, #tpu.memory_space<hbm>> -> memref<32x64xi32, #tpu.memory_space<hbm>>
        tpu.enqueue_dma source(%dma_start3A_66 : memref<32x64xi32, #tpu.memory_space<hbm>>) target(%arg6 : memref<32x64xi32, #tpu.memory_space<vmem>>) target_semaphore(%run_scoped3A_60 : memref<!tpu.dma_semaphore, #tpu.memory_space<semaphore_mem>>)
        %dma_wait3A_67 = arith.constant 0 : i32
        %dma_wait3A_68 = tpu.memref_slice %arg3[%arg0, %add3A_27, %dma_wait3A_67] : memref<2x5120x64xi32, #tpu.memory_space<hbm>> -> memref<1x32x64xi32, #tpu.memory_space<hbm>>
        %dma_wait3A_69 = tpu.memref_squeeze %dma_wait3A_68 : memref<1x32x64xi32, #tpu.memory_space<hbm>> -> memref<32x64xi32, #tpu.memory_space<hbm>>
        %dma_wait3A_70 = arith.constant 0 : i32
        %dma_wait3A_71 = tpu.memref_slice %arg3[%arg0, %add3A_27, %dma_wait3A_70] : memref<2x5120x64xi32, #tpu.memory_space<hbm>> -> memref<1x32x64xi32, #tpu.memory_space<hbm>>
        %dma_wait3A_72 = tpu.memref_squeeze %dma_wait3A_71 : memref<1x32x64xi32, #tpu.memory_space<hbm>> -> memref<32x64xi32, #tpu.memory_space<hbm>>
        tpu.wait_dma2 semaphore(%run_scoped3A_60 : memref<!tpu.dma_semaphore, #tpu.memory_space<semaphore_mem>>) src(%dma_wait3A_72 : memref<32x64xi32, #tpu.memory_space<hbm>>) dst(%arg6 : memref<32x64xi32, #tpu.memory_space<vmem>>)
        tpu.yield
      }) : () -> ()
      "tpu.region"() ({
        %run_scoped3A_60 = tpu.sem_alloc : memref<!tpu.dma_semaphore, #tpu.memory_space<semaphore_mem>>
        %dma_start3A_61 = arith.constant 0 : i32
        %dma_start3A_62 = tpu.memref_slice %arg4[%add3A_27, %dma_start3A_61] : memref<5120x64xi32, #tpu.memory_space<hbm>> -> memref<32x64xi32, #tpu.memory_space<hbm>>
        %dma_start3A_63 = arith.constant 0 : i32
        %dma_start3A_64 = tpu.memref_slice %arg4[%add3A_27, %dma_start3A_63] : memref<5120x64xi32, #tpu.memory_space<hbm>> -> memref<32x64xi32, #tpu.memory_space<hbm>>
        tpu.enqueue_dma source(%dma_start3A_64 : memref<32x64xi32, #tpu.memory_space<hbm>>) target(%arg7 : memref<32x64xi32, #tpu.memory_space<vmem>>) target_semaphore(%run_scoped3A_60 : memref<!tpu.dma_semaphore, #tpu.memory_space<semaphore_mem>>)
        %dma_wait3A_65 = arith.constant 0 : i32
        %dma_wait3A_66 = tpu.memref_slice %arg4[%add3A_27, %dma_wait3A_65] : memref<5120x64xi32, #tpu.memory_space<hbm>> -> memref<32x64xi32, #tpu.memory_space<hbm>>
        %dma_wait3A_67 = arith.constant 0 : i32
        %dma_wait3A_68 = tpu.memref_slice %arg4[%add3A_27, %dma_wait3A_67] : memref<5120x64xi32, #tpu.memory_space<hbm>> -> memref<32x64xi32, #tpu.memory_space<hbm>>
        tpu.wait_dma2 semaphore(%run_scoped3A_60 : memref<!tpu.dma_semaphore, #tpu.memory_space<semaphore_mem>>) src(%dma_wait3A_68 : memref<32x64xi32, #tpu.memory_space<hbm>>) dst(%arg7 : memref<32x64xi32, #tpu.memory_space<vmem>>)
        tpu.yield
      }) : () -> ()
      %dma_start3A = arith.constant 0 : i32
      %dma_start3A_28 = arith.constant 0 : i32
      %dma_start3A_29 = tpu.memref_slice %arg6[%dma_start3A, %dma_start3A_28] : memref<32x64xi32, #tpu.memory_space<vmem>> -> memref<1x64xi32, #tpu.memory_space<vmem>>
      %dma_start3A_30 = tpu.memref_squeeze %dma_start3A_29 : memref<1x64xi32, #tpu.memory_space<vmem>> -> memref<64xi32, #tpu.memory_space<vmem>>
      %dma_start3A_31 = arith.constant 0 : i32
      %dma_start3A_32 = arith.constant 0 : i32
      %dma_start3A_33 = tpu.memref_slice %arg2[%dma_start3A_31, %dma_start3A_32] : memref<20480x160xf32, #tpu.memory_space<hbm>> -> memref<20480x160xf32, #tpu.memory_space<hbm>>
      tpu.enqueue_indirect_dma source(%dma_start3A_33 : memref<20480x160xf32, #tpu.memory_space<hbm>>) target(%arg8 : memref<64x160xf32, #tpu.memory_space<vmem>>) offsets(%dma_start3A_30 : memref<64xi32, #tpu.memory_space<vmem>>) semaphore(%arg11 : memref<!tpu.dma_semaphore, #tpu.memory_space<semaphore_mem>>)
      %scan3A_34 = arith.constant 0 : i32
      %scan3A_35 = arith.constant 15 : i32
      %scan3A_36 = arith.addi %scan3A_34, %scan3A_35 : i32
      %scan3A_37 = arith.constant 1 : i32
      scf.for %scan3A_60 = %scan3A_34 to %scan3A_36 step %scan3A_37  : i32 {
        %mul3A_61 = arith.constant 2 : i32
        %mul3A_62 = arith.muli %scan3A_60, %mul3A_61 : i32
        %add3A_63 = arith.constant 0 : i32
        %add3A_64 = arith.addi %add3A_63, %mul3A_62 : i32
        %add3A_65 = arith.constant 1 : i32
        %add3A_66 = arith.addi %add3A_64, %add3A_65 : i32
        %dma_start3A_67 = arith.constant 0 : i32
        %dma_start3A_68 = tpu.memref_slice %arg6[%add3A_66, %dma_start3A_67] : memref<32x64xi32, #tpu.memory_space<vmem>> -> memref<1x64xi32, #tpu.memory_space<vmem>>
        %dma_start3A_69 = tpu.memref_squeeze %dma_start3A_68 : memref<1x64xi32, #tpu.memory_space<vmem>> -> memref<64xi32, #tpu.memory_space<vmem>>
        %dma_start3A_70 = arith.constant 0 : i32
        %dma_start3A_71 = arith.constant 0 : i32
        %dma_start3A_72 = tpu.memref_slice %arg2[%dma_start3A_70, %dma_start3A_71] : memref<20480x160xf32, #tpu.memory_space<hbm>> -> memref<20480x160xf32, #tpu.memory_space<hbm>>
        tpu.enqueue_indirect_dma source(%dma_start3A_72 : memref<20480x160xf32, #tpu.memory_space<hbm>>) target(%arg9 : memref<64x160xf32, #tpu.memory_space<vmem>>) offsets(%dma_start3A_69 : memref<64xi32, #tpu.memory_space<vmem>>) semaphore(%arg12 : memref<!tpu.dma_semaphore, #tpu.memory_space<semaphore_mem>>)
        %dma_wait3A_73 = arith.constant 0 : i32
        %dma_wait3A_74 = arith.constant 0 : i32
        %dma_wait3A_75 = tpu.memref_slice %arg6[%dma_wait3A_73, %dma_wait3A_74] : memref<32x64xi32, #tpu.memory_space<vmem>> -> memref<1x64xi32, #tpu.memory_space<vmem>>
        %dma_wait3A_76 = tpu.memref_squeeze %dma_wait3A_75 : memref<1x64xi32, #tpu.memory_space<vmem>> -> memref<64xi32, #tpu.memory_space<vmem>>
        %dma_wait3A_77 = arith.constant 0 : i32
        %dma_wait3A_78 = arith.constant 0 : i32
        %dma_wait3A_79 = tpu.memref_slice %arg2[%dma_wait3A_77, %dma_wait3A_78] : memref<20480x160xf32, #tpu.memory_space<hbm>> -> memref<20480x160xf32, #tpu.memory_space<hbm>>
        tpu.wait_indirect_dma semaphore(%arg11 : memref<!tpu.dma_semaphore, #tpu.memory_space<semaphore_mem>>) src(%dma_wait3A_79 : memref<20480x160xf32, #tpu.memory_space<hbm>>) dst(%arg8 : memref<64x160xf32, #tpu.memory_space<vmem>>)
        "tpu.region"() ({
          %run_scoped3A_97 = tpu.sem_alloc : memref<!tpu.dma_semaphore, #tpu.memory_space<semaphore_mem>>
          %dma_start3A_98 = arith.constant 0 : i32
          %dma_start3A_99 = tpu.memref_slice %arg7[%add3A_64, %dma_start3A_98] : memref<32x64xi32, #tpu.memory_space<vmem>> -> memref<1x64xi32, #tpu.memory_space<vmem>>
          %dma_start3A_100 = tpu.memref_squeeze %dma_start3A_99 : memref<1x64xi32, #tpu.memory_space<vmem>> -> memref<64xi32, #tpu.memory_space<vmem>>
          %dma_start3A_101 = arith.constant 0 : i32
          %dma_start3A_102 = arith.constant 0 : i32
          %dma_start3A_103 = tpu.memref_slice %arg10[%dma_start3A_101, %dma_start3A_102] : memref<10240x160xf32, #tpu.memory_space<vmem_shared>> -> memref<10240x160xf32, #tpu.memory_space<vmem_shared>>
          tpu.enqueue_indirect_dma source(%arg8 : memref<64x160xf32, #tpu.memory_space<vmem>>) target(%dma_start3A_103 : memref<10240x160xf32, #tpu.memory_space<vmem_shared>>) offsets(%dma_start3A_100 : memref<64xi32, #tpu.memory_space<vmem>>) semaphore(%run_scoped3A_97 : memref<!tpu.dma_semaphore, #tpu.memory_space<semaphore_mem>>) {add = true}
          %dma_wait3A_104 = arith.constant 0 : i32
          %dma_wait3A_105 = tpu.memref_slice %arg7[%add3A_64, %dma_wait3A_104] : memref<32x64xi32, #tpu.memory_space<vmem>> -> memref<1x64xi32, #tpu.memory_space<vmem>>
          %dma_wait3A_106 = tpu.memref_squeeze %dma_wait3A_105 : memref<1x64xi32, #tpu.memory_space<vmem>> -> memref<64xi32, #tpu.memory_space<vmem>>
          %dma_wait3A_107 = arith.constant 0 : i32
          %dma_wait3A_108 = arith.constant 0 : i32
          %dma_wait3A_109 = tpu.memref_slice %arg10[%dma_wait3A_107, %dma_wait3A_108] : memref<10240x160xf32, #tpu.memory_space<vmem_shared>> -> memref<10240x160xf32, #tpu.memory_space<vmem_shared>>
          tpu.wait_indirect_dma semaphore(%run_scoped3A_97 : memref<!tpu.dma_semaphore, #tpu.memory_space<semaphore_mem>>) src(%arg8 : memref<64x160xf32, #tpu.memory_space<vmem>>) dst(%dma_wait3A_109 : memref<10240x160xf32, #tpu.memory_space<vmem_shared>>)
          tpu.yield
        }) : () -> ()
        %add3A_80 = arith.constant 2 : i32
        %add3A_81 = arith.addi %add3A_64, %add3A_80 : i32
        %dma_start3A_82 = arith.constant 0 : i32
        %dma_start3A_83 = tpu.memref_slice %arg6[%add3A_81, %dma_start3A_82] : memref<32x64xi32, #tpu.memory_space<vmem>> -> memref<1x64xi32, #tpu.memory_space<vmem>>
        %dma_start3A_84 = tpu.memref_squeeze %dma_start3A_83 : memref<1x64xi32, #tpu.memory_space<vmem>> -> memref<64xi32, #tpu.memory_space<vmem>>
        %dma_start3A_85 = arith.constant 0 : i32
        %dma_start3A_86 = arith.constant 0 : i32
        %dma_start3A_87 = tpu.memref_slice %arg2[%dma_start3A_85, %dma_start3A_86] : memref<20480x160xf32, #tpu.memory_space<hbm>> -> memref<20480x160xf32, #tpu.memory_space<hbm>>
        tpu.enqueue_indirect_dma source(%dma_start3A_87 : memref<20480x160xf32, #tpu.memory_space<hbm>>) target(%arg8 : memref<64x160xf32, #tpu.memory_space<vmem>>) offsets(%dma_start3A_84 : memref<64xi32, #tpu.memory_space<vmem>>) semaphore(%arg11 : memref<!tpu.dma_semaphore, #tpu.memory_space<semaphore_mem>>)
        %dma_wait3A_88 = arith.constant 0 : i32
        %dma_wait3A_89 = arith.constant 0 : i32
        %dma_wait3A_90 = tpu.memref_slice %arg6[%dma_wait3A_88, %dma_wait3A_89] : memref<32x64xi32, #tpu.memory_space<vmem>> -> memref<1x64xi32, #tpu.memory_space<vmem>>
        %dma_wait3A_91 = tpu.memref_squeeze %dma_wait3A_90 : memref<1x64xi32, #tpu.memory_space<vmem>> -> memref<64xi32, #tpu.memory_space<vmem>>
        %dma_wait3A_92 = arith.constant 0 : i32
        %dma_wait3A_93 = arith.constant 0 : i32
        %dma_wait3A_94 = tpu.memref_slice %arg2[%dma_wait3A_92, %dma_wait3A_93] : memref<20480x160xf32, #tpu.memory_space<hbm>> -> memref<20480x160xf32, #tpu.memory_space<hbm>>
        tpu.wait_indirect_dma semaphore(%arg12 : memref<!tpu.dma_semaphore, #tpu.memory_space<semaphore_mem>>) src(%dma_wait3A_94 : memref<20480x160xf32, #tpu.memory_space<hbm>>) dst(%arg9 : memref<64x160xf32, #tpu.memory_space<vmem>>)
        %add3A_95 = arith.constant 1 : i32
        %add3A_96 = arith.addi %add3A_64, %add3A_95 : i32
        "tpu.region"() ({
          %run_scoped3A_97 = tpu.sem_alloc : memref<!tpu.dma_semaphore, #tpu.memory_space<semaphore_mem>>
          %dma_start3A_98 = arith.constant 0 : i32
          %dma_start3A_99 = tpu.memref_slice %arg7[%add3A_96, %dma_start3A_98] : memref<32x64xi32, #tpu.memory_space<vmem>> -> memref<1x64xi32, #tpu.memory_space<vmem>>
          %dma_start3A_100 = tpu.memref_squeeze %dma_start3A_99 : memref<1x64xi32, #tpu.memory_space<vmem>> -> memref<64xi32, #tpu.memory_space<vmem>>
          %dma_start3A_101 = arith.constant 0 : i32
          %dma_start3A_102 = arith.constant 0 : i32
          %dma_start3A_103 = tpu.memref_slice %arg10[%dma_start3A_101, %dma_start3A_102] : memref<10240x160xf32, #tpu.memory_space<vmem_shared>> -> memref<10240x160xf32, #tpu.memory_space<vmem_shared>>
          tpu.enqueue_indirect_dma source(%arg9 : memref<64x160xf32, #tpu.memory_space<vmem>>) target(%dma_start3A_103 : memref<10240x160xf32, #tpu.memory_space<vmem_shared>>) offsets(%dma_start3A_100 : memref<64xi32, #tpu.memory_space<vmem>>) semaphore(%run_scoped3A_97 : memref<!tpu.dma_semaphore, #tpu.memory_space<semaphore_mem>>) {add = true}
          %dma_wait3A_104 = arith.constant 0 : i32
          %dma_wait3A_105 = tpu.memref_slice %arg7[%add3A_96, %dma_wait3A_104] : memref<32x64xi32, #tpu.memory_space<vmem>> -> memref<1x64xi32, #tpu.memory_space<vmem>>
          %dma_wait3A_106 = tpu.memref_squeeze %dma_wait3A_105 : memref<1x64xi32, #tpu.memory_space<vmem>> -> memref<64xi32, #tpu.memory_space<vmem>>
          %dma_wait3A_107 = arith.constant 0 : i32
          %dma_wait3A_108 = arith.constant 0 : i32
          %dma_wait3A_109 = tpu.memref_slice %arg10[%dma_wait3A_107, %dma_wait3A_108] : memref<10240x160xf32, #tpu.memory_space<vmem_shared>> -> memref<10240x160xf32, #tpu.memory_space<vmem_shared>>
          tpu.wait_indirect_dma semaphore(%run_scoped3A_97 : memref<!tpu.dma_semaphore, #tpu.memory_space<semaphore_mem>>) src(%arg9 : memref<64x160xf32, #tpu.memory_space<vmem>>) dst(%dma_wait3A_109 : memref<10240x160xf32, #tpu.memory_space<vmem_shared>>)
          tpu.yield
        }) : () -> ()
      }
      %scan3A_38 = arith.constant 15 : i32
      %dma_start3A_39 = arith.constant 31 : i32
      %dma_start3A_40 = arith.constant 0 : i32
      %dma_start3A_41 = tpu.memref_slice %arg6[%dma_start3A_39, %dma_start3A_40] : memref<32x64xi32, #tpu.memory_space<vmem>> -> memref<1x64xi32, #tpu.memory_space<vmem>>
      %dma_start3A_42 = tpu.memref_squeeze %dma_start3A_41 : memref<1x64xi32, #tpu.memory_space<vmem>> -> memref<64xi32, #tpu.memory_space<vmem>>
      %dma_start3A_43 = arith.constant 0 : i32
      %dma_start3A_44 = arith.constant 0 : i32
      %dma_start3A_45 = tpu.memref_slice %arg2[%dma_start3A_43, %dma_start3A_44] : memref<20480x160xf32, #tpu.memory_space<hbm>> -> memref<20480x160xf32, #tpu.memory_space<hbm>>
      tpu.enqueue_indirect_dma source(%dma_start3A_45 : memref<20480x160xf32, #tpu.memory_space<hbm>>) target(%arg9 : memref<64x160xf32, #tpu.memory_space<vmem>>) offsets(%dma_start3A_42 : memref<64xi32, #tpu.memory_space<vmem>>) semaphore(%arg12 : memref<!tpu.dma_semaphore, #tpu.memory_space<semaphore_mem>>)
      %dma_wait3A = arith.constant 0 : i32
      %dma_wait3A_46 = arith.constant 0 : i32
      %dma_wait3A_47 = tpu.memref_slice %arg6[%dma_wait3A, %dma_wait3A_46] : memref<32x64xi32, #tpu.memory_space<vmem>> -> memref<1x64xi32, #tpu.memory_space<vmem>>
      %dma_wait3A_48 = tpu.memref_squeeze %dma_wait3A_47 : memref<1x64xi32, #tpu.memory_space<vmem>> -> memref<64xi32, #tpu.memory_space<vmem>>
      %dma_wait3A_49 = arith.constant 0 : i32
      %dma_wait3A_50 = arith.constant 0 : i32
      %dma_wait3A_51 = tpu.memref_slice %arg2[%dma_wait3A_49, %dma_wait3A_50] : memref<20480x160xf32, #tpu.memory_space<hbm>> -> memref<20480x160xf32, #tpu.memory_space<hbm>>
      tpu.wait_indirect_dma semaphore(%arg11 : memref<!tpu.dma_semaphore, #tpu.memory_space<semaphore_mem>>) src(%dma_wait3A_51 : memref<20480x160xf32, #tpu.memory_space<hbm>>) dst(%arg8 : memref<64x160xf32, #tpu.memory_space<vmem>>)
      %run_scoped3A = arith.constant 30 : i32
      "tpu.region"() ({
        %run_scoped3A_60 = tpu.sem_alloc : memref<!tpu.dma_semaphore, #tpu.memory_space<semaphore_mem>>
        %dma_start3A_61 = arith.constant 0 : i32
        %dma_start3A_62 = tpu.memref_slice %arg7[%run_scoped3A, %dma_start3A_61] : memref<32x64xi32, #tpu.memory_space<vmem>> -> memref<1x64xi32, #tpu.memory_space<vmem>>
        %dma_start3A_63 = tpu.memref_squeeze %dma_start3A_62 : memref<1x64xi32, #tpu.memory_space<vmem>> -> memref<64xi32, #tpu.memory_space<vmem>>
        %dma_start3A_64 = arith.constant 0 : i32
        %dma_start3A_65 = arith.constant 0 : i32
        %dma_start3A_66 = tpu.memref_slice %arg10[%dma_start3A_64, %dma_start3A_65] : memref<10240x160xf32, #tpu.memory_space<vmem_shared>> -> memref<10240x160xf32, #tpu.memory_space<vmem_shared>>
        tpu.enqueue_indirect_dma source(%arg8 : memref<64x160xf32, #tpu.memory_space<vmem>>) target(%dma_start3A_66 : memref<10240x160xf32, #tpu.memory_space<vmem_shared>>) offsets(%dma_start3A_63 : memref<64xi32, #tpu.memory_space<vmem>>) semaphore(%run_scoped3A_60 : memref<!tpu.dma_semaphore, #tpu.memory_space<semaphore_mem>>) {add = true}
        %dma_wait3A_67 = arith.constant 0 : i32
        %dma_wait3A_68 = tpu.memref_slice %arg7[%run_scoped3A, %dma_wait3A_67] : memref<32x64xi32, #tpu.memory_space<vmem>> -> memref<1x64xi32, #tpu.memory_space<vmem>>
        %dma_wait3A_69 = tpu.memref_squeeze %dma_wait3A_68 : memref<1x64xi32, #tpu.memory_space<vmem>> -> memref<64xi32, #tpu.memory_space<vmem>>
        %dma_wait3A_70 = arith.constant 0 : i32
        %dma_wait3A_71 = arith.constant 0 : i32
        %dma_wait3A_72 = tpu.memref_slice %arg10[%dma_wait3A_70, %dma_wait3A_71] : memref<10240x160xf32, #tpu.memory_space<vmem_shared>> -> memref<10240x160xf32, #tpu.memory_space<vmem_shared>>
        tpu.wait_indirect_dma semaphore(%run_scoped3A_60 : memref<!tpu.dma_semaphore, #tpu.memory_space<semaphore_mem>>) src(%arg8 : memref<64x160xf32, #tpu.memory_space<vmem>>) dst(%dma_wait3A_72 : memref<10240x160xf32, #tpu.memory_space<vmem_shared>>)
        tpu.yield
      }) : () -> ()
      %dma_wait3A_52 = arith.constant 0 : i32
      %dma_wait3A_53 = arith.constant 0 : i32
      %dma_wait3A_54 = tpu.memref_slice %arg6[%dma_wait3A_52, %dma_wait3A_53] : memref<32x64xi32, #tpu.memory_space<vmem>> -> memref<1x64xi32, #tpu.memory_space<vmem>>
      %dma_wait3A_55 = tpu.memref_squeeze %dma_wait3A_54 : memref<1x64xi32, #tpu.memory_space<vmem>> -> memref<64xi32, #tpu.memory_space<vmem>>
      %dma_wait3A_56 = arith.constant 0 : i32
      %dma_wait3A_57 = arith.constant 0 : i32
      %dma_wait3A_58 = tpu.memref_slice %arg2[%dma_wait3A_56, %dma_wait3A_57] : memref<20480x160xf32, #tpu.memory_space<hbm>> -> memref<20480x160xf32, #tpu.memory_space<hbm>>
      tpu.wait_indirect_dma semaphore(%arg12 : memref<!tpu.dma_semaphore, #tpu.memory_space<semaphore_mem>>) src(%dma_wait3A_58 : memref<20480x160xf32, #tpu.memory_space<hbm>>) dst(%arg9 : memref<64x160xf32, #tpu.memory_space<vmem>>)
      %run_scoped3A_59 = arith.constant 31 : i32
      "tpu.region"() ({
        %run_scoped3A_60 = tpu.sem_alloc : memref<!tpu.dma_semaphore, #tpu.memory_space<semaphore_mem>>
        %dma_start3A_61 = arith.constant 0 : i32
        %dma_start3A_62 = tpu.memref_slice %arg7[%run_scoped3A_59, %dma_start3A_61] : memref<32x64xi32, #tpu.memory_space<vmem>> -> memref<1x64xi32, #tpu.memory_space<vmem>>
        %dma_start3A_63 = tpu.memref_squeeze %dma_start3A_62 : memref<1x64xi32, #tpu.memory_space<vmem>> -> memref<64xi32, #tpu.memory_space<vmem>>
        %dma_start3A_64 = arith.constant 0 : i32
        %dma_start3A_65 = arith.constant 0 : i32
        %dma_start3A_66 = tpu.memref_slice %arg10[%dma_start3A_64, %dma_start3A_65] : memref<10240x160xf32, #tpu.memory_space<vmem_shared>> -> memref<10240x160xf32, #tpu.memory_space<vmem_shared>>
        tpu.enqueue_indirect_dma source(%arg9 : memref<64x160xf32, #tpu.memory_space<vmem>>) target(%dma_start3A_66 : memref<10240x160xf32, #tpu.memory_space<vmem_shared>>) offsets(%dma_start3A_63 : memref<64xi32, #tpu.memory_space<vmem>>) semaphore(%run_scoped3A_60 : memref<!tpu.dma_semaphore, #tpu.memory_space<semaphore_mem>>) {add = true}
        %dma_wait3A_67 = arith.constant 0 : i32
        %dma_wait3A_68 = tpu.memref_slice %arg7[%run_scoped3A_59, %dma_wait3A_67] : memref<32x64xi32, #tpu.memory_space<vmem>> -> memref<1x64xi32, #tpu.memory_space<vmem>>
        %dma_wait3A_69 = tpu.memref_squeeze %dma_wait3A_68 : memref<1x64xi32, #tpu.memory_space<vmem>> -> memref<64xi32, #tpu.memory_space<vmem>>
        %dma_wait3A_70 = arith.constant 0 : i32
        %dma_wait3A_71 = arith.constant 0 : i32
        %dma_wait3A_72 = tpu.memref_slice %arg10[%dma_wait3A_70, %dma_wait3A_71] : memref<10240x160xf32, #tpu.memory_space<vmem_shared>> -> memref<10240x160xf32, #tpu.memory_space<vmem_shared>>
        tpu.wait_indirect_dma semaphore(%run_scoped3A_60 : memref<!tpu.dma_semaphore, #tpu.memory_space<semaphore_mem>>) src(%arg9 : memref<64x160xf32, #tpu.memory_space<vmem>>) dst(%dma_wait3A_72 : memref<10240x160xf32, #tpu.memory_space<vmem_shared>>)
        tpu.yield
      }) : () -> ()
    }
    %scan3A_14 = arith.constant 10 : i32
    %barrier3A_15 = arith.constant 0 : index
    tpu.barrier barrier_id(%barrier3A_15)
    %mul3A = arith.constant 640 : i32
    %mul3A_16 = arith.muli %arg1, %mul3A : i32
    %mul3A_17 = arith.constant 640 : i32
    %mul3A_18 = arith.muli %arg1, %mul3A_17 : i32
    "tpu.region"() ({
      %run_scoped3A = tpu.sem_alloc : memref<!tpu.dma_semaphore, #tpu.memory_space<semaphore_mem>>
      %dma_start3A = arith.constant 0 : i32
      %dma_start3A_19 = tpu.memref_slice %arg5[%arg0, %mul3A_18, %dma_start3A] : memref<2x10240x160xf32, #tpu.memory_space<hbm>> -> memref<1x640x160xf32, #tpu.memory_space<hbm>>
      %dma_start3A_20 = tpu.memref_squeeze %dma_start3A_19 : memref<1x640x160xf32, #tpu.memory_space<hbm>> -> memref<640x160xf32, #tpu.memory_space<hbm>>
      %dma_start3A_21 = arith.constant 0 : i32
      %dma_start3A_22 = tpu.memref_slice %arg10[%mul3A_16, %dma_start3A_21] : memref<10240x160xf32, #tpu.memory_space<vmem_shared>> -> memref<640x160xf32, #tpu.memory_space<vmem_shared>>
      tpu.enqueue_dma source(%dma_start3A_22 : memref<640x160xf32, #tpu.memory_space<vmem_shared>>) target(%dma_start3A_20 : memref<640x160xf32, #tpu.memory_space<hbm>>) target_semaphore(%run_scoped3A : memref<!tpu.dma_semaphore, #tpu.memory_space<semaphore_mem>>)
      %dma_wait3A = arith.constant 0 : i32
      %dma_wait3A_23 = tpu.memref_slice %arg5[%arg0, %mul3A_18, %dma_wait3A] : memref<2x10240x160xf32, #tpu.memory_space<hbm>> -> memref<1x640x160xf32, #tpu.memory_space<hbm>>
      %dma_wait3A_24 = tpu.memref_squeeze %dma_wait3A_23 : memref<1x640x160xf32, #tpu.memory_space<hbm>> -> memref<640x160xf32, #tpu.memory_space<hbm>>
      %dma_wait3A_25 = arith.constant 0 : i32
      %dma_wait3A_26 = tpu.memref_slice %arg10[%mul3A_16, %dma_wait3A_25] : memref<10240x160xf32, #tpu.memory_space<vmem_shared>> -> memref<640x160xf32, #tpu.memory_space<vmem_shared>>
      tpu.wait_dma2 semaphore(%run_scoped3A : memref<!tpu.dma_semaphore, #tpu.memory_space<semaphore_mem>>) src(%dma_wait3A_26 : memref<640x160xf32, #tpu.memory_space<vmem_shared>>) dst(%dma_wait3A_24 : memref<640x160xf32, #tpu.memory_space<hbm>>)
      tpu.yield
    }) : () -> ()
    return
  }
}

module attributes {stable_mosaic.version = 14 : i64} {
  func.func @body(%arg0: i32, %arg1: memref<512x128xf32, #tpu.memory_space<vmem>>, %arg2: memref<128x320xf32, #tpu.memory_space<vmem>>, %arg3: memref<512x320xf32, #tpu.memory_space<vmem>>) attributes {dimension_semantics = [#tpu.dimension_semantics<arbitrary>], iteration_bounds = array<i64: 20>, scalar_prefetch = 0 : i64, scratch_operands = 0 : i64, tpu.core_type = #tpu.core_type<tc>, window_params = [{transform_indices = @transform_0, window_bounds = array<i64: 512, 128>}, {pipeline_mode = #tpu.pipeline_mode<synchronous>, transform_indices = @transform_1, window_bounds = array<i64: 128, 320>}, {transform_indices = @transform_2, window_bounds = array<i64: 512, 320>}]} {
    %get3A = arith.constant 0 : index
    %get3A_0 = arith.constant 0 : index
    %get3A_1 = vector.load %arg1[%get3A, %get3A_0] : memref<512x128xf32, #tpu.memory_space<vmem>>, vector<512x128xf32>
    %get3A_2 = arith.constant 0 : index
    %get3A_3 = arith.constant 0 : index
    %get3A_4 = vector.load %arg2[%get3A_2, %get3A_3] : memref<128x320xf32, #tpu.memory_space<vmem>>, vector<128x320xf32>
    %dot_general3A = arith.constant dense<0.000000e+00> : vector<512x320xf32>
    %dot_general3A_5 = tpu.matmul %get3A_1, %get3A_4, %dot_general3A {dimension_numbers = #tpu.dot_dimension_numbers<[1], [0], [0], [1], [0, 0, 1, 1], [], []>, transpose_lhs_hint = false} : vector<512x128xf32>, vector<128x320xf32>, vector<512x320xf32> -> vector<512x320xf32>
    %swap3A = arith.constant 0 : index
    %swap3A_6 = arith.constant 0 : index
    %swap3A_7 = vector.load %arg3[%swap3A, %swap3A_6] : memref<512x320xf32, #tpu.memory_space<vmem>>, vector<512x320xf32>
    tpu.vector_store %arg3[%swap3A, %swap3A_6], %dot_general3A_5 {strides = array<i32>} : memref<512x320xf32, #tpu.memory_space<vmem>>, vector<512x320xf32>,
    return
  }
  func.func @transform_0(%arg0: i32) -> (i32, i32) {
    %c0_i32 = arith.constant 0 : i32
    %c0_i32_0 = arith.constant 0 : i32
    return %arg0, %c0_i32 : i32, i32
  }
  func.func @transform_1(%arg0: i32) -> (i32, i32) {
    %c0_i32 = arith.constant 0 : i32
    %c0_i32_0 = arith.constant 0 : i32
    %c0_i32_1 = arith.constant 0 : i32
    return %c0_i32, %c0_i32_0 : i32, i32
  }
  func.func @transform_2(%arg0: i32) -> (i32, i32) {
    %c0_i32 = arith.constant 0 : i32
    %c0_i32_0 = arith.constant 0 : i32
    return %arg0, %c0_i32 : i32, i32
  }
}

module attributes {stable_mosaic.version = 14 : i64} {
  func.func @body(%arg0: i32, %arg1: memref<512x320xf32, #tpu.memory_space<vmem>>, %arg2: memref<2x512x16xf32, #tpu.memory_space<vmem>>, %arg3: memref<2x512x160xf32, #tpu.memory_space<vmem>>) attributes {dimension_semantics = [#tpu.dimension_semantics<arbitrary>], iteration_bounds = array<i64: 20>, scalar_prefetch = 0 : i64, scratch_operands = 0 : i64, tpu.core_type = #tpu.core_type<tc>, window_params = [{transform_indices = @transform_0, window_bounds = array<i64: 512, 320>}, {transform_indices = @transform_1, window_bounds = array<i64: 2, 512, 16>}, {transform_indices = @transform_2, window_bounds = array<i64: 2, 512, 160>}]} {
    %get3A = arith.constant 0 : index
    %get3A_0 = arith.constant 0 : index
    %get3A_1 = arith.constant 0 : index
    %get3A_2 = vector.load %arg2[%get3A, %get3A_0, %get3A_1] : memref<2x512x16xf32, #tpu.memory_space<vmem>>, vector<2x512x16xf32>
    %slice3A = vector.extract_strided_slice %get3A_2 {offsets = [0, 0, 0], sizes = [1, 512, 1], strides = [1, 1, 1]} : vector<2x512x16xf32> to vector<1x512x1xf32>
    %squeeze3A = vector.shape_cast %slice3A : vector<1x512x1xf32> to vector<512xf32>
    %slice3A_3 = vector.extract_strided_slice %get3A_2 {offsets = [1, 0, 0], sizes = [1, 512, 1], strides = [1, 1, 1]} : vector<2x512x16xf32> to vector<1x512x1xf32>
    %squeeze3A_4 = vector.shape_cast %slice3A_3 : vector<1x512x1xf32> to vector<512xf32>
    %add3A = arith.addf %squeeze3A, %squeeze3A_4 : vector<512xf32>
    %add3A_5 = arith.constant 1.000000e+00 : f32
    %add3A_6 = vector.broadcast %add3A_5 : f32 to vector<512xf32>
    %add3A_7 = arith.addf %add3A, %add3A_6 : vector<512xf32>
    %rsqrt3A = math.rsqrt %add3A_7 : vector<512xf32>
    %get3A_8 = arith.constant 0 : index
    %get3A_9 = arith.constant 0 : index
    %get3A_10 = vector.load %arg1[%get3A_8, %get3A_9] : memref<512x320xf32, #tpu.memory_space<vmem>>, vector<512x320xf32>
    %broadcast_in_dim3A = vector.shape_cast %rsqrt3A : vector<512xf32> to vector<512x1xf32>
    %mul3A = vector.broadcast %broadcast_in_dim3A : vector<512x1xf32> to vector<512x320xf32>
    %mul3A_11 = arith.mulf %get3A_10, %mul3A : vector<512x320xf32>
    %slice3A_12 = vector.extract_strided_slice %mul3A_11 {offsets = [0, 0], sizes = [512, 160], strides = [1, 1]} : vector<512x320xf32> to vector<512x160xf32>
    %swap3A = arith.constant 0 : index
    %swap3A_13 = arith.constant 0 : index
    %swap3A_14 = arith.constant 0 : index
    %swap3A_15 = vector.load %arg3[%swap3A, %swap3A_13, %swap3A_14] : memref<2x512x160xf32, #tpu.memory_space<vmem>>, vector<1x512x160xf32>
    %swap3A_16 = vector.shape_cast %swap3A_15 : vector<1x512x160xf32> to vector<512x160xf32>
    %swap3A_17 = vector.shape_cast %slice3A_12 : vector<512x160xf32> to vector<1x512x160xf32>
    tpu.vector_store %arg3[%swap3A, %swap3A_13, %swap3A_14], %swap3A_17 {strides = array<i32>} : memref<2x512x160xf32, #tpu.memory_space<vmem>>, vector<1x512x160xf32>,
    %slice3A_18 = vector.extract_strided_slice %mul3A_11 {offsets = [0, 160], sizes = [512, 160], strides = [1, 1]} : vector<512x320xf32> to vector<512x160xf32>
    %swap3A_19 = arith.constant 1 : index
    %swap3A_20 = arith.constant 0 : index
    %swap3A_21 = arith.constant 0 : index
    %swap3A_22 = vector.load %arg3[%swap3A_19, %swap3A_20, %swap3A_21] : memref<2x512x160xf32, #tpu.memory_space<vmem>>, vector<1x512x160xf32>
    %swap3A_23 = vector.shape_cast %swap3A_22 : vector<1x512x160xf32> to vector<512x160xf32>
    %swap3A_24 = vector.shape_cast %slice3A_18 : vector<512x160xf32> to vector<1x512x160xf32>
    tpu.vector_store %arg3[%swap3A_19, %swap3A_20, %swap3A_21], %swap3A_24 {strides = array<i32>} : memref<2x512x160xf32, #tpu.memory_space<vmem>>, vector<1x512x160xf32>,
    return
  }
  func.func @transform_0(%arg0: i32) -> (i32, i32) {
    %c0_i32 = arith.constant 0 : i32
    %c0_i32_0 = arith.constant 0 : i32
    return %arg0, %c0_i32 : i32, i32
  }
  func.func @transform_1(%arg0: i32) -> (i32, i32, i32) {
    %c0_i32 = arith.constant 0 : i32
    %c0_i32_0 = arith.constant 0 : i32
    %c0_i32_1 = arith.constant 0 : i32
    return %c0_i32, %arg0, %c0_i32_0 : i32, i32, i32
  }
  func.func @transform_2(%arg0: i32) -> (i32, i32, i32) {
    %c0_i32 = arith.constant 0 : i32
    %c0_i32_0 = arith.constant 0 : i32
    %c0_i32_1 = arith.constant 0 : i32
    return %c0_i32, %arg0, %c0_i32_0 : i32, i32, i32
  }
}

module attributes {stable_mosaic.version = 14 : i64} {
  func.func @body(%arg0: i32, %arg1: memref<2x512x160xf32, #tpu.memory_space<vmem>>, %arg2: memref<2x512x160xf32, #tpu.memory_space<vmem>>, %arg3: memref<2x512x16xf32, #tpu.memory_space<vmem>>, %arg4: memref<1x320xf32, #tpu.memory_space<vmem>>, %arg5: memref<320x320xf32, #tpu.memory_space<vmem>>, %arg6: memref<2x512x160xf32, #tpu.memory_space<vmem>>) attributes {dimension_semantics = [#tpu.dimension_semantics<arbitrary>], iteration_bounds = array<i64: 20>, scalar_prefetch = 0 : i64, scratch_operands = 0 : i64, tpu.core_type = #tpu.core_type<tc>, window_params = [{transform_indices = @transform_0, window_bounds = array<i64: 2, 512, 160>}, {transform_indices = @transform_1, window_bounds = array<i64: 2, 512, 160>}, {transform_indices = @transform_2, window_bounds = array<i64: 2, 512, 16>}, {pipeline_mode = #tpu.pipeline_mode<synchronous>, transform_indices = @transform_3, window_bounds = array<i64: 1, 320>}, {pipeline_mode = #tpu.pipeline_mode<synchronous>, transform_indices = @transform_4, window_bounds = array<i64: 320, 320>}, {transform_indices = @transform_5, window_bounds = array<i64: 2, 512, 160>}]} {
    %get3A = arith.constant 0 : index
    %get3A_0 = arith.constant 0 : index
    %get3A_1 = arith.constant 0 : index
    %get3A_2 = vector.load %arg3[%get3A, %get3A_0, %get3A_1] : memref<2x512x16xf32, #tpu.memory_space<vmem>>, vector<2x512x16xf32>
    %slice3A = vector.extract_strided_slice %get3A_2 {offsets = [0, 0, 0], sizes = [1, 512, 1], strides = [1, 1, 1]} : vector<2x512x16xf32> to vector<1x512x1xf32>
    %squeeze3A = vector.shape_cast %slice3A : vector<1x512x1xf32> to vector<512xf32>
    %slice3A_3 = vector.extract_strided_slice %get3A_2 {offsets = [1, 0, 0], sizes = [1, 512, 1], strides = [1, 1, 1]} : vector<2x512x16xf32> to vector<1x512x1xf32>
    %squeeze3A_4 = vector.shape_cast %slice3A_3 : vector<1x512x1xf32> to vector<512xf32>
    %add3A = arith.addf %squeeze3A, %squeeze3A_4 : vector<512xf32>
    %add3A_5 = arith.constant 1.000000e+00 : f32
    %add3A_6 = vector.broadcast %add3A_5 : f32 to vector<512xf32>
    %add3A_7 = arith.addf %add3A, %add3A_6 : vector<512xf32>
    %rsqrt3A = math.rsqrt %add3A_7 : vector<512xf32>
    %get3A_8 = arith.constant 0 : index
    %get3A_9 = arith.constant 0 : index
    %get3A_10 = arith.constant 0 : index
    %get3A_11 = vector.load %arg1[%get3A_8, %get3A_9, %get3A_10] : memref<2x512x160xf32, #tpu.memory_space<vmem>>, vector<1x512x160xf32>
    %get3A_12 = vector.shape_cast %get3A_11 : vector<1x512x160xf32> to vector<512x160xf32>
    %get3A_13 = arith.constant 1 : index
    %get3A_14 = arith.constant 0 : index
    %get3A_15 = arith.constant 0 : index
    %get3A_16 = vector.load %arg1[%get3A_13, %get3A_14, %get3A_15] : memref<2x512x160xf32, #tpu.memory_space<vmem>>, vector<1x512x160xf32>
    %get3A_17 = vector.shape_cast %get3A_16 : vector<1x512x160xf32> to vector<512x160xf32>
    %concatenate3A = tpu.concatenate %get3A_12, %get3A_17 in 1 : vector<512x160xf32>, vector<512x160xf32> -> vector<512x320xf32>
    %get3A_18 = arith.constant 0 : index
    %get3A_19 = arith.constant 0 : index
    %get3A_20 = arith.constant 0 : index
    %get3A_21 = vector.load %arg2[%get3A_18, %get3A_19, %get3A_20] : memref<2x512x160xf32, #tpu.memory_space<vmem>>, vector<1x512x160xf32>
    %get3A_22 = vector.shape_cast %get3A_21 : vector<1x512x160xf32> to vector<512x160xf32>
    %get3A_23 = arith.constant 1 : index
    %get3A_24 = arith.constant 0 : index
    %get3A_25 = arith.constant 0 : index
    %get3A_26 = vector.load %arg2[%get3A_23, %get3A_24, %get3A_25] : memref<2x512x160xf32, #tpu.memory_space<vmem>>, vector<1x512x160xf32>
    %get3A_27 = vector.shape_cast %get3A_26 : vector<1x512x160xf32> to vector<512x160xf32>
    %concatenate3A_28 = tpu.concatenate %get3A_22, %get3A_27 in 1 : vector<512x160xf32>, vector<512x160xf32> -> vector<512x320xf32>
    %add3A_29 = arith.addf %concatenate3A, %concatenate3A_28 : vector<512x320xf32>
    %broadcast_in_dim3A = vector.shape_cast %rsqrt3A : vector<512xf32> to vector<512x1xf32>
    %mul3A = vector.broadcast %broadcast_in_dim3A : vector<512x1xf32> to vector<512x320xf32>
    %mul3A_30 = arith.mulf %add3A_29, %mul3A : vector<512x320xf32>
    %get3A_31 = arith.constant 0 : index
    %get3A_32 = arith.constant 0 : index
    %get3A_33 = vector.load %arg4[%get3A_31, %get3A_32] : memref<1x320xf32, #tpu.memory_space<vmem>>, vector<1x320xf32>
    %add3A_34 = vector.broadcast %get3A_33 : vector<1x320xf32> to vector<512x320xf32>
    %add3A_35 = arith.addf %mul3A_30, %add3A_34 : vector<512x320xf32>
    %max3A = arith.constant 0.000000e+00 : f32
    %max3A_36 = vector.broadcast %max3A : f32 to vector<512x320xf32>
    %max3A_37 = arith.maximumf %add3A_35, %max3A_36 : vector<512x320xf32>
    %get3A_38 = arith.constant 0 : index
    %get3A_39 = arith.constant 0 : index
    %get3A_40 = vector.load %arg5[%get3A_38, %get3A_39] : memref<320x320xf32, #tpu.memory_space<vmem>>, vector<320x320xf32>
    %dot_general3A = arith.constant dense<0.000000e+00> : vector<512x320xf32>
    %dot_general3A_41 = tpu.matmul %max3A_37, %get3A_40, %dot_general3A {dimension_numbers = #tpu.dot_dimension_numbers<[1], [0], [0], [1], [0, 0, 1, 1], [], []>, transpose_lhs_hint = false} : vector<512x320xf32>, vector<320x320xf32>, vector<512x320xf32> -> vector<512x320xf32>
    %broadcast_in_dim3A_42 = vector.shape_cast %rsqrt3A : vector<512xf32> to vector<512x1xf32>
    %mul3A_43 = vector.broadcast %broadcast_in_dim3A_42 : vector<512x1xf32> to vector<512x320xf32>
    %mul3A_44 = arith.mulf %dot_general3A_41, %mul3A_43 : vector<512x320xf32>
    %slice3A_45 = vector.extract_strided_slice %mul3A_44 {offsets = [0, 0], sizes = [512, 160], strides = [1, 1]} : vector<512x320xf32> to vector<512x160xf32>
    %swap3A = arith.constant 0 : index
    %swap3A_46 = arith.constant 0 : index
    %swap3A_47 = arith.constant 0 : index
    %swap3A_48 = vector.load %arg6[%swap3A, %swap3A_46, %swap3A_47] : memref<2x512x160xf32, #tpu.memory_space<vmem>>, vector<1x512x160xf32>
    %swap3A_49 = vector.shape_cast %swap3A_48 : vector<1x512x160xf32> to vector<512x160xf32>
    %swap3A_50 = vector.shape_cast %slice3A_45 : vector<512x160xf32> to vector<1x512x160xf32>
    tpu.vector_store %arg6[%swap3A, %swap3A_46, %swap3A_47], %swap3A_50 {strides = array<i32>} : memref<2x512x160xf32, #tpu.memory_space<vmem>>, vector<1x512x160xf32>,
    %slice3A_51 = vector.extract_strided_slice %mul3A_44 {offsets = [0, 160], sizes = [512, 160], strides = [1, 1]} : vector<512x320xf32> to vector<512x160xf32>
    %swap3A_52 = arith.constant 1 : index
    %swap3A_53 = arith.constant 0 : index
    %swap3A_54 = arith.constant 0 : index
    %swap3A_55 = vector.load %arg6[%swap3A_52, %swap3A_53, %swap3A_54] : memref<2x512x160xf32, #tpu.memory_space<vmem>>, vector<1x512x160xf32>
    %swap3A_56 = vector.shape_cast %swap3A_55 : vector<1x512x160xf32> to vector<512x160xf32>
    %swap3A_57 = vector.shape_cast %slice3A_51 : vector<512x160xf32> to vector<1x512x160xf32>
    tpu.vector_store %arg6[%swap3A_52, %swap3A_53, %swap3A_54], %swap3A_57 {strides = array<i32>} : memref<2x512x160xf32, #tpu.memory_space<vmem>>, vector<1x512x160xf32>,
    return
  }
  func.func @transform_0(%arg0: i32) -> (i32, i32, i32) {
    %c0_i32 = arith.constant 0 : i32
    %c0_i32_0 = arith.constant 0 : i32
    %c0_i32_1 = arith.constant 0 : i32
    return %c0_i32, %arg0, %c0_i32_0 : i32, i32, i32
  }
  func.func @transform_1(%arg0: i32) -> (i32, i32, i32) {
    %c0_i32 = arith.constant 0 : i32
    %c0_i32_0 = arith.constant 0 : i32
    %c0_i32_1 = arith.constant 0 : i32
    return %c0_i32, %arg0, %c0_i32_0 : i32, i32, i32
  }
  func.func @transform_2(%arg0: i32) -> (i32, i32, i32) {
    %c0_i32 = arith.constant 0 : i32
    %c0_i32_0 = arith.constant 0 : i32
    %c0_i32_1 = arith.constant 0 : i32
    return %c0_i32, %arg0, %c0_i32_0 : i32, i32, i32
  }
  func.func @transform_3(%arg0: i32) -> (i32, i32) {
    %c0_i32 = arith.constant 0 : i32
    %c0_i32_0 = arith.constant 0 : i32
    %c0_i32_1 = arith.constant 0 : i32
    return %c0_i32, %c0_i32_0 : i32, i32
  }
  func.func @transform_4(%arg0: i32) -> (i32, i32) {
    %c0_i32 = arith.constant 0 : i32
    %c0_i32_0 = arith.constant 0 : i32
    %c0_i32_1 = arith.constant 0 : i32
    return %c0_i32, %c0_i32_0 : i32, i32
  }
  func.func @transform_5(%arg0: i32) -> (i32, i32, i32) {
    %c0_i32 = arith.constant 0 : i32
    %c0_i32_0 = arith.constant 0 : i32
    %c0_i32_1 = arith.constant 0 : i32
    return %c0_i32, %arg0, %c0_i32_0 : i32, i32, i32
  }
}

module attributes {stable_mosaic.version = 14 : i64} {
  func.func @body(%arg0: i32, %arg1: memref<2x512x160xf32, #tpu.memory_space<vmem>>, %arg2: memref<2x512x160xf32, #tpu.memory_space<vmem>>, %arg3: memref<2x512x16xf32, #tpu.memory_space<vmem>>, %arg4: memref<1x320xf32, #tpu.memory_space<vmem>>, %arg5: memref<320x256xf32, #tpu.memory_space<vmem>>, %arg6: memref<2x512x128xf32, #tpu.memory_space<vmem>>) attributes {dimension_semantics = [#tpu.dimension_semantics<arbitrary>], iteration_bounds = array<i64: 20>, scalar_prefetch = 0 : i64, scratch_operands = 0 : i64, tpu.core_type = #tpu.core_type<tc>, window_params = [{transform_indices = @transform_0, window_bounds = array<i64: 2, 512, 160>}, {transform_indices = @transform_1, window_bounds = array<i64: 2, 512, 160>}, {transform_indices = @transform_2, window_bounds = array<i64: 2, 512, 16>}, {pipeline_mode = #tpu.pipeline_mode<synchronous>, transform_indices = @transform_3, window_bounds = array<i64: 1, 320>}, {pipeline_mode = #tpu.pipeline_mode<synchronous>, transform_indices = @transform_4, window_bounds = array<i64: 320, 256>}, {transform_indices = @transform_5, window_bounds = array<i64: 2, 512, 128>}]} {
    %get3A = arith.constant 0 : index
    %get3A_0 = arith.constant 0 : index
    %get3A_1 = arith.constant 0 : index
    %get3A_2 = vector.load %arg3[%get3A, %get3A_0, %get3A_1] : memref<2x512x16xf32, #tpu.memory_space<vmem>>, vector<2x512x16xf32>
    %slice3A = vector.extract_strided_slice %get3A_2 {offsets = [0, 0, 0], sizes = [1, 512, 1], strides = [1, 1, 1]} : vector<2x512x16xf32> to vector<1x512x1xf32>
    %squeeze3A = vector.shape_cast %slice3A : vector<1x512x1xf32> to vector<512xf32>
    %slice3A_3 = vector.extract_strided_slice %get3A_2 {offsets = [1, 0, 0], sizes = [1, 512, 1], strides = [1, 1, 1]} : vector<2x512x16xf32> to vector<1x512x1xf32>
    %squeeze3A_4 = vector.shape_cast %slice3A_3 : vector<1x512x1xf32> to vector<512xf32>
    %add3A = arith.addf %squeeze3A, %squeeze3A_4 : vector<512xf32>
    %add3A_5 = arith.constant 1.000000e+00 : f32
    %add3A_6 = vector.broadcast %add3A_5 : f32 to vector<512xf32>
    %add3A_7 = arith.addf %add3A, %add3A_6 : vector<512xf32>
    %rsqrt3A = math.rsqrt %add3A_7 : vector<512xf32>
    %get3A_8 = arith.constant 0 : index
    %get3A_9 = arith.constant 0 : index
    %get3A_10 = arith.constant 0 : index
    %get3A_11 = vector.load %arg1[%get3A_8, %get3A_9, %get3A_10] : memref<2x512x160xf32, #tpu.memory_space<vmem>>, vector<1x512x160xf32>
    %get3A_12 = vector.shape_cast %get3A_11 : vector<1x512x160xf32> to vector<512x160xf32>
    %get3A_13 = arith.constant 1 : index
    %get3A_14 = arith.constant 0 : index
    %get3A_15 = arith.constant 0 : index
    %get3A_16 = vector.load %arg1[%get3A_13, %get3A_14, %get3A_15] : memref<2x512x160xf32, #tpu.memory_space<vmem>>, vector<1x512x160xf32>
    %get3A_17 = vector.shape_cast %get3A_16 : vector<1x512x160xf32> to vector<512x160xf32>
    %concatenate3A = tpu.concatenate %get3A_12, %get3A_17 in 1 : vector<512x160xf32>, vector<512x160xf32> -> vector<512x320xf32>
    %get3A_18 = arith.constant 0 : index
    %get3A_19 = arith.constant 0 : index
    %get3A_20 = arith.constant 0 : index
    %get3A_21 = vector.load %arg2[%get3A_18, %get3A_19, %get3A_20] : memref<2x512x160xf32, #tpu.memory_space<vmem>>, vector<1x512x160xf32>
    %get3A_22 = vector.shape_cast %get3A_21 : vector<1x512x160xf32> to vector<512x160xf32>
    %get3A_23 = arith.constant 1 : index
    %get3A_24 = arith.constant 0 : index
    %get3A_25 = arith.constant 0 : index
    %get3A_26 = vector.load %arg2[%get3A_23, %get3A_24, %get3A_25] : memref<2x512x160xf32, #tpu.memory_space<vmem>>, vector<1x512x160xf32>
    %get3A_27 = vector.shape_cast %get3A_26 : vector<1x512x160xf32> to vector<512x160xf32>
    %concatenate3A_28 = tpu.concatenate %get3A_22, %get3A_27 in 1 : vector<512x160xf32>, vector<512x160xf32> -> vector<512x320xf32>
    %add3A_29 = arith.addf %concatenate3A, %concatenate3A_28 : vector<512x320xf32>
    %broadcast_in_dim3A = vector.shape_cast %rsqrt3A : vector<512xf32> to vector<512x1xf32>
    %mul3A = vector.broadcast %broadcast_in_dim3A : vector<512x1xf32> to vector<512x320xf32>
    %mul3A_30 = arith.mulf %add3A_29, %mul3A : vector<512x320xf32>
    %get3A_31 = arith.constant 0 : index
    %get3A_32 = arith.constant 0 : index
    %get3A_33 = vector.load %arg4[%get3A_31, %get3A_32] : memref<1x320xf32, #tpu.memory_space<vmem>>, vector<1x320xf32>
    %add3A_34 = vector.broadcast %get3A_33 : vector<1x320xf32> to vector<512x320xf32>
    %add3A_35 = arith.addf %mul3A_30, %add3A_34 : vector<512x320xf32>
    %max3A = arith.constant 0.000000e+00 : f32
    %max3A_36 = vector.broadcast %max3A : f32 to vector<512x320xf32>
    %max3A_37 = arith.maximumf %add3A_35, %max3A_36 : vector<512x320xf32>
    %get3A_38 = arith.constant 0 : index
    %get3A_39 = arith.constant 0 : index
    %get3A_40 = vector.load %arg5[%get3A_38, %get3A_39] : memref<320x256xf32, #tpu.memory_space<vmem>>, vector<320x256xf32>
    %dot_general3A = arith.constant dense<0.000000e+00> : vector<512x256xf32>
    %dot_general3A_41 = tpu.matmul %max3A_37, %get3A_40, %dot_general3A {dimension_numbers = #tpu.dot_dimension_numbers<[1], [0], [0], [1], [0, 0, 1, 1], [], []>, transpose_lhs_hint = false} : vector<512x320xf32>, vector<320x256xf32>, vector<512x256xf32> -> vector<512x256xf32>
    %broadcast_in_dim3A_42 = vector.shape_cast %rsqrt3A : vector<512xf32> to vector<512x1xf32>
    %mul3A_43 = vector.broadcast %broadcast_in_dim3A_42 : vector<512x1xf32> to vector<512x256xf32>
    %mul3A_44 = arith.mulf %dot_general3A_41, %mul3A_43 : vector<512x256xf32>
    %slice3A_45 = vector.extract_strided_slice %mul3A_44 {offsets = [0, 0], sizes = [512, 128], strides = [1, 1]} : vector<512x256xf32> to vector<512x128xf32>
    %swap3A = arith.constant 0 : index
    %swap3A_46 = arith.constant 0 : index
    %swap3A_47 = arith.constant 0 : index
    %swap3A_48 = vector.load %arg6[%swap3A, %swap3A_46, %swap3A_47] : memref<2x512x128xf32, #tpu.memory_space<vmem>>, vector<1x512x128xf32>
    %swap3A_49 = vector.shape_cast %swap3A_48 : vector<1x512x128xf32> to vector<512x128xf32>
    %swap3A_50 = vector.shape_cast %slice3A_45 : vector<512x128xf32> to vector<1x512x128xf32>
    tpu.vector_store %arg6[%swap3A, %swap3A_46, %swap3A_47], %swap3A_50 {strides = array<i32>} : memref<2x512x128xf32, #tpu.memory_space<vmem>>, vector<1x512x128xf32>,
    %slice3A_51 = vector.extract_strided_slice %mul3A_44 {offsets = [0, 128], sizes = [512, 128], strides = [1, 1]} : vector<512x256xf32> to vector<512x128xf32>
    %swap3A_52 = arith.constant 1 : index
    %swap3A_53 = arith.constant 0 : index
    %swap3A_54 = arith.constant 0 : index
    %swap3A_55 = vector.load %arg6[%swap3A_52, %swap3A_53, %swap3A_54] : memref<2x512x128xf32, #tpu.memory_space<vmem>>, vector<1x512x128xf32>
    %swap3A_56 = vector.shape_cast %swap3A_55 : vector<1x512x128xf32> to vector<512x128xf32>
    %swap3A_57 = vector.shape_cast %slice3A_51 : vector<512x128xf32> to vector<1x512x128xf32>
    tpu.vector_store %arg6[%swap3A_52, %swap3A_53, %swap3A_54], %swap3A_57 {strides = array<i32>} : memref<2x512x128xf32, #tpu.memory_space<vmem>>, vector<1x512x128xf32>,
    return
  }
  func.func @transform_0(%arg0: i32) -> (i32, i32, i32) {
    %c0_i32 = arith.constant 0 : i32
    %c0_i32_0 = arith.constant 0 : i32
    %c0_i32_1 = arith.constant 0 : i32
    return %c0_i32, %arg0, %c0_i32_0 : i32, i32, i32
  }
  func.func @transform_1(%arg0: i32) -> (i32, i32, i32) {
    %c0_i32 = arith.constant 0 : i32
    %c0_i32_0 = arith.constant 0 : i32
    %c0_i32_1 = arith.constant 0 : i32
    return %c0_i32, %arg0, %c0_i32_0 : i32, i32, i32
  }
  func.func @transform_2(%arg0: i32) -> (i32, i32, i32) {
    %c0_i32 = arith.constant 0 : i32
    %c0_i32_0 = arith.constant 0 : i32
    %c0_i32_1 = arith.constant 0 : i32
    return %c0_i32, %arg0, %c0_i32_0 : i32, i32, i32
  }
  func.func @transform_3(%arg0: i32) -> (i32, i32) {
    %c0_i32 = arith.constant 0 : i32
    %c0_i32_0 = arith.constant 0 : i32
    %c0_i32_1 = arith.constant 0 : i32
    return %c0_i32, %c0_i32_0 : i32, i32
  }
  func.func @transform_4(%arg0: i32) -> (i32, i32) {
    %c0_i32 = arith.constant 0 : i32
    %c0_i32_0 = arith.constant 0 : i32
    %c0_i32_1 = arith.constant 0 : i32
    return %c0_i32, %c0_i32_0 : i32, i32
  }
  func.func @transform_5(%arg0: i32) -> (i32, i32, i32) {
    %c0_i32 = arith.constant 0 : i32
    %c0_i32_0 = arith.constant 0 : i32
    %c0_i32_1 = arith.constant 0 : i32
    return %c0_i32, %arg0, %c0_i32_0 : i32, i32, i32
  }
}

module attributes {stable_mosaic.version = 14 : i64} {
  func.func @body(%arg0: i32, %arg1: memref<2x512x128xf32, #tpu.memory_space<vmem>>, %arg2: memref<2x512x128xf32, #tpu.memory_space<vmem>>, %arg3: memref<2x512x16xf32, #tpu.memory_space<vmem>>, %arg4: memref<1x256xf32, #tpu.memory_space<vmem>>, %arg5: memref<1x1x512xi32, #tpu.memory_space<vmem>>, %arg6: memref<256x1xf32, #tpu.memory_space<vmem>>, %arg7: memref<1x1xf32, #tpu.memory_space<vmem>>, %arg8: memref<64x1xf32, #tpu.memory_space<vmem>>, %arg9: memref<64x256xf32, #tpu.memory_space<vmem>>, %arg10: memref<1x64xf32, #tpu.memory_space<vmem>>) attributes {dimension_semantics = [#tpu.dimension_semantics<arbitrary>], iteration_bounds = array<i64: 20>, scalar_prefetch = 0 : i64, scratch_operands = 2 : i64, tpu.core_type = #tpu.core_type<tc>, window_params = [{transform_indices = @transform_0, window_bounds = array<i64: 2, 512, 128>}, {transform_indices = @transform_1, window_bounds = array<i64: 2, 512, 128>}, {transform_indices = @transform_2, window_bounds = array<i64: 2, 512, 16>}, {pipeline_mode = #tpu.pipeline_mode<synchronous>, transform_indices = @transform_3, window_bounds = array<i64: 1, 256>}, {transform_indices = @transform_4, window_bounds = array<i64: 1, 1, 512>}, {pipeline_mode = #tpu.pipeline_mode<synchronous>, transform_indices = @transform_5, window_bounds = array<i64: 256, 1>}, {pipeline_mode = #tpu.pipeline_mode<synchronous>, transform_indices = @transform_6, window_bounds = array<i64: 1, 1>}, {pipeline_mode = #tpu.pipeline_mode<synchronous>, transform_indices = @transform_7, window_bounds = array<i64: 64, 1>}]} {
    %eq3A = arith.constant 0 : i32
    %eq3A_0 = arith.cmpi eq, %arg0, %eq3A : i32
    %convert_element_type3A = arith.extui %eq3A_0 : i1 to i32
    %cond3A = arith.constant 0 : i32
    %cond3A_1 = arith.cmpi ne, %convert_element_type3A, %cond3A : i32
    scf.if %cond3A_1 {
      %broadcast_in_dim3A_78 = arith.constant 0.000000e+00 : f32
      %broadcast_in_dim3A_79 = vector.broadcast %broadcast_in_dim3A_78 : f32 to vector<64x256xf32>
      %swap3A_80 = arith.constant 0 : index
      %swap3A_81 = arith.constant 0 : index
      %swap3A_82 = vector.load %arg9[%swap3A_80, %swap3A_81] : memref<64x256xf32, #tpu.memory_space<vmem>>, vector<64x256xf32>
      tpu.vector_store %arg9[%swap3A_80, %swap3A_81], %broadcast_in_dim3A_79 {strides = array<i32>} : memref<64x256xf32, #tpu.memory_space<vmem>>, vector<64x256xf32>,
      %broadcast_in_dim3A_83 = arith.constant 0.000000e+00 : f32
      %broadcast_in_dim3A_84 = vector.broadcast %broadcast_in_dim3A_83 : f32 to vector<1x64xf32>
      %swap3A_85 = arith.constant 0 : index
      %swap3A_86 = arith.constant 0 : index
      %swap3A_87 = vector.load %arg10[%swap3A_85, %swap3A_86] : memref<1x64xf32, #tpu.memory_space<vmem>>, vector<1x64xf32>
      tpu.vector_store %arg10[%swap3A_85, %swap3A_86], %broadcast_in_dim3A_84 {strides = array<i32>} : memref<1x64xf32, #tpu.memory_space<vmem>>, vector<1x64xf32>,
    } else {
    }
    %get3A = arith.constant 0 : index
    %get3A_2 = arith.constant 0 : index
    %get3A_3 = arith.constant 0 : index
    %get3A_4 = vector.load %arg3[%get3A, %get3A_2, %get3A_3] : memref<2x512x16xf32, #tpu.memory_space<vmem>>, vector<2x512x16xf32>
    %slice3A = vector.extract_strided_slice %get3A_4 {offsets = [0, 0, 0], sizes = [1, 512, 1], strides = [1, 1, 1]} : vector<2x512x16xf32> to vector<1x512x1xf32>
    %squeeze3A = vector.shape_cast %slice3A : vector<1x512x1xf32> to vector<512xf32>
    %slice3A_5 = vector.extract_strided_slice %get3A_4 {offsets = [1, 0, 0], sizes = [1, 512, 1], strides = [1, 1, 1]} : vector<2x512x16xf32> to vector<1x512x1xf32>
    %squeeze3A_6 = vector.shape_cast %slice3A_5 : vector<1x512x1xf32> to vector<512xf32>
    %add3A = arith.addf %squeeze3A, %squeeze3A_6 : vector<512xf32>
    %add3A_7 = arith.constant 1.000000e+00 : f32
    %add3A_8 = vector.broadcast %add3A_7 : f32 to vector<512xf32>
    %add3A_9 = arith.addf %add3A, %add3A_8 : vector<512xf32>
    %rsqrt3A = math.rsqrt %add3A_9 : vector<512xf32>
    %get3A_10 = arith.constant 0 : index
    %get3A_11 = arith.constant 0 : index
    %get3A_12 = arith.constant 0 : index
    %get3A_13 = vector.load %arg1[%get3A_10, %get3A_11, %get3A_12] : memref<2x512x128xf32, #tpu.memory_space<vmem>>, vector<1x512x128xf32>
    %get3A_14 = vector.shape_cast %get3A_13 : vector<1x512x128xf32> to vector<512x128xf32>
    %get3A_15 = arith.constant 1 : index
    %get3A_16 = arith.constant 0 : index
    %get3A_17 = arith.constant 0 : index
    %get3A_18 = vector.load %arg1[%get3A_15, %get3A_16, %get3A_17] : memref<2x512x128xf32, #tpu.memory_space<vmem>>, vector<1x512x128xf32>
    %get3A_19 = vector.shape_cast %get3A_18 : vector<1x512x128xf32> to vector<512x128xf32>
    %concatenate3A = tpu.concatenate %get3A_14, %get3A_19 in 1 : vector<512x128xf32>, vector<512x128xf32> -> vector<512x256xf32>
    %get3A_20 = arith.constant 0 : index
    %get3A_21 = arith.constant 0 : index
    %get3A_22 = arith.constant 0 : index
    %get3A_23 = vector.load %arg2[%get3A_20, %get3A_21, %get3A_22] : memref<2x512x128xf32, #tpu.memory_space<vmem>>, vector<1x512x128xf32>
    %get3A_24 = vector.shape_cast %get3A_23 : vector<1x512x128xf32> to vector<512x128xf32>
    %get3A_25 = arith.constant 1 : index
    %get3A_26 = arith.constant 0 : index
    %get3A_27 = arith.constant 0 : index
    %get3A_28 = vector.load %arg2[%get3A_25, %get3A_26, %get3A_27] : memref<2x512x128xf32, #tpu.memory_space<vmem>>, vector<1x512x128xf32>
    %get3A_29 = vector.shape_cast %get3A_28 : vector<1x512x128xf32> to vector<512x128xf32>
    %concatenate3A_30 = tpu.concatenate %get3A_24, %get3A_29 in 1 : vector<512x128xf32>, vector<512x128xf32> -> vector<512x256xf32>
    %add3A_31 = arith.addf %concatenate3A, %concatenate3A_30 : vector<512x256xf32>
    %broadcast_in_dim3A = vector.shape_cast %rsqrt3A : vector<512xf32> to vector<512x1xf32>
    %mul3A = vector.broadcast %broadcast_in_dim3A : vector<512x1xf32> to vector<512x256xf32>
    %mul3A_32 = arith.mulf %add3A_31, %mul3A : vector<512x256xf32>
    %get3A_33 = arith.constant 0 : index
    %get3A_34 = arith.constant 0 : index
    %get3A_35 = vector.load %arg4[%get3A_33, %get3A_34] : memref<1x256xf32, #tpu.memory_space<vmem>>, vector<1x256xf32>
    %add3A_36 = vector.broadcast %get3A_35 : vector<1x256xf32> to vector<512x256xf32>
    %add3A_37 = arith.addf %mul3A_32, %add3A_36 : vector<512x256xf32>
    %max3A = arith.constant 0.000000e+00 : f32
    %max3A_38 = vector.broadcast %max3A : f32 to vector<512x256xf32>
    %max3A_39 = arith.maximumf %add3A_37, %max3A_38 : vector<512x256xf32>
    %get3A_40 = arith.constant 0 : index
    %get3A_41 = arith.constant 0 : index
    %get3A_42 = arith.constant 0 : index
    %get3A_43 = vector.load %arg5[%get3A_40, %get3A_41, %get3A_42] : memref<1x1x512xi32, #tpu.memory_space<vmem>>, vector<1x1x512xi32>
    %get3A_44 = vector.shape_cast %get3A_43 : vector<1x1x512xi32> to vector<512xi32>
    %iota3A = tpu.iota {dimensions = array<i32: 0>} : vector<64x512xi32>
    %broadcast_in_dim3A_45 = vector.shape_cast %get3A_44 : vector<512xi32> to vector<1x512xi32>
    %eq3A_46 = vector.broadcast %broadcast_in_dim3A_45 : vector<1x512xi32> to vector<64x512xi32>
    %eq3A_47 = arith.cmpi eq, %eq3A_46, %iota3A : vector<64x512xi32>
    %convert_element_type3A_48 = arith.extui %eq3A_47 : vector<64x512xi1> to vector<64x512xi32>
    %convert_element_type3A_49 = arith.sitofp %convert_element_type3A_48 : vector<64x512xi32> to vector<64x512xf32>
    %convert_element_type3A_50 = arith.truncf %max3A_39 : vector<512x256xf32> to vector<512x256xbf16>
    %convert_element_type3A_51 = arith.extf %convert_element_type3A_50 : vector<512x256xbf16> to vector<512x256xf32>
    %sub3A = arith.subf %max3A_39, %convert_element_type3A_51 : vector<512x256xf32>
    %convert_element_type3A_52 = arith.truncf %sub3A : vector<512x256xf32> to vector<512x256xbf16>
    %convert_element_type3A_53 = arith.truncf %convert_element_type3A_49 : vector<64x512xf32> to vector<64x512xbf16>
    %get3A_54 = arith.constant 0 : index
    %get3A_55 = arith.constant 0 : index
    %get3A_56 = vector.load %arg9[%get3A_54, %get3A_55] : memref<64x256xf32, #tpu.memory_space<vmem>>, vector<64x256xf32>
    %dot_general3A = arith.constant dense<0.000000e+00> : vector<64x256xf32>
    %dot_general3A_57 = tpu.matmul %convert_element_type3A_53, %convert_element_type3A_50, %dot_general3A {dimension_numbers = #tpu.dot_dimension_numbers<[1], [0], [0], [1], [0, 0, 1, 1], [], []>, transpose_lhs_hint = false} : vector<64x512xbf16>, vector<512x256xbf16>, vector<64x256xf32> -> vector<64x256xf32>
    %dot_general3A_58 = arith.constant dense<0.000000e+00> : vector<64x256xf32>
    %dot_general3A_59 = tpu.matmul %convert_element_type3A_53, %convert_element_type3A_52, %dot_general3A_58 {dimension_numbers = #tpu.dot_dimension_numbers<[1], [0], [0], [1], [0, 0, 1, 1], [], []>, transpose_lhs_hint = false} : vector<64x512xbf16>, vector<512x256xbf16>, vector<64x256xf32> -> vector<64x256xf32>
    %add3A_60 = arith.addf %dot_general3A_57, %dot_general3A_59 : vector<64x256xf32>
    %add3A_61 = arith.addf %get3A_56, %add3A_60 : vector<64x256xf32>
    %swap3A = arith.constant 0 : index
    %swap3A_62 = arith.constant 0 : index
    %swap3A_63 = vector.load %arg9[%swap3A, %swap3A_62] : memref<64x256xf32, #tpu.memory_space<vmem>>, vector<64x256xf32>
    tpu.vector_store %arg9[%swap3A, %swap3A_62], %add3A_61 {strides = array<i32>} : memref<64x256xf32, #tpu.memory_space<vmem>>, vector<64x256xf32>,
    %get3A_64 = arith.constant 0 : index
    %get3A_65 = arith.constant 0 : index
    %get3A_66 = vector.load %arg10[%get3A_64, %get3A_65] : memref<1x64xf32, #tpu.memory_space<vmem>>, vector<1x64xf32>
    %reduce_sum3A = arith.constant dense<0.000000e+00> : vector<64xf32>
    %reduce_sum3A_67 = vector.multi_reduction <add>, %convert_element_type3A_49, %reduce_sum3A [1] : vector<64x512xf32> to vector<64xf32>
    %broadcast_in_dim3A_68 = vector.shape_cast %reduce_sum3A_67 : vector<64xf32> to vector<1x64xf32>
    %add3A_69 = arith.addf %get3A_66, %broadcast_in_dim3A_68 : vector<1x64xf32>
    %swap3A_70 = arith.constant 0 : index
    %swap3A_71 = arith.constant 0 : index
    %swap3A_72 = vector.load %arg10[%swap3A_70, %swap3A_71] : memref<1x64xf32, #tpu.memory_space<vmem>>, vector<1x64xf32>
    tpu.vector_store %arg10[%swap3A_70, %swap3A_71], %add3A_69 {strides = array<i32>} : memref<1x64xf32, #tpu.memory_space<vmem>>, vector<1x64xf32>,
    %eq3A_73 = arith.constant 19 : i32
    %eq3A_74 = arith.cmpi eq, %arg0, %eq3A_73 : i32
    %convert_element_type3A_75 = arith.extui %eq3A_74 : i1 to i32
    %cond3A_76 = arith.constant 0 : i32
    %cond3A_77 = arith.cmpi ne, %convert_element_type3A_75, %cond3A_76 : i32
    scf.if %cond3A_77 {
      %get3A_78 = arith.constant 0 : index
      %get3A_79 = arith.constant 0 : index
      %get3A_80 = vector.load %arg9[%get3A_78, %get3A_79] : memref<64x256xf32, #tpu.memory_space<vmem>>, vector<64x256xf32>
      %get3A_81 = arith.constant 0 : index
      %get3A_82 = arith.constant 0 : index
      %get3A_83 = vector.load %arg10[%get3A_81, %get3A_82] : memref<1x64xf32, #tpu.memory_space<vmem>>, vector<1x64xf32>
      %get3A_84 = vector.shape_cast %get3A_83 : vector<1x64xf32> to vector<64xf32>
      %max3A_85 = arith.constant 1.000000e+00 : f32
      %max3A_86 = vector.broadcast %max3A_85 : f32 to vector<64xf32>
      %max3A_87 = arith.maximumf %get3A_84, %max3A_86 : vector<64xf32>
      %broadcast_in_dim3A_88 = vector.shape_cast %max3A_87 : vector<64xf32> to vector<64x1xf32>
      %div3A = vector.broadcast %broadcast_in_dim3A_88 : vector<64x1xf32> to vector<64x256xf32>
      %div3A_89 = arith.divf %get3A_80, %div3A : vector<64x256xf32>
      %get3A_90 = arith.constant 0 : index
      %get3A_91 = arith.constant 0 : index
      %get3A_92 = vector.load %arg6[%get3A_90, %get3A_91] : memref<256x1xf32, #tpu.memory_space<vmem>>, vector<256x1xf32>
      %dot_general3A_93 = arith.constant dense<0.000000e+00> : vector<64x1xf32>
      %dot_general3A_94 = tpu.matmul %div3A_89, %get3A_92, %dot_general3A_93 {dimension_numbers = #tpu.dot_dimension_numbers<[1], [0], [0], [1], [0, 0, 1, 1], [], []>, transpose_lhs_hint = false} : vector<64x256xf32>, vector<256x1xf32>, vector<64x1xf32> -> vector<64x1xf32>
      %get3A_95 = arith.constant 0 : index
      %get3A_96 = arith.constant 0 : index
      %get3A_97 = vector.load %arg7[%get3A_95, %get3A_96] : memref<1x1xf32, #tpu.memory_space<vmem>>, vector<1x1xf32>
      %get3A_98 = vector.extract %get3A_97[0, 0] : f32 from vector<1x1xf32>
      %add3A_99 = vector.broadcast %get3A_98 : f32 to vector<64x1xf32>
      %add3A_100 = arith.addf %dot_general3A_94, %add3A_99 : vector<64x1xf32>
      %swap3A_101 = arith.constant 0 : index
      %swap3A_102 = arith.constant 0 : index
      %swap3A_103 = vector.load %arg8[%swap3A_101, %swap3A_102] : memref<64x1xf32, #tpu.memory_space<vmem>>, vector<64x1xf32>
      tpu.vector_store %arg8[%swap3A_101, %swap3A_102], %add3A_100 {strides = array<i32>} : memref<64x1xf32, #tpu.memory_space<vmem>>, vector<64x1xf32>,
    } else {
    }
    return
  }
  func.func @transform_0(%arg0: i32) -> (i32, i32, i32) {
    %c0_i32 = arith.constant 0 : i32
    %c0_i32_0 = arith.constant 0 : i32
    %c0_i32_1 = arith.constant 0 : i32
    return %c0_i32, %arg0, %c0_i32_0 : i32, i32, i32
  }
  func.func @transform_1(%arg0: i32) -> (i32, i32, i32) {
    %c0_i32 = arith.constant 0 : i32
    %c0_i32_0 = arith.constant 0 : i32
    %c0_i32_1 = arith.constant 0 : i32
    return %c0_i32, %arg0, %c0_i32_0 : i32, i32, i32
  }
  func.func @transform_2(%arg0: i32) -> (i32, i32, i32) {
    %c0_i32 = arith.constant 0 : i32
    %c0_i32_0 = arith.constant 0 : i32
    %c0_i32_1 = arith.constant 0 : i32
    return %c0_i32, %arg0, %c0_i32_0 : i32, i32, i32
  }
  func.func @transform_3(%arg0: i32) -> (i32, i32) {
    %c0_i32 = arith.constant 0 : i32
    %c0_i32_0 = arith.constant 0 : i32
    %c0_i32_1 = arith.constant 0 : i32
    return %c0_i32, %c0_i32_0 : i32, i32
  }
  func.func @transform_4(%arg0: i32) -> (i32, i32, i32) {
    %c0_i32 = arith.constant 0 : i32
    %c0_i32_0 = arith.constant 0 : i32
    %c0_i32_1 = arith.constant 0 : i32
    return %arg0, %c0_i32, %c0_i32_0 : i32, i32, i32
  }
  func.func @transform_5(%arg0: i32) -> (i32, i32) {
    %c0_i32 = arith.constant 0 : i32
    %c0_i32_0 = arith.constant 0 : i32
    %c0_i32_1 = arith.constant 0 : i32
    return %c0_i32, %c0_i32_0 : i32, i32
  }
  func.func @transform_6(%arg0: i32) -> (i32, i32) {
    %c0_i32 = arith.constant 0 : i32
    %c0_i32_0 = arith.constant 0 : i32
    %c0_i32_1 = arith.constant 0 : i32
    return %c0_i32, %c0_i32_0 : i32, i32
  }
  func.func @transform_7(%arg0: i32) -> (i32, i32) {
    %c0_i32 = arith.constant 0 : i32
    %c0_i32_0 = arith.constant 0 : i32
    %c0_i32_1 = arith.constant 0 : i32
    return %c0_i32, %c0_i32_0 : i32, i32
  }
}

</mosaic_0001>

<sc_bundles>
// kernel: kernel.11.cloned.1.call-start
scs
__scs_entry_jumppad:
0x0: {  	(pc) =	sbr.rel $0x88, $3  }
0x1: {  	(tag) =	ssettag $0x0;
	lr =	simm.s32 $0x1  }
0x2: {  	[smem:$0x3F96] =	sst lr;
	_ =	strace $0xD0000000  }
0x3: {  	_ = 	snop  }
0x4: {  	_ = 	snop  }
0x5: {  	_ = 	snop  }
0x6: {  	_ = 	snop  }
0x7: {  	_ = 	snop  }
__scs_overlays_trampoline_lowered:
0x8: {  	[smem:$0x3FA5] =	sst s0  }
0x9: {  	[smem:$0x3FA6] =	sst s1  }
0xa: {  	[smem:$0x3FA7] =	sst s2  }
0xb: {  	[smem:$0x3FA8] =	sst s3  }
0xc: {  	[smem:$0x3FA9] =	sst s4  }
0xd: {  	[smem:$0x3FAA] =	sst s5  }
0xe: {  	[smem:$0x3FAB] =	sst s6  }
0xf: {  	[smem:$0x3FAC] =	sst s7  }
0x10: {  	[smem:$0x3FAD] =	sst s8  }
0x11: {  	[smem:$0x3FAE] =	sst s9;
	s0 =	simm.s32 @!p0 $0x0  }
0x12: {  	s1 =	sld [smem:$0x3F94];
	s0 =	simm.s32 @p0 $0x1  }
0x13: {  	[smem:$0x3FAF] =	sst s0;
	s0 =	simm.s32 @!p1 $0x0  }
0x14: {  	s2 =	sld [smem:$0x3F93];
	s0 =	simm.s32 @p1 $0x1  }
0x15: {  	[smem:$0x3FB0] =	sst s0;
	s0 =	simm.s32 @!p2 $0x0  }
0x16: {  	s3 =	sld [smem:$0x3FDB];
	s0 =	simm.s32 @p2 $0x1  }
0x17: {  	s4 =	simm.s32 $0x1BF5;
	[smem:$0x3FB2] =	sst s0  }
0x18: {  	s0 =	sld [smem:$0x3F95];
	_ =	swait.ge [sflag:s4], $0x0  }
0x19: {  	s7 =	sld [smem:$0x3F96]  }
0x1a: {  	s8 =	sadd.s32 $0xFFFFE003, lr  }
0x1b: {  	s9 =	sadd.s32 $0xFFFFFEF7, lr;
	s5 =	simm.s32 $0xFFFFFFFF;
	p2 =	slt.u32 s8, $0xFFFFF086  }
0x1c: {  	p1 =	slt.u32 s9, $0xF7A;
	s5 =	simm.s32 @!p2 $0x0  }
0x1d: {  	s5 =	simm.s32 @p1 $0x1;
	p0 =	seq.s32 s7, s2  }
0x1e: {  	s7 =	smul.u32 @!p0 $0xF7A, s2;
	p2 =	seq.s32 @!p0 s5, $0x0  }
0x1f: {  	s9 =	smul.u32 $0xF7A, s1;
	s8 =	simm.s32 @!p0 $0x1BF5;
	p2 =	por !p2, p0  }
0x20: {  	[sflag:s8] =	ssyncset.s32 @!p0 $0xFFFFF086;
	s6 =	sadd.s32 @!p0 s3, s7;
	s7 =	simm.s32 @!p0 $0x108  }
0x21: {  	s3 =	sadd.s32 s3, s9;
	s6 =	sadd.s32 @!p0 $0x88, s6;
	s7 =	simm.s32 @p2 $0x1082  }
0x22: {  	[simem:s7], [sflag:s8] =	dma.local @!p0 [hbm:s6], $0xF7A  }
0x23: {  	s9 =	sor.u32 $0xD0000000, s2;
	s6 =	simm.s32 $0x108;
	_ =	swait.ge @!p0 [sflag:s8], $0x0  }
0x24: {  	s3 =	sadd.s32 $0x88, s3;
	s6 =	simm.s32 @!p1 $0x1082;
	[sflag:s4] =	ssyncset.s32 $0xFFFFF086  }
0x25: {  	[simem:s6], [sflag:s4] =	dma.local [hbm:s3], $0xF7A  }
0x26: {  	[smem:$0x3F96] =	sst s1;
	(tag) =	ssettag s2;
	_ =	strace s9  }
0x27: {  	s1 =	sld [smem:$0x3FA6]  }
0x28: {  	s2 =	sld [smem:$0x3FA7]  }
0x29: {  	s4 =	sld [smem:$0x3FA9]  }
0x2a: {  	p0 =	seq.s32 s5, $0x0;
	s5 =	sld [smem:$0x3FAA]  }
0x2b: {  	s6 =	sld [smem:$0x3FAB]  }
0x2c: {  	s7 =	sld [smem:$0x3FAC]  }
0x2d: {  	s3 =	simm.s32 $0x108;
	s8 =	sld [smem:$0x3FAD]  }
0x2e: {  	s3 =	simm.s32 @!p0 $0x1082;
	s9 =	sld [smem:$0x3FAE]  }
0x2f: {  	lr =	sadd.s32 s0, s3;
	s0 =	sld [smem:$0x3FA5]  }
0x30: {  	s3 =	sld [smem:$0x3FA8]  }
0x31: {  	[smem:$0x3FB1] =	sst s10  }
0x32: {  	s10 =	sld [smem:$0x3FAF];
	_ =	sdelay $0x3  }
0x33: {  	p0 =	seq.s32 s10, $0x1;
	s10 =	sld [smem:$0x3FB1];
	_ =	sdelay $0x3  }
0x34: {  	[smem:$0x3FB1] =	sst s10  }
0x35: {  	s10 =	sld [smem:$0x3FB0];
	_ =	sdelay $0x3  }
0x36: {  	p1 =	seq.s32 s10, $0x1;
	s10 =	sld [smem:$0x3FB1];
	_ =	sdelay $0x3  }
0x37: {  	[smem:$0x3FB1] =	sst s10  }
0x38: {  	s10 =	sld [smem:$0x3FB2]  }
0x39: {  	_ = 	snop;
	(pc) =	sbr.ind lr, $3  }
0x3a: {  	_ = 	snop  }
0x3b: {  	_ = 	snop  }
0x3c: {  	p2 =	seq.s32 s10, $0x1;
	s10 =	sld [smem:$0x3FB1]  }
0x3d: {  	_ =	shalt  }
0x3e: {  	_ =	shalt  }
0x3f: {  	_ =	shalt  }
0x40: {  	_ =	shalt  }
0x41: {  	_ =	shalt  }
0x42: {  	_ =	shalt  }
0x43: {  	_ =	shalt  }
0x44: {  	_ =	shalt  }
0x45: {  	_ =	shalt  }
0x46: {  	_ =	shalt  }
0x47: {  	_ =	shalt  }
0x48: {  	_ =	shalt  }
0x49: {  	_ =	shalt  }
0x4a: {  	_ =	shalt  }
0x4b: {  	_ =	shalt  }
0x4c: {  	_ =	shalt  }
0x4d: {  	_ =	shalt  }
0x4e: {  	_ =	shalt  }
0x4f: {  	_ =	shalt  }
0x50: {  	_ =	shalt  }
0x51: {  	_ =	shalt  }
0x52: {  	_ =	shalt  }
0x53: {  	_ =	shalt  }
0x54: {  	_ =	shalt  }
0x55: {  	_ =	shalt  }
0x56: {  	_ =	shalt  }
0x57: {  	_ =	shalt  }
0x58: {  	_ =	shalt  }
0x59: {  	_ =	shalt  }
0x5a: {  	_ =	shalt  }
0x5b: {  	_ =	shalt  }
0x5c: {  	_ =	shalt  }
0x5d: {  	_ =	shalt  }
0x5e: {  	_ =	shalt  }
0x5f: {  	_ =	shalt  }
0x60: {  	_ =	shalt  }
0x61: {  	_ =	shalt  }
0x62: {  	_ =	shalt  }
0x63: {  	_ =	shalt  }
0x64: {  	_ =	shalt  }
0x65: {  	_ =	shalt  }
0x66: {  	_ =	shalt  }
0x67: {  	_ =	shalt  }
0x68: {  	_ =	shalt  }
0x69: {  	_ =	shalt  }
0x6a: {  	_ =	shalt  }
0x6b: {  	_ =	shalt  }
0x6c: {  	_ =	shalt  }
0x6d: {  	_ =	shalt  }
0x6e: {  	_ =	shalt  }
0x6f: {  	_ =	shalt  }
0x70: {  	_ =	shalt  }
0x71: {  	_ =	shalt  }
0x72: {  	_ =	shalt  }
0x73: {  	_ =	shalt  }
0x74: {  	_ =	shalt  }
0x75: {  	_ =	shalt  }
0x76: {  	_ =	shalt  }
0x77: {  	_ =	shalt  }
0x78: {  	_ =	shalt  }
0x79: {  	_ =	shalt  }
0x7a: {  	_ =	shalt  }
0x7b: {  	_ =	shalt  }
0x7c: {  	_ =	shalt  }
0x7d: {  	_ =	shalt  }
0x7e: {  	_ =	shalt  }
0x7f: {  	_ =	shalt  }
0x80: {  	_ =	shalt  }
0x81: {  	_ =	shalt  }
0x82: {  	_ =	shalt  }
0x83: {  	_ =	shalt  }
0x84: {  	_ =	shalt  }
0x85: {  	_ =	shalt  }
0x86: {  	_ =	shalt  }
0x87: {  	_ =	shalt  }
.Lfunc_end0:
.L_simem_size_0:
called_computation_lowered:
.L_overlay_start_0:
0x88: {  	s2 =	sld [smem:$0x3FD9]  }
0x89: {  	s3 =	sld [smem:$0x3FFE];
	_ =	sdelay $0x1  }
0x8a: {  	s1 =	srdreg.scid  }
0x8b: {  	s0 =	sand.u32 $0x1, s1  }
0x8c: {  	s16 =	sshll.u32 s0, $0xA;
	s2 =	sadd.s32 s3, s2  }
0x8d: {  	s2 =	sadd.s32 s2, s16  }
0x8e: {  	[smem:$0x3FBD] =	sst s2  }
0x8f: {  	_ = 	snop  }
0x90: {  	(tm) =	ssettm $0x1  }
0x91: {  	s17 =	sld [smem:$0x3FFB];
	_ =	sdelay $0x3  }
0x92: {  	_ =	strace s17  }
0x93: {  	s2 =	sld [smem:$0x3FFC];
	_ =	sdelay $0x3  }
0x94: {  	_ =	strace s2  }
0x95: {  	s2 =	sld [smem:$0x3FFD];
	_ =	sdelay $0x3  }
0x96: {  	_ =	strace s2  }
0x97: {  	_ =	strace $0x8FFFFFFF  }
0x98: {  	s18 =	sld [smem:$0x3FDB];
	_ =	sdelay $0x1  }
0x99: {  	s19 =	simm.s32 $_scs_section_size  }
0x9a: {  	s4 =	simm.s32 $_size__tile_overlayer_lowered;
	s5 =	simm.s32 $_tile_overlayer_lowered  }
0x9b: {  	s22 =	simm.s32 $0x1BFF;
	s21 =	sshll.u32 s5, $0x1;
	s2 =	sadd.s32 s19, s18  }
0x9c: {  	s6 =	simm.s32 $0x0;
	s20 =	sshll.u32 s4, $0x1;
	s4 =	sadd.s32 s21, s2  }
0x9d: {  	[timem:s6], [sflag:s22] =	dma.local [hbm:s4], s20  }
0x9e: {  	_ =	swait.ge [sflag:s22], s20  }
0x9f: {  	s3 =	ssub.s32 $0x0, s20;
	[sflag:s22] =	ssyncset.done $0x0  }
0xa0: {  	[sflag:s22] =	ssyncadd.s32 s3;
	_ =	sdelay $0x1  }
0xa1: {  	s23 =	simm.s32 $0x1B8B  }
0xa2: {  	_ =	swait.ge [sflag:s23], $0x1  }
0xa3: {  	[sflag:s23] =	ssyncset.done $0x0  }
0xa4: {  	s25 =	simm.s32 $0x1B8E;
	s24 =	sld [smem:$0x3FFE];
	[sflag:s23] =	ssyncadd.s32 $0xFFFFFFFF  }
0xa5: {  	s26 =	simm.s32 $execute0_lowered;
	[smem:$0x3FD2] =	sst s25  }
0xa6: {  	s4 =	sshll.u32 s26, $0x1;
	_ =	strace $0x80000046;
	[dreg:$0x1] =	wrdreg $0xFFFFFFFF  }
0xa7: {  	s28 =	simm.s32 $_size_execute0_lowered;
	s2 =	sadd.s32 s2, s4;
	[dreg:$0x0] =	wrdreg $0x0  }
0xa8: {  	s4 =	sshll.u32 s28, $0x1;
	[dreg:$0x2] =	wrdreg s2  }
0xa9: {  	[dreg:$0x3] =	wrdreg s4  }
0xaa: {  	[dreg:$0x4] =	wrdreg $0xC0  }
0xab: {  	_ =	task [dreg:s6], $0x5FFFF  }
0xac: {  	[dreg:$0x1] =	wrdreg $0xFFFFFFFF  }
0xad: {  	[dreg:$0x0] =	wrdreg $0x60  }
0xae: {  	[dreg:$0x2] =	wrdreg s24  }
0xaf: {  	[dreg:$0x3] =	wrdreg $0x30000  }
0xb0: {  	[dreg:$0x4] =	wrdreg $0x9  }
0xb1: {  	_ =	task.clear_ibuf [dreg:s6], $0x5FFFF;
	_ =	strace $0x90000046  }
0xb2: {  	s29 =	simm.s32 $0x9;
	_ =	strace $0x80000048  }
0xb3: {  	_ =	swait.ge [sflag:s29], $0x1  }
0xb4: {  	[sflag:s29] =	ssyncadd.s32 $0xFFFFFFFF  }
0xb5: {  	_ =	strace $0x90000048  }
0xb6: {  	_ =	sfence  }
0xb7: {  	s30 =	sld [smem:$0x0];
	_ =	sdelay $0x2  }
0xb8: {  	s31 =	sshll.u32 s1, $0xD;
	s1 =	sshrl.u32 s1, $0x2  }
0xb9: {  	s3 =	sand.u32 $0x4000, s31;
	s1 =	sadd.s32 s1, s30  }
0xba: {  	s0 =	sor.u32 s3, s0;
	s1 =	sshll.u32 s1, $0x11  }
0xbb: {  	s0 =	sor.u32 s1, s0  }
0xbc: {  	s0 =	sadd.s32 $0x8F2B, s0  }
0xbd: {  	[sflag:s0] =	ssyncadd.remote.s32 $0x1  }
0xbe: {  	_ =	sfence.sel $0xFFFF  }
0xbf: {  	[dreg:$0x0] =	wrdreg $0xFFFFFFFF;
	(pc) =	sbr.abs _section_cstart, $3  }
0xc0: {  	[dreg:$0x1] =	wrdreg $0xFFFFFFFF  }
0xc1: {  	_ =	task.clear_ibuf [dreg:s6], $0x2FFFF;
	_ =	strace $0x9FFFFFFF  }
0xc2: {  	(tm) =	ssettm $0x7FFFFFFF  }
0xc3: {  	_ =	shalt  }
tec
execute0_lowered:
.L_overlay_start_1:
0x0: {  	(tag) =	ssettag $0x1  }
0x1: {  	s4 =	rddreg [dreg:$0x0]  }
0x2: {  	s1 =	rddreg [dreg:$0x1]  }
0x3: {  	s2 =	srdreg.scid;
	s0 =	rddreg [dreg:$0x2];
	s3 =	simm.s32 $0x0  }
0x4: {  	s12 =	simm.s32 $0x2800;
	s13 =	simm.s32 $0x1;
	s5 =	sand.u32 $0x1, s2  }
0x5: {  	s14 =	simm.s32 $0x80;
	s2 =	stileid.u32;
	s7 =	smul.u32 $0x28000, s5  }
0x6: {  	[smem:$0x7FF] =	sst s3;
	s6 =	sshll.u32 s5, $0x4;
	s8 =	smul.u32 $0x2800, s2  }
0x7: {  	_ =	strace $0x80000047;
	s5 =	ssub.s32 $0x2, s5;
	s9 =	smul.u32 $0xA000, s2  }
0x8: {  	s15 =	sshll.u32 s2, $0x6;
	s6 =	sor.u32 s2, s6;
	s10 =	sshrl.u32 s5, $0x1  }
0x9: {  	s15 =	sor.u32 $0x1C01, s15;
	s6 =	smul.u32 $0x500, s6;
	s7 =	sadd.s32 s8, s7  }
0xa: {  	s10 =	ssub.s32 s5, s10;
	s31 =	sshrl.u32 s9, $0x2;
	s16 =	sadd.s32 s8, s1  }
0xb: {  	s7 =	sshrl.u32 s7, $0x3;
	s16 =	sshrl.u32 s16, $0x3;
	s6 =	sadd.s32 s6, s4  }
0xc: {  	s7 =	sadd.s32 s7, s4;
	s4 =	sadd.s32 s31, s1;
	s5 =	sadd.s32 $0x3000, s6  }
0xd: {  	s6 =	sadd.s32 $0xD000, s7;
	s7 =	smax.u32 s10, $0x1;
	s8 =	sadd.s32 $0x800, s4  }
0xe: {  	v0 =	vimm.f32 $0.0e+00;
	v1 =	vimm.f32 $1.000000000e+00;
	s9 =	sadd.s32 $0x1000, s4;
	s10 =	sadd.s32 $0x1800, s4;
	s11 =	sadd.s32 $0x2000, s4  }
.LBB2_1:
0xf: {  	s17 =	simm.s32 $0x40;
	s18 =	simm.s32 $0x0  }
.LBB2_2:
0x10: {  	p0 =	sne.s32 s17, $0x1FC0;
	[tilespmem:s18+$0x2800] =	vst v0;
	s18 =	smov.u32 s17;
	s17 =	sadd.s32 $0x40, s17  }
.Ltmp0:
0x11: {  	(pc) =	sbr.rel @p0 .LBB2_2-.Ltmp0, $2  }
0x12: {  	_ =	sdelay $0x2  }
0x13: {  	s18 =	sshra.s32 s18, $0x2  }
0x14: {  	[tilespmem:s18+$0x2800] =	vst v0  }
0x15: {  	[spmem:s4] =	stream.linear.scatter [tilespmem:s12], [sflag:$0x1], $0x800, $0x38;
	[tilespmem:$0x5800] =	vst v63  }
0x16: {  	_ =	swait.ge [sflag:s13], $0x800  }
0x17: {  	[sflag:s13] =	ssyncset.done $0x0  }
0x18: {  	[sflag:s13] =	ssyncadd.s32 $0xFFFFF800  }
0x19: {  	[spmem:s8] =	stream.linear.scatter [tilespmem:s12], [sflag:$0x1], $0x800, $0x38;
	[tilespmem:$0x5800] =	vst v63  }
0x1a: {  	_ =	swait.ge [sflag:s13], $0x800  }
0x1b: {  	[sflag:s13] =	ssyncset.done $0x0  }
0x1c: {  	[sflag:s13] =	ssyncadd.s32 $0xFFFFF800  }
0x1d: {  	[spmem:s9] =	stream.linear.scatter [tilespmem:s12], [sflag:$0x1], $0x800, $0x38;
	[tilespmem:$0x5800] =	vst v63  }
0x1e: {  	_ =	swait.ge [sflag:s13], $0x800  }
0x1f: {  	[sflag:s13] =	ssyncset.done $0x0  }
0x20: {  	[sflag:s13] =	ssyncadd.s32 $0xFFFFF800  }
0x21: {  	[spmem:s10] =	stream.linear.scatter [tilespmem:s12], [sflag:$0x1], $0x800, $0x38;
	[tilespmem:$0x5800] =	vst v63  }
0x22: {  	_ =	swait.ge [sflag:s13], $0x800  }
0x23: {  	[sflag:s13] =	ssyncset.done $0x0  }
0x24: {  	[sflag:s13] =	ssyncadd.s32 $0xFFFFF800  }
0x25: {  	[spmem:s11] =	stream.linear.scatter [tilespmem:s12], [sflag:$0x1], $0x800, $0x38;
	[tilespmem:$0x5800] =	vst v63  }
0x26: {  	_ =	swait.ge [sflag:s13], $0x800  }
0x27: {  	[sflag:s13] =	ssyncset.done $0x0  }
0x28: {  	s17 =	simm.s32 $0x40;
	s18 =	simm.s32 $0x0;
	[sflag:s13] =	ssyncadd.s32 $0xFFFFF800  }
.LBB2_4:
0x29: {  	p0 =	sne.s32 s17, $0x1FC0;
	[tilespmem:s18+$0x2800] =	vst v1;
	s18 =	smov.u32 s17;
	s17 =	sadd.s32 $0x40, s17  }
.Ltmp1:
0x2a: {  	(pc) =	sbr.rel @p0 .LBB2_4-.Ltmp1, $2  }
0x2b: {  	_ =	sdelay $0x2  }
0x2c: {  	s18 =	sshra.s32 s18, $0x2  }
0x2d: {  	[tilespmem:s18+$0x2800] =	vst v1  }
0x2e: {  	s17 =	simm.s32 $0x0;
	[bflag:$0x0] =	sbarrier.arrive $0xFFFF  }
0x2f: {  	[tilespmem:s17], [sflag:$0x1] =	stream.linear.gather [hbm4b:s5+s17], $0x2800, $0x38;
	[tilespmem:$0x5800] =	vst v63  }
0x30: {  	_ =	swait.ge [sflag:s13], $0x2800  }
0x31: {  	[sflag:s13] =	ssyncset.done $0x0  }
0x32: {  	s31 =	simm.s32 $0x0;
	[sflag:s13] =	ssyncadd.s32 $0xFFFFD800  }
0x33: {  	[spmem:s1] =	stream.indirect.scatter.add.f32 [tilespmem:s12], [sflag:$0x1], $0x10, s31, s14, $0xb8;
	[tilespmem:$0x5800] =	vst v63  }
0x34: {  	_ =	swait.ge [sflag:s13], $0x800  }
0x35: {  	s17 =	simm.s32 $0x200;
	[sflag:s13] =	ssyncset.done $0x0  }
.LBB2_6:
0x36: {  	s18 =	sshra.s32 s17, $0x2;
	[sflag:s13] =	ssyncadd.s32 $0xFFFFF800;
	p0 =	sne.s32 s17, $0x9E00  }
0x37: {  	[spmem:s1] =	stream.indirect.scatter.add.f32 [tilespmem:s12], [sflag:$0x1], $0x10, s18, s14, $0xb8;
	[tilespmem:$0x5800] =	vst v63  }
.Ltmp2:
0x38: {  	_ = 	snop;
	(pc) =	sbr.rel @p0 .LBB2_6-.Ltmp2, $4  }
0x39: {  	_ = 	snop  }
0x3a: {  	s17 =	sadd.s32 $0x200, s17  }
0x3b: {  	_ =	swait.ge [sflag:s13], $0x800  }
0x3c: {  	[sflag:s13] =	ssyncset.done $0x0  }
0x3d: {  	s3 =	sadd.s32 $0x1, s3  }
0x3e: {  	[sflag:s13] =	ssyncadd.s32 $0xFFFFF800;
	p0 =	sne.s32 s3, s7  }
.Ltmp3:
0x3f: {  	[bflag:$0x0] =	sbarrier.arrive $0xFFFF;
	(pc) =	sbr.rel @p0 .LBB2_1-.Ltmp3, $4  }
0x40: {  	[hbm:s6], [sflag:s15] =	dma.local [spmem:s16], $0x500  }
0x41: {  	_ =	swait.ge [sflag:s13], $0x500  }
0x42: {  	[sflag:s13] =	ssyncset.done $0x0  }
0x43: {  	[sflag:s13] =	ssyncadd.s32 $0xFFFFFB00  }
0x44: {  	_ =	sfence.sel $0x180000  }
0x45: {  	[bflag:$0x0] =	sbarrier.arrive $0xFFFF  }
0x46: {  	p0 =	sne.s32 s2, $0x0;
	_ =	strace $0x90000047  }
0x47: {  	s0 =	sadd.s32 @!p0 $0x100000, s0;
	[bflag:$0x2] =	sbarrier.arrive $0xFFFF  }
0x48: {  	[sflag:s0] =	ssyncadd.tile.s32 @!p0 $0x1;
	_ =	shalt  }
.Lfunc_end2:
_tile_overlayer_lowered:
.L_overlay_start_2:
0x49: {  	(tag) =	ssettag $0x2  }
0x4a: {  	s0 =	rddreg [dreg:$0x0];
	s2 =	stileid.u32  }
0x4b: {  	s1 =	rddreg [dreg:$0x1];
	p0 =	sne.s32 s2, $0x0  }
0x4c: {  	s3 =	rddreg [dreg:$0x2];
	[bflag:$0x3] =	sbarrier.arrive $0xFFFF;
	s2 =	simm.s32 @!p0 $0x1C01  }
0x4d: {  	[timem:s3], [sflag:s2] =	dma.local @!p0 [hbm:s0], s1  }
0x4e: {  	s0 =	simm.s32 @!p0 $0x1  }
0x4f: {  	_ =	swait.ge @!p0 [sflag:s0], s1  }
0x50: {  	s1 =	ssub.s32 @!p0 $0x0, s1;
	[sflag:s0] =	ssyncset.done @!p0 $0x0  }
0x51: {  	[sflag:s0] =	ssyncadd.s32 @!p0 s1  }
0x52: {  	[bflag:$0x3] =	sbarrier.arrive $0xFFFF  }
0x53: {  	_ =	shalt  }

// kernel: kernel.14.cloned.1.call-start
scs
__scs_entry_jumppad:
0x0: {  	(pc) =	sbr.rel $0x88, $3  }
0x1: {  	(tag) =	ssettag $0x0;
	lr =	simm.s32 $0x1  }
0x2: {  	[smem:$0x3F96] =	sst lr;
	_ =	strace $0xD0000000  }
0x3: {  	_ = 	snop  }
0x4: {  	_ = 	snop  }
0x5: {  	_ = 	snop  }
0x6: {  	_ = 	snop  }
0x7: {  	_ = 	snop  }
__scs_overlays_trampoline_lowered:
0x8: {  	[smem:$0x3FA5] =	sst s0  }
0x9: {  	[smem:$0x3FA6] =	sst s1  }
0xa: {  	[smem:$0x3FA7] =	sst s2  }
0xb: {  	[smem:$0x3FA8] =	sst s3  }
0xc: {  	[smem:$0x3FA9] =	sst s4  }
0xd: {  	[smem:$0x3FAA] =	sst s5  }
0xe: {  	[smem:$0x3FAB] =	sst s6  }
0xf: {  	[smem:$0x3FAC] =	sst s7  }
0x10: {  	[smem:$0x3FAD] =	sst s8  }
0x11: {  	[smem:$0x3FAE] =	sst s9;
	s0 =	simm.s32 @!p0 $0x0  }
0x12: {  	s1 =	sld [smem:$0x3F94];
	s0 =	simm.s32 @p0 $0x1  }
0x13: {  	[smem:$0x3FAF] =	sst s0;
	s0 =	simm.s32 @!p1 $0x0  }
0x14: {  	s2 =	sld [smem:$0x3F93];
	s0 =	simm.s32 @p1 $0x1  }
0x15: {  	[smem:$0x3FB0] =	sst s0;
	s0 =	simm.s32 @!p2 $0x0  }
0x16: {  	s3 =	sld [smem:$0x3FDB];
	s0 =	simm.s32 @p2 $0x1  }
0x17: {  	s4 =	simm.s32 $0x1BF5;
	[smem:$0x3FB2] =	sst s0  }
0x18: {  	s0 =	sld [smem:$0x3F95];
	_ =	swait.ge [sflag:s4], $0x0  }
0x19: {  	s7 =	sld [smem:$0x3F96]  }
0x1a: {  	s8 =	sadd.s32 $0xFFFFE003, lr  }
0x1b: {  	s9 =	sadd.s32 $0xFFFFFEF7, lr;
	s5 =	simm.s32 $0xFFFFFFFF;
	p2 =	slt.u32 s8, $0xFFFFF086  }
0x1c: {  	p1 =	slt.u32 s9, $0xF7A;
	s5 =	simm.s32 @!p2 $0x0  }
0x1d: {  	s5 =	simm.s32 @p1 $0x1;
	p0 =	seq.s32 s7, s2  }
0x1e: {  	s7 =	smul.u32 @!p0 $0xF7A, s2;
	p2 =	seq.s32 @!p0 s5, $0x0  }
0x1f: {  	s9 =	smul.u32 $0xF7A, s1;
	s8 =	simm.s32 @!p0 $0x1BF5;
	p2 =	por !p2, p0  }
0x20: {  	[sflag:s8] =	ssyncset.s32 @!p0 $0xFFFFF086;
	s6 =	sadd.s32 @!p0 s3, s7;
	s7 =	simm.s32 @!p0 $0x108  }
0x21: {  	s3 =	sadd.s32 s3, s9;
	s6 =	sadd.s32 @!p0 $0x88, s6;
	s7 =	simm.s32 @p2 $0x1082  }
0x22: {  	[simem:s7], [sflag:s8] =	dma.local @!p0 [hbm:s6], $0xF7A  }
0x23: {  	s9 =	sor.u32 $0xD0000000, s2;
	s6 =	simm.s32 $0x108;
	_ =	swait.ge @!p0 [sflag:s8], $0x0  }
0x24: {  	s3 =	sadd.s32 $0x88, s3;
	s6 =	simm.s32 @!p1 $0x1082;
	[sflag:s4] =	ssyncset.s32 $0xFFFFF086  }
0x25: {  	[simem:s6], [sflag:s4] =	dma.local [hbm:s3], $0xF7A  }
0x26: {  	[smem:$0x3F96] =	sst s1;
	(tag) =	ssettag s2;
	_ =	strace s9  }
0x27: {  	s1 =	sld [smem:$0x3FA6]  }
0x28: {  	s2 =	sld [smem:$0x3FA7]  }
0x29: {  	s4 =	sld [smem:$0x3FA9]  }
0x2a: {  	p0 =	seq.s32 s5, $0x0;
	s5 =	sld [smem:$0x3FAA]  }
0x2b: {  	s6 =	sld [smem:$0x3FAB]  }
0x2c: {  	s7 =	sld [smem:$0x3FAC]  }
0x2d: {  	s3 =	simm.s32 $0x108;
	s8 =	sld [smem:$0x3FAD]  }
0x2e: {  	s3 =	simm.s32 @!p0 $0x1082;
	s9 =	sld [smem:$0x3FAE]  }
0x2f: {  	lr =	sadd.s32 s0, s3;
	s0 =	sld [smem:$0x3FA5]  }
0x30: {  	s3 =	sld [smem:$0x3FA8]  }
0x31: {  	[smem:$0x3FB1] =	sst s10  }
0x32: {  	s10 =	sld [smem:$0x3FAF];
	_ =	sdelay $0x3  }
0x33: {  	p0 =	seq.s32 s10, $0x1;
	s10 =	sld [smem:$0x3FB1];
	_ =	sdelay $0x3  }
0x34: {  	[smem:$0x3FB1] =	sst s10  }
0x35: {  	s10 =	sld [smem:$0x3FB0];
	_ =	sdelay $0x3  }
0x36: {  	p1 =	seq.s32 s10, $0x1;
	s10 =	sld [smem:$0x3FB1];
	_ =	sdelay $0x3  }
0x37: {  	[smem:$0x3FB1] =	sst s10  }
0x38: {  	s10 =	sld [smem:$0x3FB2]  }
0x39: {  	_ = 	snop;
	(pc) =	sbr.ind lr, $3  }
0x3a: {  	_ = 	snop  }
0x3b: {  	_ = 	snop  }
0x3c: {  	p2 =	seq.s32 s10, $0x1;
	s10 =	sld [smem:$0x3FB1]  }
0x3d: {  	_ =	shalt  }
0x3e: {  	_ =	shalt  }
0x3f: {  	_ =	shalt  }
0x40: {  	_ =	shalt  }
0x41: {  	_ =	shalt  }
0x42: {  	_ =	shalt  }
0x43: {  	_ =	shalt  }
0x44: {  	_ =	shalt  }
0x45: {  	_ =	shalt  }
0x46: {  	_ =	shalt  }
0x47: {  	_ =	shalt  }
0x48: {  	_ =	shalt  }
0x49: {  	_ =	shalt  }
0x4a: {  	_ =	shalt  }
0x4b: {  	_ =	shalt  }
0x4c: {  	_ =	shalt  }
0x4d: {  	_ =	shalt  }
0x4e: {  	_ =	shalt  }
0x4f: {  	_ =	shalt  }
0x50: {  	_ =	shalt  }
0x51: {  	_ =	shalt  }
0x52: {  	_ =	shalt  }
0x53: {  	_ =	shalt  }
0x54: {  	_ =	shalt  }
0x55: {  	_ =	shalt  }
0x56: {  	_ =	shalt  }
0x57: {  	_ =	shalt  }
0x58: {  	_ =	shalt  }
0x59: {  	_ =	shalt  }
0x5a: {  	_ =	shalt  }
0x5b: {  	_ =	shalt  }
0x5c: {  	_ =	shalt  }
0x5d: {  	_ =	shalt  }
0x5e: {  	_ =	shalt  }
0x5f: {  	_ =	shalt  }
0x60: {  	_ =	shalt  }
0x61: {  	_ =	shalt  }
0x62: {  	_ =	shalt  }
0x63: {  	_ =	shalt  }
0x64: {  	_ =	shalt  }
0x65: {  	_ =	shalt  }
0x66: {  	_ =	shalt  }
0x67: {  	_ =	shalt  }
0x68: {  	_ =	shalt  }
0x69: {  	_ =	shalt  }
0x6a: {  	_ =	shalt  }
0x6b: {  	_ =	shalt  }
0x6c: {  	_ =	shalt  }
0x6d: {  	_ =	shalt  }
0x6e: {  	_ =	shalt  }
0x6f: {  	_ =	shalt  }
0x70: {  	_ =	shalt  }
0x71: {  	_ =	shalt  }
0x72: {  	_ =	shalt  }
0x73: {  	_ =	shalt  }
0x74: {  	_ =	shalt  }
0x75: {  	_ =	shalt  }
0x76: {  	_ =	shalt  }
0x77: {  	_ =	shalt  }
0x78: {  	_ =	shalt  }
0x79: {  	_ =	shalt  }
0x7a: {  	_ =	shalt  }
0x7b: {  	_ =	shalt  }
0x7c: {  	_ =	shalt  }
0x7d: {  	_ =	shalt  }
0x7e: {  	_ =	shalt  }
0x7f: {  	_ =	shalt  }
0x80: {  	_ =	shalt  }
0x81: {  	_ =	shalt  }
0x82: {  	_ =	shalt  }
0x83: {  	_ =	shalt  }
0x84: {  	_ =	shalt  }
0x85: {  	_ =	shalt  }
0x86: {  	_ =	shalt  }
0x87: {  	_ =	shalt  }
.Lfunc_end0:
.L_simem_size_0:
called_computation.1_lowered:
.L_overlay_start_0:
0x88: {  	s2 =	sld [smem:$0x3FD9]  }
0x89: {  	s3 =	sld [smem:$0x3FFE];
	_ =	sdelay $0x1  }
0x8a: {  	s1 =	srdreg.scid  }
0x8b: {  	s0 =	sand.u32 $0x1, s1  }
0x8c: {  	s16 =	sshll.u32 s0, $0xA;
	s2 =	sadd.s32 s3, s2  }
0x8d: {  	s2 =	sadd.s32 s2, s16  }
0x8e: {  	[smem:$0x3FBD] =	sst s2  }
0x8f: {  	_ = 	snop  }
0x90: {  	(tm) =	ssettm $0x1  }
0x91: {  	s17 =	sld [smem:$0x3FFB];
	_ =	sdelay $0x3  }
0x92: {  	_ =	strace s17  }
0x93: {  	s2 =	sld [smem:$0x3FFC];
	_ =	sdelay $0x3  }
0x94: {  	_ =	strace s2  }
0x95: {  	s2 =	sld [smem:$0x3FFD];
	_ =	sdelay $0x3  }
0x96: {  	_ =	strace s2  }
0x97: {  	_ =	strace $0x8FFFFFFF  }
0x98: {  	s18 =	sld [smem:$0x3FDB];
	_ =	sdelay $0x1  }
0x99: {  	s19 =	simm.s32 $_scs_section_size  }
0x9a: {  	s4 =	simm.s32 $_size__tile_overlayer_lowered;
	s5 =	simm.s32 $_tile_overlayer_lowered  }
0x9b: {  	s22 =	simm.s32 $0x1BFF;
	s21 =	sshll.u32 s5, $0x1;
	s2 =	sadd.s32 s19, s18  }
0x9c: {  	s6 =	simm.s32 $0x0;
	s20 =	sshll.u32 s4, $0x1;
	s4 =	sadd.s32 s21, s2  }
0x9d: {  	[timem:s6], [sflag:s22] =	dma.local [hbm:s4], s20  }
0x9e: {  	_ =	swait.ge [sflag:s22], s20  }
0x9f: {  	s3 =	ssub.s32 $0x0, s20;
	[sflag:s22] =	ssyncset.done $0x0  }
0xa0: {  	[sflag:s22] =	ssyncadd.s32 s3;
	_ =	sdelay $0x1  }
0xa1: {  	s23 =	simm.s32 $0x1B8B  }
0xa2: {  	_ =	swait.ge [sflag:s23], $0x1  }
0xa3: {  	[sflag:s23] =	ssyncset.done $0x0  }
0xa4: {  	s25 =	simm.s32 $0x1B8E;
	s24 =	sld [smem:$0x3FFE];
	[sflag:s23] =	ssyncadd.s32 $0xFFFFFFFF  }
0xa5: {  	s26 =	simm.s32 $execute0_lowered;
	[smem:$0x3FD2] =	sst s25  }
0xa6: {  	s4 =	sshll.u32 s26, $0x1;
	_ =	strace $0x80000049;
	[dreg:$0x1] =	wrdreg $0xFFFFFFFF  }
0xa7: {  	s28 =	simm.s32 $_size_execute0_lowered;
	s2 =	sadd.s32 s2, s4;
	[dreg:$0x0] =	wrdreg $0x0  }
0xa8: {  	s4 =	sshll.u32 s28, $0x1;
	[dreg:$0x2] =	wrdreg s2  }
0xa9: {  	[dreg:$0x3] =	wrdreg s4  }
0xaa: {  	[dreg:$0x4] =	wrdreg $0xC0  }
0xab: {  	_ =	task [dreg:s6], $0x5FFFF  }
0xac: {  	[dreg:$0x1] =	wrdreg $0xFFFFFFFF  }
0xad: {  	[dreg:$0x0] =	wrdreg $0x60  }
0xae: {  	[dreg:$0x2] =	wrdreg s24  }
0xaf: {  	[dreg:$0x3] =	wrdreg $0x60000  }
0xb0: {  	[dreg:$0x4] =	wrdreg $0x9  }
0xb1: {  	_ =	task.clear_ibuf [dreg:s6], $0x5FFFF;
	_ =	strace $0x90000049  }
0xb2: {  	s29 =	simm.s32 $0x9;
	_ =	strace $0x8000004B  }
0xb3: {  	_ =	swait.ge [sflag:s29], $0x1  }
0xb4: {  	[sflag:s29] =	ssyncadd.s32 $0xFFFFFFFF  }
0xb5: {  	_ =	strace $0x9000004B  }
0xb6: {  	_ =	sfence  }
0xb7: {  	s30 =	sld [smem:$0x0];
	_ =	sdelay $0x2  }
0xb8: {  	s31 =	sshll.u32 s1, $0xD;
	s1 =	sshrl.u32 s1, $0x2  }
0xb9: {  	s3 =	sand.u32 $0x4000, s31;
	s1 =	sadd.s32 s1, s30  }
0xba: {  	s0 =	sor.u32 s3, s0;
	s1 =	sshll.u32 s1, $0x11  }
0xbb: {  	s0 =	sor.u32 s1, s0  }
0xbc: {  	s0 =	sadd.s32 $0x8F2B, s0  }
0xbd: {  	[sflag:s0] =	ssyncadd.remote.s32 $0x1  }
0xbe: {  	_ =	sfence.sel $0xFFFF  }
0xbf: {  	[dreg:$0x0] =	wrdreg $0xFFFFFFFF;
	(pc) =	sbr.abs _section_cstart, $3  }
0xc0: {  	[dreg:$0x1] =	wrdreg $0xFFFFFFFF  }
0xc1: {  	_ =	task.clear_ibuf [dreg:s6], $0x2FFFF;
	_ =	strace $0x9FFFFFFF  }
0xc2: {  	(tm) =	ssettm $0x7FFFFFFF  }
0xc3: {  	_ =	shalt  }
tec
execute0_lowered:
.L_overlay_start_1:
0x0: {  	(tag) =	ssettag $0x1  }
0x1: {  	s0 =	rddreg [dreg:$0x0]  }
0x2: {  	s1 =	rddreg [dreg:$0x1]  }
0x3: {  	s2 =	srdreg.scid;
	s3 =	simm.s32 $0x0;
	s12 =	stileid.u32  }
0x4: {  	s21 =	simm.s32 $0x1000;
	s28 =	simm.s32 $0x1;
	s29 =	simm.s32 $0x2  }
0x5: {  	s30 =	simm.s32 $0x7C0;
	s31 =	simm.s32 $0xF80;
	s2 =	sand.u32 $0x1, s2  }
0x6: {  	[smem:$0x7FF] =	sst s3;
	s9 =	smul.u32 $0x19000, s12;
	s4 =	sadd.s32 $0x2B000, s0  }
0x7: {  	s5 =	sadd.s32 $0x17000, s0;
	s6 =	sadd.s32 $0x3000, s0;
	s10 =	smul.u32 $0x64000, s12  }
0x8: {  	s7 =	smul.u32 $0x190000, s2;
	_ =	strace $0x8000004A;
	s8 =	ssub.s32 $0x2, s2  }
0x9: {  	s11 =	sshrl.u32 s8, $0x1;
	s14 =	sshrl.u32 s10, $0x2;
	s15 =	sadd.s32 s9, s1  }
0xa: {  	s7 =	sadd.s32 s9, s7;
	s11 =	ssub.s32 s8, s11;
	s8 =	smul.u32 $0x50000, s2  }
0xb: {  	s10 =	sadd.s32 s14, s1;
	s7 =	sshrl.u32 s7, $0x3;
	s22 =	smax.u32 s11, $0x1  }
0xc: {  	s23 =	sadd.s32 $0x2800, s10;
	s24 =	sadd.s32 $0x5000, s10;
	s25 =	sadd.s32 $0x7800, s10  }
0xd: {  	s26 =	sadd.s32 $0xA000, s10;
	s16 =	sadd.s32 $0xC800, s10;
	[dreg:$0x4] =	wrdreg s22  }
0xe: {  	s17 =	sadd.s32 $0xF000, s10;
	s18 =	sadd.s32 $0x11800, s10;
	[dreg:$0x5] =	wrdreg s23  }
0xf: {  	s19 =	sadd.s32 $0x14000, s10;
	s20 =	sadd.s32 $0x16800, s10;
	[dreg:$0x6] =	wrdreg s24  }
0x10: {  	s0 =	sadd.s32 s7, s0;
	s7 =	smul.u32 $0x5000, s12;
	[dreg:$0x7] =	wrdreg s25  }
0x11: {  	[dreg:$0x8] =	wrdreg s26;
	s22 =	simm.s32 $0x3;
	s23 =	simm.s32 $0x800  }
0x12: {  	s24 =	simm.s32 $0x40;
	s25 =	sshrl.u32 s15, $0x3;
	s0 =	sadd.s32 $0x193000, s0  }
0x13: {  	v0 =	vimm.f32 $0.0e+00;
	s26 =	simm.s32 $0x3800;
	[dreg:$0x3] =	wrdreg s0;
	s0 =	simm.s32 $0xFC0  }
.LBB2_1:
0x14: {  	s2 =	simm.s32 $0x90;
	s9 =	simm.s32 $0x4C0  }
.LBB2_2:
0x15: {  	p0 =	sne.s32 s9, $0x9FC0;
	[tilespmem:s2+$0x1000] =	vst v0  }
0x16: {  	[tilespmem:s2+$0xF70] =	vst v0  }
0x17: {  	[tilespmem:s2+$0xF80] =	vst v0  }
0x18: {  	[tilespmem:s2+$0xF90] =	vst v0  }
0x19: {  	[tilespmem:s2+$0xFA0] =	vst v0  }
.Ltmp0:
0x1a: {  	[tilespmem:s2+$0xFB0] =	vst v0;
	(pc) =	sbr.rel @p0 .LBB2_2-.Ltmp0, $4  }
0x1b: {  	[tilespmem:s2+$0xFC0] =	vst v0  }
0x1c: {  	[tilespmem:s2+$0xFD0] =	vst v0  }
0x1d: {  	[tilespmem:s2+$0xFE0] =	vst v0  }
0x1e: {  	[tilespmem:s2+$0xFF0] =	vst v0;
	s2 =	sshra.s32 s9, $0x2;
	s9 =	sadd.s32 $0x280, s9  }
0x1f: {  	[tilespmem:s2+$0x1000] =	vst v0  }
0x20: {  	[tilespmem:s2+$0xF70] =	vst v0  }
0x21: {  	[tilespmem:s2+$0xF80] =	vst v0  }
0x22: {  	[tilespmem:s2+$0xF90] =	vst v0  }
0x23: {  	[tilespmem:s2+$0xFA0] =	vst v0  }
0x24: {  	[tilespmem:s2+$0xFB0] =	vst v0  }
0x25: {  	[tilespmem:s2+$0xFC0] =	vst v0  }
0x26: {  	[tilespmem:s2+$0xFD0] =	vst v0  }
0x27: {  	[tilespmem:s2+$0xFE0] =	vst v0  }
0x28: {  	[tilespmem:s2+$0xFF0] =	vst v0  }
0x29: {  	[spmem:s10] =	stream.linear.scatter [tilespmem:s21], [sflag:$0x3], $0x2800, $0x38;
	[tilespmem:$0x1F000] =	vst v63  }
0x2a: {  	_ =	swait.ge [sflag:s22], $0x2800  }
0x2b: {  	[sflag:s22] =	ssyncset.done $0x0  }
0x2c: {  	s12 =	rddreg [dreg:$0x5];
	[sflag:s22] =	ssyncadd.s32 $0xFFFFD800  }
0x2d: {  	[spmem:s12] =	stream.linear.scatter [tilespmem:s21], [sflag:$0x3], $0x2800, $0x38;
	[tilespmem:$0x1F000] =	vst v63  }
0x2e: {  	_ =	swait.ge [sflag:s22], $0x2800  }
0x2f: {  	[sflag:s22] =	ssyncset.done $0x0  }
0x30: {  	s13 =	rddreg [dreg:$0x6];
	[sflag:s22] =	ssyncadd.s32 $0xFFFFD800  }
0x31: {  	[spmem:s13] =	stream.linear.scatter [tilespmem:s21], [sflag:$0x3], $0x2800, $0x38;
	[tilespmem:$0x1F000] =	vst v63  }
0x32: {  	_ =	swait.ge [sflag:s22], $0x2800  }
0x33: {  	[sflag:s22] =	ssyncset.done $0x0  }
0x34: {  	s14 =	rddreg [dreg:$0x7];
	[sflag:s22] =	ssyncadd.s32 $0xFFFFD800  }
0x35: {  	[spmem:s14] =	stream.linear.scatter [tilespmem:s21], [sflag:$0x3], $0x2800, $0x38;
	[tilespmem:$0x1F000] =	vst v63  }
0x36: {  	_ =	swait.ge [sflag:s22], $0x2800  }
0x37: {  	[sflag:s22] =	ssyncset.done $0x0  }
0x38: {  	s15 =	rddreg [dreg:$0x8];
	[sflag:s22] =	ssyncadd.s32 $0xFFFFD800  }
0x39: {  	[spmem:s15] =	stream.linear.scatter [tilespmem:s21], [sflag:$0x3], $0x2800, $0x38;
	[tilespmem:$0x1F000] =	vst v63  }
0x3a: {  	_ =	swait.ge [sflag:s22], $0x2800  }
0x3b: {  	[sflag:s22] =	ssyncset.done $0x0  }
0x3c: {  	[sflag:s22] =	ssyncadd.s32 $0xFFFFD800  }
0x3d: {  	[spmem:s16] =	stream.linear.scatter [tilespmem:s21], [sflag:$0x3], $0x2800, $0x38;
	[tilespmem:$0x1F000] =	vst v63  }
0x3e: {  	_ =	swait.ge [sflag:s22], $0x2800  }
0x3f: {  	[sflag:s22] =	ssyncset.done $0x0  }
0x40: {  	[sflag:s22] =	ssyncadd.s32 $0xFFFFD800  }
0x41: {  	[spmem:s17] =	stream.linear.scatter [tilespmem:s21], [sflag:$0x3], $0x2800, $0x38;
	[tilespmem:$0x1F000] =	vst v63  }
0x42: {  	_ =	swait.ge [sflag:s22], $0x2800  }
0x43: {  	[sflag:s22] =	ssyncset.done $0x0  }
0x44: {  	[sflag:s22] =	ssyncadd.s32 $0xFFFFD800  }
0x45: {  	[spmem:s18] =	stream.linear.scatter [tilespmem:s21], [sflag:$0x3], $0x2800, $0x38;
	[tilespmem:$0x1F000] =	vst v63  }
0x46: {  	_ =	swait.ge [sflag:s22], $0x2800  }
0x47: {  	[sflag:s22] =	ssyncset.done $0x0  }
0x48: {  	[sflag:s22] =	ssyncadd.s32 $0xFFFFD800  }
0x49: {  	[spmem:s19] =	stream.linear.scatter [tilespmem:s21], [sflag:$0x3], $0x2800, $0x38;
	[tilespmem:$0x1F000] =	vst v63  }
0x4a: {  	_ =	swait.ge [sflag:s22], $0x2800  }
0x4b: {  	[sflag:s22] =	ssyncset.done $0x0  }
0x4c: {  	[sflag:s22] =	ssyncadd.s32 $0xFFFFD800  }
0x4d: {  	[spmem:s20] =	stream.linear.scatter [tilespmem:s21], [sflag:$0x3], $0x2800, $0x38;
	[tilespmem:$0x1F000] =	vst v63  }
0x4e: {  	_ =	swait.ge [sflag:s22], $0x2800  }
0x4f: {  	[sflag:s22] =	ssyncset.done $0x0  }
0x50: {  	[sflag:s22] =	ssyncadd.s32 $0xFFFFD800  }
0x51: {  	s2 =	simm.s32 $0x0;
	s9 =	simm.s32 $0x0;
	[bflag:$0x0] =	sbarrier.arrive $0xFFFF  }
.LBB2_4:
0x52: {  	s11 =	sshll.u32 s9, $0xB  }
0x53: {  	s11 =	sadd.s32 s7, s11  }
0x54: {  	s12 =	sadd.s32 s8, s11  }
0x55: {  	s12 =	sshrl.u32 s12, $0x3  }
0x56: {  	s12 =	sadd.s32 s5, s12  }
0x57: {  	[tilespmem:s2], [sflag:$0x3] =	stream.linear.gather [hbm4b:s12+s2], $0x800, $0x38;
	[tilespmem:$0x1F000] =	vst v63  }
0x58: {  	_ =	swait.ge [sflag:s22], $0x800  }
0x59: {  	s11 =	sshrl.u32 s11, $0x3;
	[sflag:s22] =	ssyncset.done $0x0  }
0x5a: {  	s11 =	sadd.s32 s6, s11;
	[sflag:s22] =	ssyncadd.s32 $0xFFFFF800  }
0x5b: {  	[tilespmem:s23], [sflag:$0x3] =	stream.linear.gather [hbm4b:s11+s2], $0x800, $0x38;
	[tilespmem:$0x1F000] =	vst v63  }
0x5c: {  	_ =	swait.ge [sflag:s22], $0x800  }
0x5d: {  	[sflag:s22] =	ssyncset.done $0x0  }
0x5e: {  	[sflag:s22] =	ssyncadd.s32 $0xFFFFF800  }
0x5f: {  	[tilespmem:s21], [sflag:$0x1] =	stream.indirect.gather [hbm4b:s4+s24], $0xA0, s2, s24, $0xb8;
	[tilespmem:$0x1F000] =	vst v63  }
0x60: {  	s12 =	simm.s32 $0x40  }
0x61: {  	[tilespmem:s26], [sflag:$0x2] =	stream.indirect.gather [hbm4b:s4+s24], $0xA0, s12, s24, $0xb8;
	[tilespmem:$0x1F000] =	vst v63  }
0x62: {  	_ =	swait.ge [sflag:s28], $0x2800  }
0x63: {  	[sflag:s28] =	ssyncset.done $0x0  }
0x64: {  	s13 =	simm.s32 $0x800;
	[sflag:s28] =	ssyncadd.s32 $0xFFFFD800  }
0x65: {  	[spmem:s1] =	stream.indirect.scatter.add.f32 [tilespmem:s21], [sflag:$0x3], $0xA0, s13, s24, $0xb8;
	[tilespmem:$0x1F000] =	vst v63  }
0x66: {  	_ =	swait.ge [sflag:s22], $0x2800  }
0x67: {  	[sflag:s22] =	ssyncset.done $0x0  }
0x68: {  	s14 =	simm.s32 $0x80;
	[sflag:s22] =	ssyncadd.s32 $0xFFFFD800  }
0x69: {  	[tilespmem:s21], [sflag:$0x1] =	stream.indirect.gather [hbm4b:s4+s24], $0xA0, s14, s24, $0xb8;
	[tilespmem:$0x1F000] =	vst v63  }
0x6a: {  	_ =	swait.ge [sflag:s29], $0x2800  }
0x6b: {  	[sflag:s29] =	ssyncset.done $0x0  }
0x6c: {  	s15 =	simm.s32 $0x840;
	[sflag:s29] =	ssyncadd.s32 $0xFFFFD800  }
0x6d: {  	[spmem:s1] =	stream.indirect.scatter.add.f32 [tilespmem:s26], [sflag:$0x3], $0xA0, s15, s24, $0xb8;
	[tilespmem:$0x1F000] =	vst v63  }
0x6e: {  	_ =	swait.ge [sflag:s22], $0x2800  }
0x6f: {  	s11 =	simm.s32 $0x80;
	s12 =	simm.s32 $0x400;
	[sflag:s22] =	ssyncset.done $0x0  }
.LBB2_5:
0x70: {  	s13 =	sadd.s32 $0x40, s11  }
0x71: {  	[sflag:s22] =	ssyncadd.s32 $0xFFFFD800;
	s14 =	smov.u32 s12;
	s15 =	sadd.s32 $0x200, s12  }
0x72: {  	[tilespmem:s26], [sflag:$0x2] =	stream.indirect.gather [hbm4b:s4+s24], $0xA0, s13, s24, $0xb8;
	[tilespmem:$0x1F000] =	vst v63  }
0x73: {  	p0 =	sne.s32 s12, $0x1C00;
	_ =	swait.ge [sflag:s28], $0x2800  }
0x74: {  	[sflag:s28] =	ssyncset.done $0x0  }
0x75: {  	s12 =	sadd.s32 $0x800, s11;
	[sflag:s28] =	ssyncadd.s32 $0xFFFFD800  }
0x76: {  	[spmem:s1] =	stream.indirect.scatter.add.f32 [tilespmem:s21], [sflag:$0x3], $0xA0, s12, s24, $0xb8;
	[tilespmem:$0x1F000] =	vst v63  }
0x77: {  	_ =	swait.ge [sflag:s22], $0x2800  }
0x78: {  	[sflag:s22] =	ssyncset.done $0x0  }
0x79: {  	s12 =	sadd.s32 $0x80, s11;
	[sflag:s22] =	ssyncadd.s32 $0xFFFFD800  }
0x7a: {  	[tilespmem:s21], [sflag:$0x1] =	stream.indirect.gather [hbm4b:s4+s24], $0xA0, s12, s24, $0xb8;
	[tilespmem:$0x1F000] =	vst v63  }
0x7b: {  	_ =	swait.ge [sflag:s29], $0x2800  }
.Ltmp1:
0x7c: {  	[sflag:s29] =	ssyncset.done $0x0;
	(pc) =	sbr.rel @p0 .LBB2_5-.Ltmp1, $4  }
0x7d: {  	s11 =	sadd.s32 $0x840, s11;
	[sflag:s29] =	ssyncadd.s32 $0xFFFFD800  }
0x7e: {  	[spmem:s1] =	stream.indirect.scatter.add.f32 [tilespmem:s26], [sflag:$0x3], $0xA0, s11, s24, $0xb8;
	[tilespmem:$0x1F000] =	vst v63  }
0x7f: {  	_ =	swait.ge [sflag:s22], $0x2800  }
0x80: {  	s12 =	smov.u32 s15;
	s11 =	sshra.s32 s14, $0x2;
	[sflag:s22] =	ssyncset.done $0x0  }
0x81: {  	s12 =	sadd.s32 $0x40, s11;
	[sflag:s22] =	ssyncadd.s32 $0xFFFFD800  }
0x82: {  	[tilespmem:s26], [sflag:$0x2] =	stream.indirect.gather [hbm4b:s4+s24], $0xA0, s12, s24, $0xb8;
	[tilespmem:$0x1F000] =	vst v63  }
0x83: {  	_ =	swait.ge [sflag:s28], $0x2800  }
0x84: {  	[sflag:s28] =	ssyncset.done $0x0  }
0x85: {  	s13 =	sadd.s32 $0x800, s11;
	[sflag:s28] =	ssyncadd.s32 $0xFFFFD800  }
0x86: {  	[spmem:s1] =	stream.indirect.scatter.add.f32 [tilespmem:s21], [sflag:$0x3], $0xA0, s13, s24, $0xb8;
	[tilespmem:$0x1F000] =	vst v63  }
0x87: {  	_ =	swait.ge [sflag:s22], $0x2800  }
0x88: {  	[sflag:s22] =	ssyncset.done $0x0  }
0x89: {  	s14 =	sadd.s32 $0x80, s11;
	[sflag:s22] =	ssyncadd.s32 $0xFFFFD800  }
0x8a: {  	[tilespmem:s21], [sflag:$0x1] =	stream.indirect.gather [hbm4b:s4+s24], $0xA0, s14, s24, $0xb8;
	[tilespmem:$0x1F000] =	vst v63  }
0x8b: {  	_ =	swait.ge [sflag:s29], $0x2800  }
0x8c: {  	[sflag:s29] =	ssyncset.done $0x0  }
0x8d: {  	s15 =	sadd.s32 $0x840, s11;
	[sflag:s29] =	ssyncadd.s32 $0xFFFFD800  }
0x8e: {  	[spmem:s1] =	stream.indirect.scatter.add.f32 [tilespmem:s26], [sflag:$0x3], $0xA0, s15, s24, $0xb8;
	[tilespmem:$0x1F000] =	vst v63  }
0x8f: {  	_ =	swait.ge [sflag:s22], $0x2800  }
0x90: {  	[sflag:s22] =	ssyncset.done $0x0  }
0x91: {  	[sflag:s22] =	ssyncadd.s32 $0xFFFFD800  }
0x92: {  	[tilespmem:s26], [sflag:$0x2] =	stream.indirect.gather [hbm4b:s4+s24], $0xA0, s30, s24, $0xb8;
	[tilespmem:$0x1F000] =	vst v63  }
0x93: {  	_ =	swait.ge [sflag:s28], $0x2800  }
0x94: {  	[sflag:s28] =	ssyncset.done $0x0  }
0x95: {  	[sflag:s28] =	ssyncadd.s32 $0xFFFFD800  }
0x96: {  	[spmem:s1] =	stream.indirect.scatter.add.f32 [tilespmem:s21], [sflag:$0x3], $0xA0, s31, s24, $0xb8;
	[tilespmem:$0x1F000] =	vst v63  }
0x97: {  	_ =	swait.ge [sflag:s22], $0x2800  }
0x98: {  	[sflag:s22] =	ssyncset.done $0x0  }
0x99: {  	[sflag:s22] =	ssyncadd.s32 $0xFFFFD800  }
0x9a: {  	s9 =	sadd.s32 $0x1, s9;
	_ =	swait.ge [sflag:s29], $0x2800  }
0x9b: {  	p0 =	sne.s32 s9, $0xA;
	[sflag:s29] =	ssyncset.done $0x0  }
.Ltmp2:
0x9c: {  	[sflag:s29] =	ssyncadd.s32 $0xFFFFD800;
	(pc) =	sbr.rel @p0 .LBB2_4-.Ltmp2, $4  }
0x9d: {  	[spmem:s1] =	stream.indirect.scatter.add.f32 [tilespmem:s26], [sflag:$0x3], $0xA0, s0, s24, $0xb8;
	[tilespmem:$0x1F000] =	vst v63  }
0x9e: {  	_ =	swait.ge [sflag:s22], $0x2800  }
0x9f: {  	[sflag:s22] =	ssyncset.done $0x0  }
0xa0: {  	[sflag:s22] =	ssyncadd.s32 $0xFFFFD800  }
0xa1: {  	s2 =	stileid.u32  }
0xa2: {  	[bflag:$0x0] =	sbarrier.arrive $0xFFFF;
	s2 =	sshll.u32 s2, $0x6  }
0xa3: {  	s9 =	rddreg [dreg:$0x3];
	s2 =	sor.u32 $0x1C03, s2  }
0xa4: {  	[hbm:s9], [sflag:s2] =	dma.local [spmem:s25], $0x3200  }
0xa5: {  	_ =	swait.ge [sflag:s22], $0x3200  }
0xa6: {  	s3 =	sadd.s32 $0x1, s3;
	s15 =	rddreg [dreg:$0x4]  }
0xa7: {  	p0 =	sne.s32 s3, s15  }
.Ltmp3:
0xa8: {  	_ = 	snop;
	(pc) =	sbr.rel @p0 .LBB2_1-.Ltmp3, $3  }
0xa9: {  	_ =	sdelay $0x1  }
0xaa: {  	[sflag:s22] =	ssyncset.done $0x0  }
0xab: {  	[sflag:s22] =	ssyncadd.s32 $0xFFFFCE00  }
0xac: {  	_ =	sfence.sel $0x180000  }
0xad: {  	[bflag:$0x0] =	sbarrier.arrive $0xFFFF  }
0xae: {  	_ =	strace $0x9000004A  }
0xaf: {  	s0 =	stileid.u32;
	[bflag:$0x2] =	sbarrier.arrive $0xFFFF  }
0xb0: {  	p0 =	sne.s32 s0, $0x0;
	s0 =	rddreg [dreg:$0x2]  }
0xb1: {  	s0 =	sadd.s32 @!p0 $0x100000, s0  }
0xb2: {  	[sflag:s0] =	ssyncadd.tile.s32 @!p0 $0x1;
	_ =	shalt  }
.Lfunc_end2:
_tile_overlayer_lowered:
.L_overlay_start_2:
0xb3: {  	(tag) =	ssettag $0x2  }
0xb4: {  	s0 =	rddreg [dreg:$0x0];
	s2 =	stileid.u32  }
0xb5: {  	s1 =	rddreg [dreg:$0x1];
	p0 =	sne.s32 s2, $0x0  }
0xb6: {  	s3 =	rddreg [dreg:$0x2];
	[bflag:$0x3] =	sbarrier.arrive $0xFFFF;
	s2 =	simm.s32 @!p0 $0x1C03  }
0xb7: {  	[timem:s3], [sflag:s2] =	dma.local @!p0 [hbm:s0], s1  }
0xb8: {  	s0 =	simm.s32 @!p0 $0x3  }
0xb9: {  	_ =	swait.ge @!p0 [sflag:s0], s1  }
0xba: {  	s1 =	ssub.s32 @!p0 $0x0, s1;
	[sflag:s0] =	ssyncset.done @!p0 $0x0  }
0xbb: {  	[sflag:s0] =	ssyncadd.s32 @!p0 s1  }
0xbc: {  	[bflag:$0x3] =	sbarrier.arrive $0xFFFF  }
0xbd: {  	_ =	shalt  }

// kernel: kernel.17.cloned.1.call-start
scs
__scs_entry_jumppad:
0x0: {  	(pc) =	sbr.rel $0x88, $3  }
0x1: {  	(tag) =	ssettag $0x0;
	lr =	simm.s32 $0x1  }
0x2: {  	[smem:$0x3F96] =	sst lr;
	_ =	strace $0xD0000000  }
0x3: {  	_ = 	snop  }
0x4: {  	_ = 	snop  }
0x5: {  	_ = 	snop  }
0x6: {  	_ = 	snop  }
0x7: {  	_ = 	snop  }
__scs_overlays_trampoline_lowered:
0x8: {  	[smem:$0x3FA5] =	sst s0  }
0x9: {  	[smem:$0x3FA6] =	sst s1  }
0xa: {  	[smem:$0x3FA7] =	sst s2  }
0xb: {  	[smem:$0x3FA8] =	sst s3  }
0xc: {  	[smem:$0x3FA9] =	sst s4  }
0xd: {  	[smem:$0x3FAA] =	sst s5  }
0xe: {  	[smem:$0x3FAB] =	sst s6  }
0xf: {  	[smem:$0x3FAC] =	sst s7  }
0x10: {  	[smem:$0x3FAD] =	sst s8  }
0x11: {  	[smem:$0x3FAE] =	sst s9;
	s0 =	simm.s32 @!p0 $0x0  }
0x12: {  	s1 =	sld [smem:$0x3F94];
	s0 =	simm.s32 @p0 $0x1  }
0x13: {  	[smem:$0x3FAF] =	sst s0;
	s0 =	simm.s32 @!p1 $0x0  }
0x14: {  	s2 =	sld [smem:$0x3F93];
	s0 =	simm.s32 @p1 $0x1  }
0x15: {  	[smem:$0x3FB0] =	sst s0;
	s0 =	simm.s32 @!p2 $0x0  }
0x16: {  	s3 =	sld [smem:$0x3FDB];
	s0 =	simm.s32 @p2 $0x1  }
0x17: {  	s4 =	simm.s32 $0x1BF5;
	[smem:$0x3FB2] =	sst s0  }
0x18: {  	s0 =	sld [smem:$0x3F95];
	_ =	swait.ge [sflag:s4], $0x0  }
0x19: {  	s7 =	sld [smem:$0x3F96]  }
0x1a: {  	s8 =	sadd.s32 $0xFFFFE003, lr  }
0x1b: {  	s9 =	sadd.s32 $0xFFFFFEF7, lr;
	s5 =	simm.s32 $0xFFFFFFFF;
	p2 =	slt.u32 s8, $0xFFFFF086  }
0x1c: {  	p1 =	slt.u32 s9, $0xF7A;
	s5 =	simm.s32 @!p2 $0x0  }
0x1d: {  	s5 =	simm.s32 @p1 $0x1;
	p0 =	seq.s32 s7, s2  }
0x1e: {  	s7 =	smul.u32 @!p0 $0xF7A, s2;
	p2 =	seq.s32 @!p0 s5, $0x0  }
0x1f: {  	s9 =	smul.u32 $0xF7A, s1;
	s8 =	simm.s32 @!p0 $0x1BF5;
	p2 =	por !p2, p0  }
0x20: {  	[sflag:s8] =	ssyncset.s32 @!p0 $0xFFFFF086;
	s6 =	sadd.s32 @!p0 s3, s7;
	s7 =	simm.s32 @!p0 $0x108  }
0x21: {  	s3 =	sadd.s32 s3, s9;
	s6 =	sadd.s32 @!p0 $0x88, s6;
	s7 =	simm.s32 @p2 $0x1082  }
0x22: {  	[simem:s7], [sflag:s8] =	dma.local @!p0 [hbm:s6], $0xF7A  }
0x23: {  	s9 =	sor.u32 $0xD0000000, s2;
	s6 =	simm.s32 $0x108;
	_ =	swait.ge @!p0 [sflag:s8], $0x0  }
0x24: {  	s3 =	sadd.s32 $0x88, s3;
	s6 =	simm.s32 @!p1 $0x1082;
	[sflag:s4] =	ssyncset.s32 $0xFFFFF086  }
0x25: {  	[simem:s6], [sflag:s4] =	dma.local [hbm:s3], $0xF7A  }
0x26: {  	[smem:$0x3F96] =	sst s1;
	(tag) =	ssettag s2;
	_ =	strace s9  }
0x27: {  	s1 =	sld [smem:$0x3FA6]  }
0x28: {  	s2 =	sld [smem:$0x3FA7]  }
0x29: {  	s4 =	sld [smem:$0x3FA9]  }
0x2a: {  	p0 =	seq.s32 s5, $0x0;
	s5 =	sld [smem:$0x3FAA]  }
0x2b: {  	s6 =	sld [smem:$0x3FAB]  }
0x2c: {  	s7 =	sld [smem:$0x3FAC]  }
0x2d: {  	s3 =	simm.s32 $0x108;
	s8 =	sld [smem:$0x3FAD]  }
0x2e: {  	s3 =	simm.s32 @!p0 $0x1082;
	s9 =	sld [smem:$0x3FAE]  }
0x2f: {  	lr =	sadd.s32 s0, s3;
	s0 =	sld [smem:$0x3FA5]  }
0x30: {  	s3 =	sld [smem:$0x3FA8]  }
0x31: {  	[smem:$0x3FB1] =	sst s10  }
0x32: {  	s10 =	sld [smem:$0x3FAF];
	_ =	sdelay $0x3  }
0x33: {  	p0 =	seq.s32 s10, $0x1;
	s10 =	sld [smem:$0x3FB1];
	_ =	sdelay $0x3  }
0x34: {  	[smem:$0x3FB1] =	sst s10  }
0x35: {  	s10 =	sld [smem:$0x3FB0];
	_ =	sdelay $0x3  }
0x36: {  	p1 =	seq.s32 s10, $0x1;
	s10 =	sld [smem:$0x3FB1];
	_ =	sdelay $0x3  }
0x37: {  	[smem:$0x3FB1] =	sst s10  }
0x38: {  	s10 =	sld [smem:$0x3FB2]  }
0x39: {  	_ = 	snop;
	(pc) =	sbr.ind lr, $3  }
0x3a: {  	_ = 	snop  }
0x3b: {  	_ = 	snop  }
0x3c: {  	p2 =	seq.s32 s10, $0x1;
	s10 =	sld [smem:$0x3FB1]  }
0x3d: {  	_ =	shalt  }
0x3e: {  	_ =	shalt  }
0x3f: {  	_ =	shalt  }
0x40: {  	_ =	shalt  }
0x41: {  	_ =	shalt  }
0x42: {  	_ =	shalt  }
0x43: {  	_ =	shalt  }
0x44: {  	_ =	shalt  }
0x45: {  	_ =	shalt  }
0x46: {  	_ =	shalt  }
0x47: {  	_ =	shalt  }
0x48: {  	_ =	shalt  }
0x49: {  	_ =	shalt  }
0x4a: {  	_ =	shalt  }
0x4b: {  	_ =	shalt  }
0x4c: {  	_ =	shalt  }
0x4d: {  	_ =	shalt  }
0x4e: {  	_ =	shalt  }
0x4f: {  	_ =	shalt  }
0x50: {  	_ =	shalt  }
0x51: {  	_ =	shalt  }
0x52: {  	_ =	shalt  }
0x53: {  	_ =	shalt  }
0x54: {  	_ =	shalt  }
0x55: {  	_ =	shalt  }
0x56: {  	_ =	shalt  }
0x57: {  	_ =	shalt  }
0x58: {  	_ =	shalt  }
0x59: {  	_ =	shalt  }
0x5a: {  	_ =	shalt  }
0x5b: {  	_ =	shalt  }
0x5c: {  	_ =	shalt  }
0x5d: {  	_ =	shalt  }
0x5e: {  	_ =	shalt  }
0x5f: {  	_ =	shalt  }
0x60: {  	_ =	shalt  }
0x61: {  	_ =	shalt  }
0x62: {  	_ =	shalt  }
0x63: {  	_ =	shalt  }
0x64: {  	_ =	shalt  }
0x65: {  	_ =	shalt  }
0x66: {  	_ =	shalt  }
0x67: {  	_ =	shalt  }
0x68: {  	_ =	shalt  }
0x69: {  	_ =	shalt  }
0x6a: {  	_ =	shalt  }
0x6b: {  	_ =	shalt  }
0x6c: {  	_ =	shalt  }
0x6d: {  	_ =	shalt  }
0x6e: {  	_ =	shalt  }
0x6f: {  	_ =	shalt  }
0x70: {  	_ =	shalt  }
0x71: {  	_ =	shalt  }
0x72: {  	_ =	shalt  }
0x73: {  	_ =	shalt  }
0x74: {  	_ =	shalt  }
0x75: {  	_ =	shalt  }
0x76: {  	_ =	shalt  }
0x77: {  	_ =	shalt  }
0x78: {  	_ =	shalt  }
0x79: {  	_ =	shalt  }
0x7a: {  	_ =	shalt  }
0x7b: {  	_ =	shalt  }
0x7c: {  	_ =	shalt  }
0x7d: {  	_ =	shalt  }
0x7e: {  	_ =	shalt  }
0x7f: {  	_ =	shalt  }
0x80: {  	_ =	shalt  }
0x81: {  	_ =	shalt  }
0x82: {  	_ =	shalt  }
0x83: {  	_ =	shalt  }
0x84: {  	_ =	shalt  }
0x85: {  	_ =	shalt  }
0x86: {  	_ =	shalt  }
0x87: {  	_ =	shalt  }
.Lfunc_end0:
.L_simem_size_0:
called_computation.2_lowered:
.L_overlay_start_0:
0x88: {  	s2 =	sld [smem:$0x3FD9]  }
0x89: {  	s3 =	sld [smem:$0x3FFE];
	_ =	sdelay $0x1  }
0x8a: {  	s1 =	srdreg.scid  }
0x8b: {  	s0 =	sand.u32 $0x1, s1  }
0x8c: {  	s16 =	sshll.u32 s0, $0xA;
	s2 =	sadd.s32 s3, s2  }
0x8d: {  	s2 =	sadd.s32 s2, s16  }
0x8e: {  	[smem:$0x3FBD] =	sst s2  }
0x8f: {  	_ = 	snop  }
0x90: {  	(tm) =	ssettm $0x1  }
0x91: {  	s17 =	sld [smem:$0x3FFB];
	_ =	sdelay $0x3  }
0x92: {  	_ =	strace s17  }
0x93: {  	s2 =	sld [smem:$0x3FFC];
	_ =	sdelay $0x3  }
0x94: {  	_ =	strace s2  }
0x95: {  	s2 =	sld [smem:$0x3FFD];
	_ =	sdelay $0x3  }
0x96: {  	_ =	strace s2  }
0x97: {  	_ =	strace $0x8FFFFFFF  }
0x98: {  	s18 =	sld [smem:$0x3FDB];
	_ =	sdelay $0x1  }
0x99: {  	s19 =	simm.s32 $_scs_section_size  }
0x9a: {  	s4 =	simm.s32 $_size__tile_overlayer_lowered;
	s5 =	simm.s32 $_tile_overlayer_lowered  }
0x9b: {  	s22 =	simm.s32 $0x1BFF;
	s21 =	sshll.u32 s5, $0x1;
	s2 =	sadd.s32 s19, s18  }
0x9c: {  	s6 =	simm.s32 $0x0;
	s20 =	sshll.u32 s4, $0x1;
	s4 =	sadd.s32 s21, s2  }
0x9d: {  	[timem:s6], [sflag:s22] =	dma.local [hbm:s4], s20  }
0x9e: {  	_ =	swait.ge [sflag:s22], s20  }
0x9f: {  	s3 =	ssub.s32 $0x0, s20;
	[sflag:s22] =	ssyncset.done $0x0  }
0xa0: {  	[sflag:s22] =	ssyncadd.s32 s3;
	_ =	sdelay $0x1  }
0xa1: {  	s23 =	simm.s32 $0x1B8B  }
0xa2: {  	_ =	swait.ge [sflag:s23], $0x1  }
0xa3: {  	[sflag:s23] =	ssyncset.done $0x0  }
0xa4: {  	s25 =	simm.s32 $0x1B8E;
	s24 =	sld [smem:$0x3FFE];
	[sflag:s23] =	ssyncadd.s32 $0xFFFFFFFF  }
0xa5: {  	s26 =	simm.s32 $execute0_lowered;
	[smem:$0x3FD2] =	sst s25  }
0xa6: {  	s4 =	sshll.u32 s26, $0x1;
	_ =	strace $0x8000004C;
	[dreg:$0x1] =	wrdreg $0xFFFFFFFF  }
0xa7: {  	s28 =	simm.s32 $_size_execute0_lowered;
	s2 =	sadd.s32 s2, s4;
	[dreg:$0x0] =	wrdreg $0x0  }
0xa8: {  	s4 =	sshll.u32 s28, $0x1;
	[dreg:$0x2] =	wrdreg s2  }
0xa9: {  	[dreg:$0x3] =	wrdreg s4  }
0xaa: {  	[dreg:$0x4] =	wrdreg $0xC0  }
0xab: {  	_ =	task [dreg:s6], $0x5FFFF  }
0xac: {  	[dreg:$0x1] =	wrdreg $0xFFFFFFFF  }
0xad: {  	[dreg:$0x0] =	wrdreg $0x60  }
0xae: {  	[dreg:$0x2] =	wrdreg s24  }
0xaf: {  	[dreg:$0x3] =	wrdreg $0x60000  }
0xb0: {  	[dreg:$0x4] =	wrdreg $0x9  }
0xb1: {  	_ =	task.clear_ibuf [dreg:s6], $0x5FFFF;
	_ =	strace $0x9000004C  }
0xb2: {  	s29 =	simm.s32 $0x9;
	_ =	strace $0x8000004E  }
0xb3: {  	_ =	swait.ge [sflag:s29], $0x1  }
0xb4: {  	[sflag:s29] =	ssyncadd.s32 $0xFFFFFFFF  }
0xb5: {  	_ =	strace $0x9000004E  }
0xb6: {  	_ =	sfence  }
0xb7: {  	s30 =	sld [smem:$0x0];
	_ =	sdelay $0x2  }
0xb8: {  	s31 =	sshll.u32 s1, $0xD;
	s1 =	sshrl.u32 s1, $0x2  }
0xb9: {  	s3 =	sand.u32 $0x4000, s31;
	s1 =	sadd.s32 s1, s30  }
0xba: {  	s0 =	sor.u32 s3, s0;
	s1 =	sshll.u32 s1, $0x11  }
0xbb: {  	s0 =	sor.u32 s1, s0  }
0xbc: {  	s0 =	sadd.s32 $0x8F2B, s0  }
0xbd: {  	[sflag:s0] =	ssyncadd.remote.s32 $0x1  }
0xbe: {  	_ =	sfence.sel $0xFFFF  }
0xbf: {  	[dreg:$0x0] =	wrdreg $0xFFFFFFFF;
	(pc) =	sbr.abs _section_cstart, $3  }
0xc0: {  	[dreg:$0x1] =	wrdreg $0xFFFFFFFF  }
0xc1: {  	_ =	task.clear_ibuf [dreg:s6], $0x2FFFF;
	_ =	strace $0x9FFFFFFF  }
0xc2: {  	(tm) =	ssettm $0x7FFFFFFF  }
0xc3: {  	_ =	shalt  }
tec
execute0_lowered:
.L_overlay_start_1:
0x0: {  	(tag) =	ssettag $0x1  }
0x1: {  	s0 =	rddreg [dreg:$0x0]  }
0x2: {  	s1 =	rddreg [dreg:$0x1]  }
0x3: {  	s2 =	srdreg.scid;
	s3 =	simm.s32 $0x0;
	s12 =	stileid.u32  }
0x4: {  	s21 =	simm.s32 $0x1000;
	s28 =	simm.s32 $0x1;
	s29 =	simm.s32 $0x2  }
0x5: {  	s30 =	simm.s32 $0x7C0;
	s31 =	simm.s32 $0xF80;
	s2 =	sand.u32 $0x1, s2  }
0x6: {  	[smem:$0x7FF] =	sst s3;
	s9 =	smul.u32 $0x19000, s12;
	s4 =	sadd.s32 $0x2B000, s0  }
0x7: {  	s5 =	sadd.s32 $0x17000, s0;
	s6 =	sadd.s32 $0x3000, s0;
	s10 =	smul.u32 $0x64000, s12  }
0x8: {  	s7 =	smul.u32 $0x190000, s2;
	_ =	strace $0x8000004D;
	s8 =	ssub.s32 $0x2, s2  }
0x9: {  	s11 =	sshrl.u32 s8, $0x1;
	s14 =	sshrl.u32 s10, $0x2;
	s15 =	sadd.s32 s9, s1  }
0xa: {  	s7 =	sadd.s32 s9, s7;
	s11 =	ssub.s32 s8, s11;
	s8 =	smul.u32 $0x50000, s2  }
0xb: {  	s10 =	sadd.s32 s14, s1;
	s7 =	sshrl.u32 s7, $0x3;
	s22 =	smax.u32 s11, $0x1  }
0xc: {  	s23 =	sadd.s32 $0x2800, s10;
	s24 =	sadd.s32 $0x5000, s10;
	s25 =	sadd.s32 $0x7800, s10  }
0xd: {  	s26 =	sadd.s32 $0xA000, s10;
	s16 =	sadd.s32 $0xC800, s10;
	[dreg:$0x4] =	wrdreg s22  }
0xe: {  	s17 =	sadd.s32 $0xF000, s10;
	s18 =	sadd.s32 $0x11800, s10;
	[dreg:$0x5] =	wrdreg s23  }
0xf: {  	s19 =	sadd.s32 $0x14000, s10;
	s20 =	sadd.s32 $0x16800, s10;
	[dreg:$0x6] =	wrdreg s24  }
0x10: {  	s0 =	sadd.s32 s7, s0;
	s7 =	smul.u32 $0x5000, s12;
	[dreg:$0x7] =	wrdreg s25  }
0x11: {  	[dreg:$0x8] =	wrdreg s26;
	s22 =	simm.s32 $0x3;
	s23 =	simm.s32 $0x800  }
0x12: {  	s24 =	simm.s32 $0x40;
	s25 =	sshrl.u32 s15, $0x3;
	s0 =	sadd.s32 $0xF3000, s0  }
0x13: {  	v0 =	vimm.f32 $0.0e+00;
	s26 =	simm.s32 $0x3800;
	[dreg:$0x3] =	wrdreg s0;
	s0 =	simm.s32 $0xFC0  }
.LBB2_1:
0x14: {  	s2 =	simm.s32 $0x90;
	s9 =	simm.s32 $0x4C0  }
.LBB2_2:
0x15: {  	p0 =	sne.s32 s9, $0x9FC0;
	[tilespmem:s2+$0x1000] =	vst v0  }
0x16: {  	[tilespmem:s2+$0xF70] =	vst v0  }
0x17: {  	[tilespmem:s2+$0xF80] =	vst v0  }
0x18: {  	[tilespmem:s2+$0xF90] =	vst v0  }
0x19: {  	[tilespmem:s2+$0xFA0] =	vst v0  }
.Ltmp0:
0x1a: {  	[tilespmem:s2+$0xFB0] =	vst v0;
	(pc) =	sbr.rel @p0 .LBB2_2-.Ltmp0, $4  }
0x1b: {  	[tilespmem:s2+$0xFC0] =	vst v0  }
0x1c: {  	[tilespmem:s2+$0xFD0] =	vst v0  }
0x1d: {  	[tilespmem:s2+$0xFE0] =	vst v0  }
0x1e: {  	[tilespmem:s2+$0xFF0] =	vst v0;
	s2 =	sshra.s32 s9, $0x2;
	s9 =	sadd.s32 $0x280, s9  }
0x1f: {  	[tilespmem:s2+$0x1000] =	vst v0  }
0x20: {  	[tilespmem:s2+$0xF70] =	vst v0  }
0x21: {  	[tilespmem:s2+$0xF80] =	vst v0  }
0x22: {  	[tilespmem:s2+$0xF90] =	vst v0  }
0x23: {  	[tilespmem:s2+$0xFA0] =	vst v0  }
0x24: {  	[tilespmem:s2+$0xFB0] =	vst v0  }
0x25: {  	[tilespmem:s2+$0xFC0] =	vst v0  }
0x26: {  	[tilespmem:s2+$0xFD0] =	vst v0  }
0x27: {  	[tilespmem:s2+$0xFE0] =	vst v0  }
0x28: {  	[tilespmem:s2+$0xFF0] =	vst v0  }
0x29: {  	[spmem:s10] =	stream.linear.scatter [tilespmem:s21], [sflag:$0x3], $0x2800, $0x38;
	[tilespmem:$0x1F000] =	vst v63  }
0x2a: {  	_ =	swait.ge [sflag:s22], $0x2800  }
0x2b: {  	[sflag:s22] =	ssyncset.done $0x0  }
0x2c: {  	s12 =	rddreg [dreg:$0x5];
	[sflag:s22] =	ssyncadd.s32 $0xFFFFD800  }
0x2d: {  	[spmem:s12] =	stream.linear.scatter [tilespmem:s21], [sflag:$0x3], $0x2800, $0x38;
	[tilespmem:$0x1F000] =	vst v63  }
0x2e: {  	_ =	swait.ge [sflag:s22], $0x2800  }
0x2f: {  	[sflag:s22] =	ssyncset.done $0x0  }
0x30: {  	s13 =	rddreg [dreg:$0x6];
	[sflag:s22] =	ssyncadd.s32 $0xFFFFD800  }
0x31: {  	[spmem:s13] =	stream.linear.scatter [tilespmem:s21], [sflag:$0x3], $0x2800, $0x38;
	[tilespmem:$0x1F000] =	vst v63  }
0x32: {  	_ =	swait.ge [sflag:s22], $0x2800  }
0x33: {  	[sflag:s22] =	ssyncset.done $0x0  }
0x34: {  	s14 =	rddreg [dreg:$0x7];
	[sflag:s22] =	ssyncadd.s32 $0xFFFFD800  }
0x35: {  	[spmem:s14] =	stream.linear.scatter [tilespmem:s21], [sflag:$0x3], $0x2800, $0x38;
	[tilespmem:$0x1F000] =	vst v63  }
0x36: {  	_ =	swait.ge [sflag:s22], $0x2800  }
0x37: {  	[sflag:s22] =	ssyncset.done $0x0  }
0x38: {  	s15 =	rddreg [dreg:$0x8];
	[sflag:s22] =	ssyncadd.s32 $0xFFFFD800  }
0x39: {  	[spmem:s15] =	stream.linear.scatter [tilespmem:s21], [sflag:$0x3], $0x2800, $0x38;
	[tilespmem:$0x1F000] =	vst v63  }
0x3a: {  	_ =	swait.ge [sflag:s22], $0x2800  }
0x3b: {  	[sflag:s22] =	ssyncset.done $0x0  }
0x3c: {  	[sflag:s22] =	ssyncadd.s32 $0xFFFFD800  }
0x3d: {  	[spmem:s16] =	stream.linear.scatter [tilespmem:s21], [sflag:$0x3], $0x2800, $0x38;
	[tilespmem:$0x1F000] =	vst v63  }
0x3e: {  	_ =	swait.ge [sflag:s22], $0x2800  }
0x3f: {  	[sflag:s22] =	ssyncset.done $0x0  }
0x40: {  	[sflag:s22] =	ssyncadd.s32 $0xFFFFD800  }
0x41: {  	[spmem:s17] =	stream.linear.scatter [tilespmem:s21], [sflag:$0x3], $0x2800, $0x38;
	[tilespmem:$0x1F000] =	vst v63  }
0x42: {  	_ =	swait.ge [sflag:s22], $0x2800  }
0x43: {  	[sflag:s22] =	ssyncset.done $0x0  }
0x44: {  	[sflag:s22] =	ssyncadd.s32 $0xFFFFD800  }
0x45: {  	[spmem:s18] =	stream.linear.scatter [tilespmem:s21], [sflag:$0x3], $0x2800, $0x38;
	[tilespmem:$0x1F000] =	vst v63  }
0x46: {  	_ =	swait.ge [sflag:s22], $0x2800  }
0x47: {  	[sflag:s22] =	ssyncset.done $0x0  }
0x48: {  	[sflag:s22] =	ssyncadd.s32 $0xFFFFD800  }
0x49: {  	[spmem:s19] =	stream.linear.scatter [tilespmem:s21], [sflag:$0x3], $0x2800, $0x38;
	[tilespmem:$0x1F000] =	vst v63  }
0x4a: {  	_ =	swait.ge [sflag:s22], $0x2800  }
0x4b: {  	[sflag:s22] =	ssyncset.done $0x0  }
0x4c: {  	[sflag:s22] =	ssyncadd.s32 $0xFFFFD800  }
0x4d: {  	[spmem:s20] =	stream.linear.scatter [tilespmem:s21], [sflag:$0x3], $0x2800, $0x38;
	[tilespmem:$0x1F000] =	vst v63  }
0x4e: {  	_ =	swait.ge [sflag:s22], $0x2800  }
0x4f: {  	[sflag:s22] =	ssyncset.done $0x0  }
0x50: {  	[sflag:s22] =	ssyncadd.s32 $0xFFFFD800  }
0x51: {  	s2 =	simm.s32 $0x0;
	s9 =	simm.s32 $0x0;
	[bflag:$0x0] =	sbarrier.arrive $0xFFFF  }
.LBB2_4:
0x52: {  	s11 =	sshll.u32 s9, $0xB  }
0x53: {  	s11 =	sadd.s32 s7, s11  }
0x54: {  	s12 =	sadd.s32 s8, s11  }
0x55: {  	s12 =	sshrl.u32 s12, $0x3  }
0x56: {  	s12 =	sadd.s32 s5, s12  }
0x57: {  	[tilespmem:s2], [sflag:$0x3] =	stream.linear.gather [hbm4b:s12+s2], $0x800, $0x38;
	[tilespmem:$0x1F000] =	vst v63  }
0x58: {  	_ =	swait.ge [sflag:s22], $0x800  }
0x59: {  	s11 =	sshrl.u32 s11, $0x3;
	[sflag:s22] =	ssyncset.done $0x0  }
0x5a: {  	s11 =	sadd.s32 s6, s11;
	[sflag:s22] =	ssyncadd.s32 $0xFFFFF800  }
0x5b: {  	[tilespmem:s23], [sflag:$0x3] =	stream.linear.gather [hbm4b:s11+s2], $0x800, $0x38;
	[tilespmem:$0x1F000] =	vst v63  }
0x5c: {  	_ =	swait.ge [sflag:s22], $0x800  }
0x5d: {  	[sflag:s22] =	ssyncset.done $0x0  }
0x5e: {  	[sflag:s22] =	ssyncadd.s32 $0xFFFFF800  }
0x5f: {  	[tilespmem:s21], [sflag:$0x1] =	stream.indirect.gather [hbm4b:s4+s24], $0xA0, s2, s24, $0xb8;
	[tilespmem:$0x1F000] =	vst v63  }
0x60: {  	s12 =	simm.s32 $0x40  }
0x61: {  	[tilespmem:s26], [sflag:$0x2] =	stream.indirect.gather [hbm4b:s4+s24], $0xA0, s12, s24, $0xb8;
	[tilespmem:$0x1F000] =	vst v63  }
0x62: {  	_ =	swait.ge [sflag:s28], $0x2800  }
0x63: {  	[sflag:s28] =	ssyncset.done $0x0  }
0x64: {  	s13 =	simm.s32 $0x800;
	[sflag:s28] =	ssyncadd.s32 $0xFFFFD800  }
0x65: {  	[spmem:s1] =	stream.indirect.scatter.add.f32 [tilespmem:s21], [sflag:$0x3], $0xA0, s13, s24, $0xb8;
	[tilespmem:$0x1F000] =	vst v63  }
0x66: {  	_ =	swait.ge [sflag:s22], $0x2800  }
0x67: {  	[sflag:s22] =	ssyncset.done $0x0  }
0x68: {  	s14 =	simm.s32 $0x80;
	[sflag:s22] =	ssyncadd.s32 $0xFFFFD800  }
0x69: {  	[tilespmem:s21], [sflag:$0x1] =	stream.indirect.gather [hbm4b:s4+s24], $0xA0, s14, s24, $0xb8;
	[tilespmem:$0x1F000] =	vst v63  }
0x6a: {  	_ =	swait.ge [sflag:s29], $0x2800  }
0x6b: {  	[sflag:s29] =	ssyncset.done $0x0  }
0x6c: {  	s15 =	simm.s32 $0x840;
	[sflag:s29] =	ssyncadd.s32 $0xFFFFD800  }
0x6d: {  	[spmem:s1] =	stream.indirect.scatter.add.f32 [tilespmem:s26], [sflag:$0x3], $0xA0, s15, s24, $0xb8;
	[tilespmem:$0x1F000] =	vst v63  }
0x6e: {  	_ =	swait.ge [sflag:s22], $0x2800  }
0x6f: {  	s11 =	simm.s32 $0x80;
	s12 =	simm.s32 $0x400;
	[sflag:s22] =	ssyncset.done $0x0  }
.LBB2_5:
0x70: {  	s13 =	sadd.s32 $0x40, s11  }
0x71: {  	[sflag:s22] =	ssyncadd.s32 $0xFFFFD800;
	s14 =	smov.u32 s12;
	s15 =	sadd.s32 $0x200, s12  }
0x72: {  	[tilespmem:s26], [sflag:$0x2] =	stream.indirect.gather [hbm4b:s4+s24], $0xA0, s13, s24, $0xb8;
	[tilespmem:$0x1F000] =	vst v63  }
0x73: {  	p0 =	sne.s32 s12, $0x1C00;
	_ =	swait.ge [sflag:s28], $0x2800  }
0x74: {  	[sflag:s28] =	ssyncset.done $0x0  }
0x75: {  	s12 =	sadd.s32 $0x800, s11;
	[sflag:s28] =	ssyncadd.s32 $0xFFFFD800  }
0x76: {  	[spmem:s1] =	stream.indirect.scatter.add.f32 [tilespmem:s21], [sflag:$0x3], $0xA0, s12, s24, $0xb8;
	[tilespmem:$0x1F000] =	vst v63  }
0x77: {  	_ =	swait.ge [sflag:s22], $0x2800  }
0x78: {  	[sflag:s22] =	ssyncset.done $0x0  }
0x79: {  	s12 =	sadd.s32 $0x80, s11;
	[sflag:s22] =	ssyncadd.s32 $0xFFFFD800  }
0x7a: {  	[tilespmem:s21], [sflag:$0x1] =	stream.indirect.gather [hbm4b:s4+s24], $0xA0, s12, s24, $0xb8;
	[tilespmem:$0x1F000] =	vst v63  }
0x7b: {  	_ =	swait.ge [sflag:s29], $0x2800  }
.Ltmp1:
0x7c: {  	[sflag:s29] =	ssyncset.done $0x0;
	(pc) =	sbr.rel @p0 .LBB2_5-.Ltmp1, $4  }
0x7d: {  	s11 =	sadd.s32 $0x840, s11;
	[sflag:s29] =	ssyncadd.s32 $0xFFFFD800  }
0x7e: {  	[spmem:s1] =	stream.indirect.scatter.add.f32 [tilespmem:s26], [sflag:$0x3], $0xA0, s11, s24, $0xb8;
	[tilespmem:$0x1F000] =	vst v63  }
0x7f: {  	_ =	swait.ge [sflag:s22], $0x2800  }
0x80: {  	s12 =	smov.u32 s15;
	s11 =	sshra.s32 s14, $0x2;
	[sflag:s22] =	ssyncset.done $0x0  }
0x81: {  	s12 =	sadd.s32 $0x40, s11;
	[sflag:s22] =	ssyncadd.s32 $0xFFFFD800  }
0x82: {  	[tilespmem:s26], [sflag:$0x2] =	stream.indirect.gather [hbm4b:s4+s24], $0xA0, s12, s24, $0xb8;
	[tilespmem:$0x1F000] =	vst v63  }
0x83: {  	_ =	swait.ge [sflag:s28], $0x2800  }
0x84: {  	[sflag:s28] =	ssyncset.done $0x0  }
0x85: {  	s13 =	sadd.s32 $0x800, s11;
	[sflag:s28] =	ssyncadd.s32 $0xFFFFD800  }
0x86: {  	[spmem:s1] =	stream.indirect.scatter.add.f32 [tilespmem:s21], [sflag:$0x3], $0xA0, s13, s24, $0xb8;
	[tilespmem:$0x1F000] =	vst v63  }
0x87: {  	_ =	swait.ge [sflag:s22], $0x2800  }
0x88: {  	[sflag:s22] =	ssyncset.done $0x0  }
0x89: {  	s14 =	sadd.s32 $0x80, s11;
	[sflag:s22] =	ssyncadd.s32 $0xFFFFD800  }
0x8a: {  	[tilespmem:s21], [sflag:$0x1] =	stream.indirect.gather [hbm4b:s4+s24], $0xA0, s14, s24, $0xb8;
	[tilespmem:$0x1F000] =	vst v63  }
0x8b: {  	_ =	swait.ge [sflag:s29], $0x2800  }
0x8c: {  	[sflag:s29] =	ssyncset.done $0x0  }
0x8d: {  	s15 =	sadd.s32 $0x840, s11;
	[sflag:s29] =	ssyncadd.s32 $0xFFFFD800  }
0x8e: {  	[spmem:s1] =	stream.indirect.scatter.add.f32 [tilespmem:s26], [sflag:$0x3], $0xA0, s15, s24, $0xb8;
	[tilespmem:$0x1F000] =	vst v63  }
0x8f: {  	_ =	swait.ge [sflag:s22], $0x2800  }
0x90: {  	[sflag:s22] =	ssyncset.done $0x0  }
0x91: {  	[sflag:s22] =	ssyncadd.s32 $0xFFFFD800  }
0x92: {  	[tilespmem:s26], [sflag:$0x2] =	stream.indirect.gather [hbm4b:s4+s24], $0xA0, s30, s24, $0xb8;
	[tilespmem:$0x1F000] =	vst v63  }
0x93: {  	_ =	swait.ge [sflag:s28], $0x2800  }
0x94: {  	[sflag:s28] =	ssyncset.done $0x0  }
0x95: {  	[sflag:s28] =	ssyncadd.s32 $0xFFFFD800  }
0x96: {  	[spmem:s1] =	stream.indirect.scatter.add.f32 [tilespmem:s21], [sflag:$0x3], $0xA0, s31, s24, $0xb8;
	[tilespmem:$0x1F000] =	vst v63  }
0x97: {  	_ =	swait.ge [sflag:s22], $0x2800  }
0x98: {  	[sflag:s22] =	ssyncset.done $0x0  }
0x99: {  	[sflag:s22] =	ssyncadd.s32 $0xFFFFD800  }
0x9a: {  	s9 =	sadd.s32 $0x1, s9;
	_ =	swait.ge [sflag:s29], $0x2800  }
0x9b: {  	p0 =	sne.s32 s9, $0xA;
	[sflag:s29] =	ssyncset.done $0x0  }
.Ltmp2:
0x9c: {  	[sflag:s29] =	ssyncadd.s32 $0xFFFFD800;
	(pc) =	sbr.rel @p0 .LBB2_4-.Ltmp2, $4  }
0x9d: {  	[spmem:s1] =	stream.indirect.scatter.add.f32 [tilespmem:s26], [sflag:$0x3], $0xA0, s0, s24, $0xb8;
	[tilespmem:$0x1F000] =	vst v63  }
0x9e: {  	_ =	swait.ge [sflag:s22], $0x2800  }
0x9f: {  	[sflag:s22] =	ssyncset.done $0x0  }
0xa0: {  	[sflag:s22] =	ssyncadd.s32 $0xFFFFD800  }
0xa1: {  	s2 =	stileid.u32  }
0xa2: {  	[bflag:$0x0] =	sbarrier.arrive $0xFFFF;
	s2 =	sshll.u32 s2, $0x6  }
0xa3: {  	s9 =	rddreg [dreg:$0x3];
	s2 =	sor.u32 $0x1C03, s2  }
0xa4: {  	[hbm:s9], [sflag:s2] =	dma.local [spmem:s25], $0x3200  }
0xa5: {  	_ =	swait.ge [sflag:s22], $0x3200  }
0xa6: {  	s3 =	sadd.s32 $0x1, s3;
	s15 =	rddreg [dreg:$0x4]  }
0xa7: {  	p0 =	sne.s32 s3, s15  }
.Ltmp3:
0xa8: {  	_ = 	snop;
	(pc) =	sbr.rel @p0 .LBB2_1-.Ltmp3, $3  }
0xa9: {  	_ =	sdelay $0x1  }
0xaa: {  	[sflag:s22] =	ssyncset.done $0x0  }
0xab: {  	[sflag:s22] =	ssyncadd.s32 $0xFFFFCE00  }
0xac: {  	_ =	sfence.sel $0x180000  }
0xad: {  	[bflag:$0x0] =	sbarrier.arrive $0xFFFF  }
0xae: {  	_ =	strace $0x9000004D  }
0xaf: {  	s0 =	stileid.u32;
	[bflag:$0x2] =	sbarrier.arrive $0xFFFF  }
0xb0: {  	p0 =	sne.s32 s0, $0x0;
	s0 =	rddreg [dreg:$0x2]  }
0xb1: {  	s0 =	sadd.s32 @!p0 $0x100000, s0  }
0xb2: {  	[sflag:s0] =	ssyncadd.tile.s32 @!p0 $0x1;
	_ =	shalt  }
.Lfunc_end2:
_tile_overlayer_lowered:
.L_overlay_start_2:
0xb3: {  	(tag) =	ssettag $0x2  }
0xb4: {  	s0 =	rddreg [dreg:$0x0];
	s2 =	stileid.u32  }
0xb5: {  	s1 =	rddreg [dreg:$0x1];
	p0 =	sne.s32 s2, $0x0  }
0xb6: {  	s3 =	rddreg [dreg:$0x2];
	[bflag:$0x3] =	sbarrier.arrive $0xFFFF;
	s2 =	simm.s32 @!p0 $0x1C03  }
0xb7: {  	[timem:s3], [sflag:s2] =	dma.local @!p0 [hbm:s0], s1  }
0xb8: {  	s0 =	simm.s32 @!p0 $0x3  }
0xb9: {  	_ =	swait.ge @!p0 [sflag:s0], s1  }
0xba: {  	s1 =	ssub.s32 @!p0 $0x0, s1;
	[sflag:s0] =	ssyncset.done @!p0 $0x0  }
0xbb: {  	[sflag:s0] =	ssyncadd.s32 @!p0 s1  }
0xbc: {  	[bflag:$0x3] =	sbarrier.arrive $0xFFFF  }
0xbd: {  	_ =	shalt  }

// kernel: kernel.20.cloned.1.call-start
scs
__scs_entry_jumppad:
0x0: {  	(pc) =	sbr.rel $0x88, $3  }
0x1: {  	(tag) =	ssettag $0x0;
	lr =	simm.s32 $0x1  }
0x2: {  	[smem:$0x3F96] =	sst lr;
	_ =	strace $0xD0000000  }
0x3: {  	_ = 	snop  }
0x4: {  	_ = 	snop  }
0x5: {  	_ = 	snop  }
0x6: {  	_ = 	snop  }
0x7: {  	_ = 	snop  }
__scs_overlays_trampoline_lowered:
0x8: {  	[smem:$0x3FA5] =	sst s0  }
0x9: {  	[smem:$0x3FA6] =	sst s1  }
0xa: {  	[smem:$0x3FA7] =	sst s2  }
0xb: {  	[smem:$0x3FA8] =	sst s3  }
0xc: {  	[smem:$0x3FA9] =	sst s4  }
0xd: {  	[smem:$0x3FAA] =	sst s5  }
0xe: {  	[smem:$0x3FAB] =	sst s6  }
0xf: {  	[smem:$0x3FAC] =	sst s7  }
0x10: {  	[smem:$0x3FAD] =	sst s8  }
0x11: {  	[smem:$0x3FAE] =	sst s9;
	s0 =	simm.s32 @!p0 $0x0  }
0x12: {  	s1 =	sld [smem:$0x3F94];
	s0 =	simm.s32 @p0 $0x1  }
0x13: {  	[smem:$0x3FAF] =	sst s0;
	s0 =	simm.s32 @!p1 $0x0  }
0x14: {  	s2 =	sld [smem:$0x3F93];
	s0 =	simm.s32 @p1 $0x1  }
0x15: {  	[smem:$0x3FB0] =	sst s0;
	s0 =	simm.s32 @!p2 $0x0  }
0x16: {  	s3 =	sld [smem:$0x3FDB];
	s0 =	simm.s32 @p2 $0x1  }
0x17: {  	s4 =	simm.s32 $0x1BF5;
	[smem:$0x3FB2] =	sst s0  }
0x18: {  	s0 =	sld [smem:$0x3F95];
	_ =	swait.ge [sflag:s4], $0x0  }
0x19: {  	s7 =	sld [smem:$0x3F96]  }
0x1a: {  	s8 =	sadd.s32 $0xFFFFE003, lr  }
0x1b: {  	s9 =	sadd.s32 $0xFFFFFEF7, lr;
	s5 =	simm.s32 $0xFFFFFFFF;
	p2 =	slt.u32 s8, $0xFFFFF086  }
0x1c: {  	p1 =	slt.u32 s9, $0xF7A;
	s5 =	simm.s32 @!p2 $0x0  }
0x1d: {  	s5 =	simm.s32 @p1 $0x1;
	p0 =	seq.s32 s7, s2  }
0x1e: {  	s7 =	smul.u32 @!p0 $0xF7A, s2;
	p2 =	seq.s32 @!p0 s5, $0x0  }
0x1f: {  	s9 =	smul.u32 $0xF7A, s1;
	s8 =	simm.s32 @!p0 $0x1BF5;
	p2 =	por !p2, p0  }
0x20: {  	[sflag:s8] =	ssyncset.s32 @!p0 $0xFFFFF086;
	s6 =	sadd.s32 @!p0 s3, s7;
	s7 =	simm.s32 @!p0 $0x108  }
0x21: {  	s3 =	sadd.s32 s3, s9;
	s6 =	sadd.s32 @!p0 $0x88, s6;
	s7 =	simm.s32 @p2 $0x1082  }
0x22: {  	[simem:s7], [sflag:s8] =	dma.local @!p0 [hbm:s6], $0xF7A  }
0x23: {  	s9 =	sor.u32 $0xD0000000, s2;
	s6 =	simm.s32 $0x108;
	_ =	swait.ge @!p0 [sflag:s8], $0x0  }
0x24: {  	s3 =	sadd.s32 $0x88, s3;
	s6 =	simm.s32 @!p1 $0x1082;
	[sflag:s4] =	ssyncset.s32 $0xFFFFF086  }
0x25: {  	[simem:s6], [sflag:s4] =	dma.local [hbm:s3], $0xF7A  }
0x26: {  	[smem:$0x3F96] =	sst s1;
	(tag) =	ssettag s2;
	_ =	strace s9  }
0x27: {  	s1 =	sld [smem:$0x3FA6]  }
0x28: {  	s2 =	sld [smem:$0x3FA7]  }
0x29: {  	s4 =	sld [smem:$0x3FA9]  }
0x2a: {  	p0 =	seq.s32 s5, $0x0;
	s5 =	sld [smem:$0x3FAA]  }
0x2b: {  	s6 =	sld [smem:$0x3FAB]  }
0x2c: {  	s7 =	sld [smem:$0x3FAC]  }
0x2d: {  	s3 =	simm.s32 $0x108;
	s8 =	sld [smem:$0x3FAD]  }
0x2e: {  	s3 =	simm.s32 @!p0 $0x1082;
	s9 =	sld [smem:$0x3FAE]  }
0x2f: {  	lr =	sadd.s32 s0, s3;
	s0 =	sld [smem:$0x3FA5]  }
0x30: {  	s3 =	sld [smem:$0x3FA8]  }
0x31: {  	[smem:$0x3FB1] =	sst s10  }
0x32: {  	s10 =	sld [smem:$0x3FAF];
	_ =	sdelay $0x3  }
0x33: {  	p0 =	seq.s32 s10, $0x1;
	s10 =	sld [smem:$0x3FB1];
	_ =	sdelay $0x3  }
0x34: {  	[smem:$0x3FB1] =	sst s10  }
0x35: {  	s10 =	sld [smem:$0x3FB0];
	_ =	sdelay $0x3  }
0x36: {  	p1 =	seq.s32 s10, $0x1;
	s10 =	sld [smem:$0x3FB1];
	_ =	sdelay $0x3  }
0x37: {  	[smem:$0x3FB1] =	sst s10  }
0x38: {  	s10 =	sld [smem:$0x3FB2]  }
0x39: {  	_ = 	snop;
	(pc) =	sbr.ind lr, $3  }
0x3a: {  	_ = 	snop  }
0x3b: {  	_ = 	snop  }
0x3c: {  	p2 =	seq.s32 s10, $0x1;
	s10 =	sld [smem:$0x3FB1]  }
0x3d: {  	_ =	shalt  }
0x3e: {  	_ =	shalt  }
0x3f: {  	_ =	shalt  }
0x40: {  	_ =	shalt  }
0x41: {  	_ =	shalt  }
0x42: {  	_ =	shalt  }
0x43: {  	_ =	shalt  }
0x44: {  	_ =	shalt  }
0x45: {  	_ =	shalt  }
0x46: {  	_ =	shalt  }
0x47: {  	_ =	shalt  }
0x48: {  	_ =	shalt  }
0x49: {  	_ =	shalt  }
0x4a: {  	_ =	shalt  }
0x4b: {  	_ =	shalt  }
0x4c: {  	_ =	shalt  }
0x4d: {  	_ =	shalt  }
0x4e: {  	_ =	shalt  }
0x4f: {  	_ =	shalt  }
0x50: {  	_ =	shalt  }
0x51: {  	_ =	shalt  }
0x52: {  	_ =	shalt  }
0x53: {  	_ =	shalt  }
0x54: {  	_ =	shalt  }
0x55: {  	_ =	shalt  }
0x56: {  	_ =	shalt  }
0x57: {  	_ =	shalt  }
0x58: {  	_ =	shalt  }
0x59: {  	_ =	shalt  }
0x5a: {  	_ =	shalt  }
0x5b: {  	_ =	shalt  }
0x5c: {  	_ =	shalt  }
0x5d: {  	_ =	shalt  }
0x5e: {  	_ =	shalt  }
0x5f: {  	_ =	shalt  }
0x60: {  	_ =	shalt  }
0x61: {  	_ =	shalt  }
0x62: {  	_ =	shalt  }
0x63: {  	_ =	shalt  }
0x64: {  	_ =	shalt  }
0x65: {  	_ =	shalt  }
0x66: {  	_ =	shalt  }
0x67: {  	_ =	shalt  }
0x68: {  	_ =	shalt  }
0x69: {  	_ =	shalt  }
0x6a: {  	_ =	shalt  }
0x6b: {  	_ =	shalt  }
0x6c: {  	_ =	shalt  }
0x6d: {  	_ =	shalt  }
0x6e: {  	_ =	shalt  }
0x6f: {  	_ =	shalt  }
0x70: {  	_ =	shalt  }
0x71: {  	_ =	shalt  }
0x72: {  	_ =	shalt  }
0x73: {  	_ =	shalt  }
0x74: {  	_ =	shalt  }
0x75: {  	_ =	shalt  }
0x76: {  	_ =	shalt  }
0x77: {  	_ =	shalt  }
0x78: {  	_ =	shalt  }
0x79: {  	_ =	shalt  }
0x7a: {  	_ =	shalt  }
0x7b: {  	_ =	shalt  }
0x7c: {  	_ =	shalt  }
0x7d: {  	_ =	shalt  }
0x7e: {  	_ =	shalt  }
0x7f: {  	_ =	shalt  }
0x80: {  	_ =	shalt  }
0x81: {  	_ =	shalt  }
0x82: {  	_ =	shalt  }
0x83: {  	_ =	shalt  }
0x84: {  	_ =	shalt  }
0x85: {  	_ =	shalt  }
0x86: {  	_ =	shalt  }
0x87: {  	_ =	shalt  }
.Lfunc_end0:
.L_simem_size_0:
called_computation.3_lowered:
.L_overlay_start_0:
0x88: {  	s2 =	sld [smem:$0x3FD9]  }
0x89: {  	s3 =	sld [smem:$0x3FFE];
	_ =	sdelay $0x1  }
0x8a: {  	s1 =	srdreg.scid  }
0x8b: {  	s0 =	sand.u32 $0x1, s1  }
0x8c: {  	s16 =	sshll.u32 s0, $0xA;
	s2 =	sadd.s32 s3, s2  }
0x8d: {  	s2 =	sadd.s32 s2, s16  }
0x8e: {  	[smem:$0x3FBD] =	sst s2  }
0x8f: {  	_ = 	snop  }
0x90: {  	(tm) =	ssettm $0x1  }
0x91: {  	s17 =	sld [smem:$0x3FFB];
	_ =	sdelay $0x3  }
0x92: {  	_ =	strace s17  }
0x93: {  	s2 =	sld [smem:$0x3FFC];
	_ =	sdelay $0x3  }
0x94: {  	_ =	strace s2  }
0x95: {  	s2 =	sld [smem:$0x3FFD];
	_ =	sdelay $0x3  }
0x96: {  	_ =	strace s2  }
0x97: {  	_ =	strace $0x8FFFFFFF  }
0x98: {  	s18 =	sld [smem:$0x3FDB];
	_ =	sdelay $0x1  }
0x99: {  	s19 =	simm.s32 $_scs_section_size  }
0x9a: {  	s4 =	simm.s32 $_size__tile_overlayer_lowered;
	s5 =	simm.s32 $_tile_overlayer_lowered  }
0x9b: {  	s22 =	simm.s32 $0x1BFF;
	s21 =	sshll.u32 s5, $0x1;
	s2 =	sadd.s32 s19, s18  }
0x9c: {  	s6 =	simm.s32 $0x0;
	s20 =	sshll.u32 s4, $0x1;
	s4 =	sadd.s32 s21, s2  }
0x9d: {  	[timem:s6], [sflag:s22] =	dma.local [hbm:s4], s20  }
0x9e: {  	_ =	swait.ge [sflag:s22], s20  }
0x9f: {  	s3 =	ssub.s32 $0x0, s20;
	[sflag:s22] =	ssyncset.done $0x0  }
0xa0: {  	[sflag:s22] =	ssyncadd.s32 s3;
	_ =	sdelay $0x1  }
0xa1: {  	s23 =	simm.s32 $0x1B8B  }
0xa2: {  	_ =	swait.ge [sflag:s23], $0x1  }
0xa3: {  	[sflag:s23] =	ssyncset.done $0x0  }
0xa4: {  	s25 =	simm.s32 $0x1B8E;
	s24 =	sld [smem:$0x3FFE];
	[sflag:s23] =	ssyncadd.s32 $0xFFFFFFFF  }
0xa5: {  	s26 =	simm.s32 $execute0_lowered;
	[smem:$0x3FD2] =	sst s25  }
0xa6: {  	s4 =	sshll.u32 s26, $0x1;
	_ =	strace $0x8000004F;
	[dreg:$0x1] =	wrdreg $0xFFFFFFFF  }
0xa7: {  	s28 =	simm.s32 $_size_execute0_lowered;
	s2 =	sadd.s32 s2, s4;
	[dreg:$0x0] =	wrdreg $0x0  }
0xa8: {  	s4 =	sshll.u32 s28, $0x1;
	[dreg:$0x2] =	wrdreg s2  }
0xa9: {  	[dreg:$0x3] =	wrdreg s4  }
0xaa: {  	[dreg:$0x4] =	wrdreg $0xC0  }
0xab: {  	_ =	task [dreg:s6], $0x5FFFF  }
0xac: {  	[dreg:$0x1] =	wrdreg $0xFFFFFFFF  }
0xad: {  	[dreg:$0x0] =	wrdreg $0x60  }
0xae: {  	[dreg:$0x2] =	wrdreg s24  }
0xaf: {  	[dreg:$0x3] =	wrdreg $0x90000  }
0xb0: {  	[dreg:$0x4] =	wrdreg $0x9  }
0xb1: {  	_ =	task.clear_ibuf [dreg:s6], $0x5FFFF;
	_ =	strace $0x9000004F  }
0xb2: {  	s29 =	simm.s32 $0x9;
	_ =	strace $0x80000051  }
0xb3: {  	_ =	swait.ge [sflag:s29], $0x1  }
0xb4: {  	[sflag:s29] =	ssyncadd.s32 $0xFFFFFFFF  }
0xb5: {  	_ =	strace $0x90000051  }
0xb6: {  	_ =	sfence  }
0xb7: {  	s30 =	sld [smem:$0x0];
	_ =	sdelay $0x2  }
0xb8: {  	s31 =	sshll.u32 s1, $0xD;
	s1 =	sshrl.u32 s1, $0x2  }
0xb9: {  	s3 =	sand.u32 $0x4000, s31;
	s1 =	sadd.s32 s1, s30  }
0xba: {  	s0 =	sor.u32 s3, s0;
	s1 =	sshll.u32 s1, $0x11  }
0xbb: {  	s0 =	sor.u32 s1, s0  }
0xbc: {  	s0 =	sadd.s32 $0x8F2B, s0  }
0xbd: {  	[sflag:s0] =	ssyncadd.remote.s32 $0x1  }
0xbe: {  	_ =	sfence.sel $0xFFFF  }
0xbf: {  	[dreg:$0x0] =	wrdreg $0xFFFFFFFF;
	(pc) =	sbr.abs _section_cstart, $3  }
0xc0: {  	[dreg:$0x1] =	wrdreg $0xFFFFFFFF  }
0xc1: {  	_ =	task.clear_ibuf [dreg:s6], $0x2FFFF;
	_ =	strace $0x9FFFFFFF  }
0xc2: {  	(tm) =	ssettm $0x7FFFFFFF  }
0xc3: {  	_ =	shalt  }
tec
execute0_lowered:
.L_overlay_start_1:
0x0: {  	(tag) =	ssettag $0x1  }
0x1: {  	s0 =	rddreg [dreg:$0x0]  }
0x2: {  	s1 =	srdreg.scid;
	s9 =	stileid.u32  }
0x3: {  	s2 =	rddreg [dreg:$0x1];
	s3 =	simm.s32 $0x0;
	s10 =	simm.s32 $0x100  }
0x4: {  	s11 =	simm.s32 $0x880;
	s13 =	simm.s32 $0x180;
	s15 =	simm.s32 $0x900  }
0x5: {  	s17 =	simm.s32 $0x200;
	s19 =	simm.s32 $0x980;
	[smem:$0x7FF] =	sst s3  }
0x6: {  	s20 =	simm.s32 $0x280;
	_ =	strace $0x80000050;
	[dreg:$0x5] =	wrdreg s10  }
0x7: {  	s21 =	simm.s32 $0xA00;
	s22 =	simm.s32 $0x300;
	[dreg:$0x6] =	wrdreg s11  }
0x8: {  	s23 =	simm.s32 $0xA80;
	s24 =	simm.s32 $0x380;
	[dreg:$0x7] =	wrdreg s13  }
0x9: {  	s28 =	simm.s32 $0xD00;
	s4 =	smul.u32 $0x5000, s9;
	[dreg:$0x8] =	wrdreg s15  }
0xa: {  	s29 =	simm.s32 $0x600;
	s7 =	smul.u32 $0x14000, s9;
	[dreg:$0x9] =	wrdreg s17  }
0xb: {  	s30 =	simm.s32 $0xD80;
	s8 =	smul.u32 $0xA00, s9;
	[dreg:$0xa] =	wrdreg s19  }
0xc: {  	s1 =	sand.u32 $0x1, s1;
	s9 =	smul.u32 $0x50000, s9;
	[dreg:$0xb] =	wrdreg s20  }
0xd: {  	s31 =	simm.s32 $0x680;
	s5 =	smul.u32 $0x50000, s1;
	[dreg:$0xc] =	wrdreg s21  }
0xe: {  	s6 =	smul.u32 $0x140000, s1;
	s1 =	ssub.s32 $0x2, s1;
	[dreg:$0xd] =	wrdreg s22  }
0xf: {  	s13 =	simm.s32 $0x3;
	s15 =	simm.s32 $0x80;
	[dreg:$0xe] =	wrdreg s23  }
0x10: {  	s17 =	simm.s32 $0x1;
	[dreg:$0xf] =	wrdreg s24;
	s19 =	simm.s32 $0x400  }
0x11: {  	s20 =	simm.s32 $0xB80;
	s21 =	simm.s32 $0x480;
	s22 =	simm.s32 $0xC00  }
0x12: {  	s23 =	simm.s32 $0x500;
	s24 =	simm.s32 $0xC80;
	s10 =	simm.s32 $0x0  }
0x13: {  	s8 =	sadd.s32 s8, s0;
	s25 =	sshrl.u32 s1, $0x1;
	s9 =	sshrl.u32 s9, $0x2  }
0x14: {  	s5 =	sadd.s32 s4, s5;
	s4 =	sadd.s32 $0xD000, s0;
	s6 =	sadd.s32 s7, s6  }
0x15: {  	s1 =	ssub.s32 s1, s25;
	s9 =	sadd.s32 s9, s2;
	s26 =	sadd.s32 $0x3000, s8  }
0x16: {  	s8 =	sadd.s32 s7, s2;
	s25 =	simm.s32 $0xB00;
	[dreg:$0x3] =	wrdreg s26  }
0x17: {  	s7 =	simm.s32 $0x780;
	s5 =	sshrl.u32 s5, $0x3;
	[dreg:$0x11] =	wrdreg s9  }
0x18: {  	s6 =	sshrl.u32 s6, $0x3;
	s1 =	smax.u32 s1, $0x1;
	[dreg:$0x10] =	wrdreg s25  }
0x19: {  	s12 =	sadd.s32 $0x4000, s9;
	s14 =	sadd.s32 $0x8000, s9;
	[dreg:$0x13] =	wrdreg s1  }
0x1a: {  	s16 =	sadd.s32 $0xC000, s9;
	s18 =	sadd.s32 $0x10000, s9;
	[dreg:$0x14] =	wrdreg s12  }
0x1b: {  	s26 =	sshrl.u32 s8, $0x3;
	s8 =	simm.s32 $0xF00;
	[dreg:$0x15] =	wrdreg s14  }
0x1c: {  	s9 =	simm.s32 $0xF80;
	s5 =	sadd.s32 s5, s0;
	[dreg:$0x16] =	wrdreg s16  }
0x1d: {  	s0 =	sadd.s32 s6, s0;
	[dreg:$0x17] =	wrdreg s18;
	s12 =	simm.s32 $0x1000  }
0x1e: {  	s14 =	simm.s32 $0x800;
	s16 =	simm.s32 $0x5000;
	s18 =	simm.s32 $0x2  }
0x1f: {  	[dreg:$0x18] =	wrdreg s26;
	s26 =	simm.s32 $0x580;
	s0 =	sadd.s32 $0xF3000, s0  }
0x20: {  	s1 =	simm.s32 $0xE00;
	s6 =	sadd.s32 $0x8F000, s5;
	[dreg:$0x12] =	wrdreg s0  }
0x21: {  	v0 =	vimm.f32 $0.0e+00;
	[dreg:$0x4] =	wrdreg s6;
	s0 =	simm.s32 $0x700;
	s6 =	simm.s32 $0xE80  }
.LBB2_1:
0x22: {  	s11 =	simm.s32 $0x0;
	s25 =	simm.s32 $0x200  }
.LBB2_2:
0x23: {  	p0 =	sne.s32 s25, $0xFE00;
	[tilespmem:s11+$0x1070] =	vst v0  }
0x24: {  	[tilespmem:s11+$0x1000] =	vst v0  }
0x25: {  	[tilespmem:s11+$0x1010] =	vst v0  }
.Ltmp0:
0x26: {  	[tilespmem:s11+$0x1020] =	vst v0;
	(pc) =	sbr.rel @p0 .LBB2_2-.Ltmp0, $4  }
0x27: {  	[tilespmem:s11+$0x1030] =	vst v0  }
0x28: {  	[tilespmem:s11+$0x1040] =	vst v0  }
0x29: {  	[tilespmem:s11+$0x1050] =	vst v0  }
0x2a: {  	[tilespmem:s11+$0x1060] =	vst v0;
	s11 =	sshra.s32 s25, $0x2;
	s25 =	sadd.s32 $0x200, s25  }
0x2b: {  	[tilespmem:s11+$0x1070] =	vst v0  }
0x2c: {  	[tilespmem:s11+$0x1000] =	vst v0  }
0x2d: {  	[tilespmem:s11+$0x1010] =	vst v0  }
0x2e: {  	[tilespmem:s11+$0x1020] =	vst v0  }
0x2f: {  	[tilespmem:s11+$0x1030] =	vst v0  }
0x30: {  	[tilespmem:s11+$0x1040] =	vst v0  }
0x31: {  	[dreg:$0x19] =	wrdreg s10;
	[tilespmem:s11+$0x1050] =	vst v0  }
0x32: {  	[tilespmem:s11+$0x1060] =	vst v0;
	s5 =	rddreg [dreg:$0x11]  }
0x33: {  	[spmem:s5] =	stream.linear.scatter [tilespmem:s12], [sflag:$0x3], $0x4000, $0x38;
	[tilespmem:$0x1D000] =	vst v63  }
0x34: {  	_ =	swait.ge [sflag:s13], $0x4000  }
0x35: {  	[sflag:s13] =	ssyncset.done $0x0  }
0x36: {  	s10 =	rddreg [dreg:$0x14];
	[sflag:s13] =	ssyncadd.s32 $0xFFFFC000  }
0x37: {  	[spmem:s10] =	stream.linear.scatter [tilespmem:s12], [sflag:$0x3], $0x4000, $0x38;
	[tilespmem:$0x1D000] =	vst v63  }
0x38: {  	_ =	swait.ge [sflag:s13], $0x4000  }
0x39: {  	[sflag:s13] =	ssyncset.done $0x0  }
0x3a: {  	s11 =	rddreg [dreg:$0x15];
	[sflag:s13] =	ssyncadd.s32 $0xFFFFC000  }
0x3b: {  	[spmem:s11] =	stream.linear.scatter [tilespmem:s12], [sflag:$0x3], $0x4000, $0x38;
	[tilespmem:$0x1D000] =	vst v63  }
0x3c: {  	_ =	swait.ge [sflag:s13], $0x4000  }
0x3d: {  	[sflag:s13] =	ssyncset.done $0x0  }
0x3e: {  	s25 =	rddreg [dreg:$0x16];
	[sflag:s13] =	ssyncadd.s32 $0xFFFFC000  }
0x3f: {  	[spmem:s25] =	stream.linear.scatter [tilespmem:s12], [sflag:$0x3], $0x4000, $0x38;
	[tilespmem:$0x1D000] =	vst v63  }
0x40: {  	_ =	swait.ge [sflag:s13], $0x4000  }
0x41: {  	[sflag:s13] =	ssyncset.done $0x0  }
0x42: {  	s10 =	rddreg [dreg:$0x17];
	[sflag:s13] =	ssyncadd.s32 $0xFFFFC000  }
0x43: {  	[spmem:s10] =	stream.linear.scatter [tilespmem:s12], [sflag:$0x3], $0x4000, $0x38;
	[tilespmem:$0x1D000] =	vst v63  }
0x44: {  	_ =	swait.ge [sflag:s13], $0x4000  }
0x45: {  	[sflag:s13] =	ssyncset.done $0x0  }
0x46: {  	[sflag:s13] =	ssyncadd.s32 $0xFFFFC000  }
0x47: {  	[bflag:$0x0] =	sbarrier.arrive $0xFFFF  }
0x48: {  	s11 =	rddreg [dreg:$0x4]  }
0x49: {  	s5 =	sadd.s32 $0x0, s11  }
0x4a: {  	[tilespmem:s3], [sflag:$0x3] =	stream.linear.gather [hbm4b:s5+s3], $0x800, $0x38;
	[tilespmem:$0x1D000] =	vst v63  }
0x4b: {  	_ =	swait.ge [sflag:s13], $0x800  }
0x4c: {  	s25 =	rddreg [dreg:$0x3];
	[sflag:s13] =	ssyncset.done $0x0  }
0x4d: {  	[sflag:s13] =	ssyncadd.s32 $0xFFFFF800;
	s5 =	sadd.s32 $0x0, s25  }
0x4e: {  	[tilespmem:s14], [sflag:$0x3] =	stream.linear.gather [hbm4b:s5+s3], $0x800, $0x38;
	[tilespmem:$0x1D000] =	vst v63  }
0x4f: {  	_ =	swait.ge [sflag:s13], $0x800  }
0x50: {  	[sflag:s13] =	ssyncset.done $0x0  }
0x51: {  	[sflag:s13] =	ssyncadd.s32 $0xFFFFF800  }
0x52: {  	[tilespmem:s12], [sflag:$0x1] =	stream.indirect.gather [hbm4b:s4+s15], $0x80, s3, s15, $0xb8;
	[tilespmem:$0x1D000] =	vst v63  }
0x53: {  	_ = 	snop  }
0x54: {  	[tilespmem:s16], [sflag:$0x2] =	stream.indirect.gather [hbm4b:s4+s15], $0x80, s15, s15, $0xb8;
	[tilespmem:$0x1D000] =	vst v63  }
0x55: {  	_ =	swait.ge [sflag:s17], $0x4000  }
0x56: {  	[sflag:s17] =	ssyncset.done $0x0  }
0x57: {  	[sflag:s17] =	ssyncadd.s32 $0xFFFFC000  }
0x58: {  	[spmem:s2] =	stream.indirect.scatter.add.f32 [tilespmem:s12], [sflag:$0x3], $0x80, s14, s15, $0xb8;
	[tilespmem:$0x1D000] =	vst v63  }
0x59: {  	_ =	swait.ge [sflag:s13], $0x4000  }
0x5a: {  	[sflag:s13] =	ssyncset.done $0x0  }
0x5b: {  	s10 =	rddreg [dreg:$0x5];
	[sflag:s13] =	ssyncadd.s32 $0xFFFFC000  }
0x5c: {  	[tilespmem:s12], [sflag:$0x1] =	stream.indirect.gather [hbm4b:s4+s15], $0x80, s10, s15, $0xb8;
	[tilespmem:$0x1D000] =	vst v63  }
0x5d: {  	_ =	swait.ge [sflag:s18], $0x4000  }
0x5e: {  	[sflag:s18] =	ssyncset.done $0x0  }
0x5f: {  	s11 =	rddreg [dreg:$0x6];
	[sflag:s18] =	ssyncadd.s32 $0xFFFFC000  }
0x60: {  	[spmem:s2] =	stream.indirect.scatter.add.f32 [tilespmem:s16], [sflag:$0x3], $0x80, s11, s15, $0xb8;
	[tilespmem:$0x1D000] =	vst v63  }
0x61: {  	_ =	swait.ge [sflag:s13], $0x4000  }
0x62: {  	[sflag:s13] =	ssyncset.done $0x0  }
0x63: {  	s25 =	rddreg [dreg:$0x7];
	[sflag:s13] =	ssyncadd.s32 $0xFFFFC000  }
0x64: {  	[tilespmem:s16], [sflag:$0x2] =	stream.indirect.gather [hbm4b:s4+s15], $0x80, s25, s15, $0xb8;
	[tilespmem:$0x1D000] =	vst v63  }
0x65: {  	_ =	swait.ge [sflag:s17], $0x4000  }
0x66: {  	[sflag:s17] =	ssyncset.done $0x0  }
0x67: {  	s10 =	rddreg [dreg:$0x8];
	[sflag:s17] =	ssyncadd.s32 $0xFFFFC000  }
0x68: {  	[spmem:s2] =	stream.indirect.scatter.add.f32 [tilespmem:s12], [sflag:$0x3], $0x80, s10, s15, $0xb8;
	[tilespmem:$0x1D000] =	vst v63  }
0x69: {  	_ =	swait.ge [sflag:s13], $0x4000  }
0x6a: {  	[sflag:s13] =	ssyncset.done $0x0  }
0x6b: {  	s11 =	rddreg [dreg:$0x9];
	[sflag:s13] =	ssyncadd.s32 $0xFFFFC000  }
0x6c: {  	[tilespmem:s12], [sflag:$0x1] =	stream.indirect.gather [hbm4b:s4+s15], $0x80, s11, s15, $0xb8;
	[tilespmem:$0x1D000] =	vst v63  }
0x6d: {  	_ =	swait.ge [sflag:s18], $0x4000  }
0x6e: {  	[sflag:s18] =	ssyncset.done $0x0  }
0x6f: {  	s25 =	rddreg [dreg:$0xa];
	[sflag:s18] =	ssyncadd.s32 $0xFFFFC000  }
0x70: {  	[spmem:s2] =	stream.indirect.scatter.add.f32 [tilespmem:s16], [sflag:$0x3], $0x80, s25, s15, $0xb8;
	[tilespmem:$0x1D000] =	vst v63  }
0x71: {  	_ =	swait.ge [sflag:s13], $0x4000  }
0x72: {  	[sflag:s13] =	ssyncset.done $0x0  }
0x73: {  	s10 =	rddreg [dreg:$0xb];
	[sflag:s13] =	ssyncadd.s32 $0xFFFFC000  }
0x74: {  	[tilespmem:s16], [sflag:$0x2] =	stream.indirect.gather [hbm4b:s4+s15], $0x80, s10, s15, $0xb8;
	[tilespmem:$0x1D000] =	vst v63  }
0x75: {  	_ =	swait.ge [sflag:s17], $0x4000  }
0x76: {  	[sflag:s17] =	ssyncset.done $0x0  }
0x77: {  	s11 =	rddreg [dreg:$0xc];
	[sflag:s17] =	ssyncadd.s32 $0xFFFFC000  }
0x78: {  	[spmem:s2] =	stream.indirect.scatter.add.f32 [tilespmem:s12], [sflag:$0x3], $0x80, s11, s15, $0xb8;
	[tilespmem:$0x1D000] =	vst v63  }
0x79: {  	_ =	swait.ge [sflag:s13], $0x4000  }
0x7a: {  	[sflag:s13] =	ssyncset.done $0x0  }
0x7b: {  	s25 =	rddreg [dreg:$0xd];
	[sflag:s13] =	ssyncadd.s32 $0xFFFFC000  }
0x7c: {  	[tilespmem:s12], [sflag:$0x1] =	stream.indirect.gather [hbm4b:s4+s15], $0x80, s25, s15, $0xb8;
	[tilespmem:$0x1D000] =	vst v63  }
0x7d: {  	_ =	swait.ge [sflag:s18], $0x4000  }
0x7e: {  	[sflag:s18] =	ssyncset.done $0x0  }
0x7f: {  	s10 =	rddreg [dreg:$0xe];
	[sflag:s18] =	ssyncadd.s32 $0xFFFFC000  }
0x80: {  	[spmem:s2] =	stream.indirect.scatter.add.f32 [tilespmem:s16], [sflag:$0x3], $0x80, s10, s15, $0xb8;
	[tilespmem:$0x1D000] =	vst v63  }
0x81: {  	_ =	swait.ge [sflag:s13], $0x4000  }
0x82: {  	[sflag:s13] =	ssyncset.done $0x0  }
0x83: {  	s11 =	rddreg [dreg:$0xf];
	[sflag:s13] =	ssyncadd.s32 $0xFFFFC000  }
0x84: {  	[tilespmem:s16], [sflag:$0x2] =	stream.indirect.gather [hbm4b:s4+s15], $0x80, s11, s15, $0xb8;
	[tilespmem:$0x1D000] =	vst v63  }
0x85: {  	_ =	swait.ge [sflag:s17], $0x4000  }
0x86: {  	[sflag:s17] =	ssyncset.done $0x0  }
0x87: {  	s25 =	rddreg [dreg:$0x10];
	[sflag:s17] =	ssyncadd.s32 $0xFFFFC000  }
0x88: {  	[spmem:s2] =	stream.indirect.scatter.add.f32 [tilespmem:s12], [sflag:$0x3], $0x80, s25, s15, $0xb8;
	[tilespmem:$0x1D000] =	vst v63  }
0x89: {  	_ =	swait.ge [sflag:s13], $0x4000  }
0x8a: {  	[sflag:s13] =	ssyncset.done $0x0  }
0x8b: {  	[sflag:s13] =	ssyncadd.s32 $0xFFFFC000  }
0x8c: {  	[tilespmem:s12], [sflag:$0x1] =	stream.indirect.gather [hbm4b:s4+s15], $0x80, s19, s15, $0xb8;
	[tilespmem:$0x1D000] =	vst v63  }
0x8d: {  	_ =	swait.ge [sflag:s18], $0x4000  }
0x8e: {  	[sflag:s18] =	ssyncset.done $0x0  }
0x8f: {  	[sflag:s18] =	ssyncadd.s32 $0xFFFFC000  }
0x90: {  	[spmem:s2] =	stream.indirect.scatter.add.f32 [tilespmem:s16], [sflag:$0x3], $0x80, s20, s15, $0xb8;
	[tilespmem:$0x1D000] =	vst v63  }
0x91: {  	_ =	swait.ge [sflag:s13], $0x4000  }
0x92: {  	[sflag:s13] =	ssyncset.done $0x0  }
0x93: {  	[sflag:s13] =	ssyncadd.s32 $0xFFFFC000  }
0x94: {  	[tilespmem:s16], [sflag:$0x2] =	stream.indirect.gather [hbm4b:s4+s15], $0x80, s21, s15, $0xb8;
	[tilespmem:$0x1D000] =	vst v63  }
0x95: {  	_ =	swait.ge [sflag:s17], $0x4000  }
0x96: {  	[sflag:s17] =	ssyncset.done $0x0  }
0x97: {  	[sflag:s17] =	ssyncadd.s32 $0xFFFFC000  }
0x98: {  	[spmem:s2] =	stream.indirect.scatter.add.f32 [tilespmem:s12], [sflag:$0x3], $0x80, s22, s15, $0xb8;
	[tilespmem:$0x1D000] =	vst v63  }
0x99: {  	_ =	swait.ge [sflag:s13], $0x4000  }
0x9a: {  	[sflag:s13] =	ssyncset.done $0x0  }
0x9b: {  	[sflag:s13] =	ssyncadd.s32 $0xFFFFC000  }
0x9c: {  	[tilespmem:s12], [sflag:$0x1] =	stream.indirect.gather [hbm4b:s4+s15], $0x80, s23, s15, $0xb8;
	[tilespmem:$0x1D000] =	vst v63  }
0x9d: {  	_ =	swait.ge [sflag:s18], $0x4000  }
0x9e: {  	[sflag:s18] =	ssyncset.done $0x0  }
0x9f: {  	[sflag:s18] =	ssyncadd.s32 $0xFFFFC000  }
0xa0: {  	[spmem:s2] =	stream.indirect.scatter.add.f32 [tilespmem:s16], [sflag:$0x3], $0x80, s24, s15, $0xb8;
	[tilespmem:$0x1D000] =	vst v63  }
0xa1: {  	_ =	swait.ge [sflag:s13], $0x4000  }
0xa2: {  	[sflag:s13] =	ssyncset.done $0x0  }
0xa3: {  	[sflag:s13] =	ssyncadd.s32 $0xFFFFC000  }
0xa4: {  	[tilespmem:s16], [sflag:$0x2] =	stream.indirect.gather [hbm4b:s4+s15], $0x80, s26, s15, $0xb8;
	[tilespmem:$0x1D000] =	vst v63  }
0xa5: {  	_ =	swait.ge [sflag:s17], $0x4000  }
0xa6: {  	[sflag:s17] =	ssyncset.done $0x0  }
0xa7: {  	[sflag:s17] =	ssyncadd.s32 $0xFFFFC000  }
0xa8: {  	[spmem:s2] =	stream.indirect.scatter.add.f32 [tilespmem:s12], [sflag:$0x3], $0x80, s28, s15, $0xb8;
	[tilespmem:$0x1D000] =	vst v63  }
0xa9: {  	_ =	swait.ge [sflag:s13], $0x4000  }
0xaa: {  	[sflag:s13] =	ssyncset.done $0x0  }
0xab: {  	[sflag:s13] =	ssyncadd.s32 $0xFFFFC000  }
0xac: {  	[tilespmem:s12], [sflag:$0x1] =	stream.indirect.gather [hbm4b:s4+s15], $0x80, s29, s15, $0xb8;
	[tilespmem:$0x1D000] =	vst v63  }
0xad: {  	_ =	swait.ge [sflag:s18], $0x4000  }
0xae: {  	[sflag:s18] =	ssyncset.done $0x0  }
0xaf: {  	[sflag:s18] =	ssyncadd.s32 $0xFFFFC000  }
0xb0: {  	[spmem:s2] =	stream.indirect.scatter.add.f32 [tilespmem:s16], [sflag:$0x3], $0x80, s30, s15, $0xb8;
	[tilespmem:$0x1D000] =	vst v63  }
0xb1: {  	_ =	swait.ge [sflag:s13], $0x4000  }
0xb2: {  	[sflag:s13] =	ssyncset.done $0x0  }
0xb3: {  	[sflag:s13] =	ssyncadd.s32 $0xFFFFC000  }
0xb4: {  	[tilespmem:s16], [sflag:$0x2] =	stream.indirect.gather [hbm4b:s4+s15], $0x80, s31, s15, $0xb8;
	[tilespmem:$0x1D000] =	vst v63  }
0xb5: {  	_ =	swait.ge [sflag:s17], $0x4000  }
0xb6: {  	[sflag:s17] =	ssyncset.done $0x0  }
0xb7: {  	[sflag:s17] =	ssyncadd.s32 $0xFFFFC000  }
0xb8: {  	[spmem:s2] =	stream.indirect.scatter.add.f32 [tilespmem:s12], [sflag:$0x3], $0x80, s1, s15, $0xb8;
	[tilespmem:$0x1D000] =	vst v63  }
0xb9: {  	_ =	swait.ge [sflag:s13], $0x4000  }
0xba: {  	[sflag:s13] =	ssyncset.done $0x0  }
0xbb: {  	[sflag:s13] =	ssyncadd.s32 $0xFFFFC000  }
0xbc: {  	[tilespmem:s12], [sflag:$0x1] =	stream.indirect.gather [hbm4b:s4+s15], $0x80, s0, s15, $0xb8;
	[tilespmem:$0x1D000] =	vst v63  }
0xbd: {  	_ =	swait.ge [sflag:s18], $0x4000  }
0xbe: {  	[sflag:s18] =	ssyncset.done $0x0  }
0xbf: {  	[sflag:s18] =	ssyncadd.s32 $0xFFFFC000  }
0xc0: {  	[spmem:s2] =	stream.indirect.scatter.add.f32 [tilespmem:s16], [sflag:$0x3], $0x80, s6, s15, $0xb8;
	[tilespmem:$0x1D000] =	vst v63  }
0xc1: {  	_ =	swait.ge [sflag:s13], $0x4000  }
0xc2: {  	[sflag:s13] =	ssyncset.done $0x0  }
0xc3: {  	[sflag:s13] =	ssyncadd.s32 $0xFFFFC000  }
0xc4: {  	[tilespmem:s16], [sflag:$0x2] =	stream.indirect.gather [hbm4b:s4+s15], $0x80, s7, s15, $0xb8;
	[tilespmem:$0x1D000] =	vst v63  }
0xc5: {  	_ =	swait.ge [sflag:s17], $0x4000  }
0xc6: {  	[sflag:s17] =	ssyncset.done $0x0  }
0xc7: {  	[sflag:s17] =	ssyncadd.s32 $0xFFFFC000  }
0xc8: {  	[spmem:s2] =	stream.indirect.scatter.add.f32 [tilespmem:s12], [sflag:$0x3], $0x80, s8, s15, $0xb8;
	[tilespmem:$0x1D000] =	vst v63  }
0xc9: {  	_ =	swait.ge [sflag:s13], $0x4000  }
0xca: {  	[sflag:s13] =	ssyncset.done $0x0  }
0xcb: {  	[sflag:s13] =	ssyncadd.s32 $0xFFFFC000  }
0xcc: {  	_ =	swait.ge [sflag:s18], $0x4000  }
0xcd: {  	[sflag:s18] =	ssyncset.done $0x0  }
0xce: {  	[sflag:s18] =	ssyncadd.s32 $0xFFFFC000  }
0xcf: {  	[spmem:s2] =	stream.indirect.scatter.add.f32 [tilespmem:s16], [sflag:$0x3], $0x80, s9, s15, $0xb8;
	[tilespmem:$0x1D000] =	vst v63  }
0xd0: {  	s11 =	simm.s32 $0x100;
	_ =	swait.ge [sflag:s13], $0x4000  }
0xd1: {  	s25 =	simm.s32 $0x200;
	s5 =	rddreg [dreg:$0x4];
	[sflag:s13] =	ssyncset.done $0x0  }
.LBB2_4:
0xd2: {  	[sflag:s13] =	ssyncadd.s32 $0xFFFFC000;
	s5 =	sadd.s32 s11, s5  }
0xd3: {  	[tilespmem:s3], [sflag:$0x3] =	stream.linear.gather [hbm4b:s5+s3], $0x800, $0x38;
	[tilespmem:$0x1D000] =	vst v63  }
0xd4: {  	_ =	swait.ge [sflag:s13], $0x800  }
0xd5: {  	s5 =	rddreg [dreg:$0x3];
	[sflag:s13] =	ssyncset.done $0x0  }
0xd6: {  	[sflag:s13] =	ssyncadd.s32 $0xFFFFF800;
	s5 =	sadd.s32 s11, s5  }
0xd7: {  	[tilespmem:s14], [sflag:$0x3] =	stream.linear.gather [hbm4b:s5+s3], $0x800, $0x38;
	[tilespmem:$0x1D000] =	vst v63  }
0xd8: {  	_ =	swait.ge [sflag:s13], $0x800  }
0xd9: {  	[sflag:s13] =	ssyncset.done $0x0  }
0xda: {  	[sflag:s13] =	ssyncadd.s32 $0xFFFFF800  }
0xdb: {  	[tilespmem:s12], [sflag:$0x1] =	stream.indirect.gather [hbm4b:s4+s15], $0x80, s3, s15, $0xb8;
	[tilespmem:$0x1D000] =	vst v63  }
0xdc: {  	_ = 	snop  }
0xdd: {  	[tilespmem:s16], [sflag:$0x2] =	stream.indirect.gather [hbm4b:s4+s15], $0x80, s15, s15, $0xb8;
	[tilespmem:$0x1D000] =	vst v63  }
0xde: {  	_ =	swait.ge [sflag:s17], $0x4000  }
0xdf: {  	[sflag:s17] =	ssyncset.done $0x0  }
0xe0: {  	[sflag:s17] =	ssyncadd.s32 $0xFFFFC000  }
0xe1: {  	[spmem:s2] =	stream.indirect.scatter.add.f32 [tilespmem:s12], [sflag:$0x3], $0x80, s14, s15, $0xb8;
	[tilespmem:$0x1D000] =	vst v63  }
0xe2: {  	_ =	swait.ge [sflag:s13], $0x4000  }
0xe3: {  	s10 =	smov.u32 s25;
	[sflag:s13] =	ssyncset.done $0x0  }
0xe4: {  	s11 =	smov.u32 s10;
	s10 =	rddreg [dreg:$0x5];
	[sflag:s13] =	ssyncadd.s32 $0xFFFFC000  }
0xe5: {  	[tilespmem:s12], [sflag:$0x1] =	stream.indirect.gather [hbm4b:s4+s15], $0x80, s10, s15, $0xb8;
	[tilespmem:$0x1D000] =	vst v63  }
0xe6: {  	_ =	swait.ge [sflag:s18], $0x4000  }
0xe7: {  	[sflag:s18] =	ssyncset.done $0x0  }
0xe8: {  	s10 =	rddreg [dreg:$0x6];
	[sflag:s18] =	ssyncadd.s32 $0xFFFFC000  }
0xe9: {  	[spmem:s2] =	stream.indirect.scatter.add.f32 [tilespmem:s16], [sflag:$0x3], $0x80, s10, s15, $0xb8;
	[tilespmem:$0x1D000] =	vst v63  }
0xea: {  	_ =	swait.ge [sflag:s13], $0x4000  }
0xeb: {  	[sflag:s13] =	ssyncset.done $0x0  }
0xec: {  	s10 =	rddreg [dreg:$0x7];
	[sflag:s13] =	ssyncadd.s32 $0xFFFFC000  }
0xed: {  	[tilespmem:s16], [sflag:$0x2] =	stream.indirect.gather [hbm4b:s4+s15], $0x80, s10, s15, $0xb8;
	[tilespmem:$0x1D000] =	vst v63  }
0xee: {  	_ =	swait.ge [sflag:s17], $0x4000  }
0xef: {  	[sflag:s17] =	ssyncset.done $0x0  }
0xf0: {  	s10 =	rddreg [dreg:$0x8];
	[sflag:s17] =	ssyncadd.s32 $0xFFFFC000  }
0xf1: {  	[spmem:s2] =	stream.indirect.scatter.add.f32 [tilespmem:s12], [sflag:$0x3], $0x80, s10, s15, $0xb8;
	[tilespmem:$0x1D000] =	vst v63  }
0xf2: {  	_ =	swait.ge [sflag:s13], $0x4000  }
0xf3: {  	[sflag:s13] =	ssyncset.done $0x0  }
0xf4: {  	s10 =	rddreg [dreg:$0x9];
	[sflag:s13] =	ssyncadd.s32 $0xFFFFC000  }
0xf5: {  	[tilespmem:s12], [sflag:$0x1] =	stream.indirect.gather [hbm4b:s4+s15], $0x80, s10, s15, $0xb8;
	[tilespmem:$0x1D000] =	vst v63  }
0xf6: {  	_ =	swait.ge [sflag:s18], $0x4000  }
0xf7: {  	[sflag:s18] =	ssyncset.done $0x0  }
0xf8: {  	s10 =	rddreg [dreg:$0xa];
	[sflag:s18] =	ssyncadd.s32 $0xFFFFC000  }
0xf9: {  	[spmem:s2] =	stream.indirect.scatter.add.f32 [tilespmem:s16], [sflag:$0x3], $0x80, s10, s15, $0xb8;
	[tilespmem:$0x1D000] =	vst v63  }
0xfa: {  	_ =	swait.ge [sflag:s13], $0x4000  }
0xfb: {  	[sflag:s13] =	ssyncset.done $0x0  }
0xfc: {  	s10 =	rddreg [dreg:$0xb];
	[sflag:s13] =	ssyncadd.s32 $0xFFFFC000  }
0xfd: {  	[tilespmem:s16], [sflag:$0x2] =	stream.indirect.gather [hbm4b:s4+s15], $0x80, s10, s15, $0xb8;
	[tilespmem:$0x1D000] =	vst v63  }
0xfe: {  	_ =	swait.ge [sflag:s17], $0x4000  }
0xff: {  	[sflag:s17] =	ssyncset.done $0x0  }
0x100: {  	s10 =	rddreg [dreg:$0xc];
	[sflag:s17] =	ssyncadd.s32 $0xFFFFC000  }
0x101: {  	[spmem:s2] =	stream.indirect.scatter.add.f32 [tilespmem:s12], [sflag:$0x3], $0x80, s10, s15, $0xb8;
	[tilespmem:$0x1D000] =	vst v63  }
0x102: {  	_ =	swait.ge [sflag:s13], $0x4000  }
0x103: {  	[sflag:s13] =	ssyncset.done $0x0  }
0x104: {  	s10 =	rddreg [dreg:$0xd];
	[sflag:s13] =	ssyncadd.s32 $0xFFFFC000  }
0x105: {  	[tilespmem:s12], [sflag:$0x1] =	stream.indirect.gather [hbm4b:s4+s15], $0x80, s10, s15, $0xb8;
	[tilespmem:$0x1D000] =	vst v63  }
0x106: {  	_ =	swait.ge [sflag:s18], $0x4000  }
0x107: {  	[sflag:s18] =	ssyncset.done $0x0  }
0x108: {  	s10 =	rddreg [dreg:$0xe];
	[sflag:s18] =	ssyncadd.s32 $0xFFFFC000  }
0x109: {  	[spmem:s2] =	stream.indirect.scatter.add.f32 [tilespmem:s16], [sflag:$0x3], $0x80, s10, s15, $0xb8;
	[tilespmem:$0x1D000] =	vst v63  }
0x10a: {  	_ =	swait.ge [sflag:s13], $0x4000  }
0x10b: {  	[sflag:s13] =	ssyncset.done $0x0  }
0x10c: {  	s10 =	rddreg [dreg:$0xf];
	[sflag:s13] =	ssyncadd.s32 $0xFFFFC000  }
0x10d: {  	[tilespmem:s16], [sflag:$0x2] =	stream.indirect.gather [hbm4b:s4+s15], $0x80, s10, s15, $0xb8;
	[tilespmem:$0x1D000] =	vst v63  }
0x10e: {  	_ =	swait.ge [sflag:s17], $0x4000  }
0x10f: {  	[sflag:s17] =	ssyncset.done $0x0  }
0x110: {  	s10 =	rddreg [dreg:$0x10];
	[sflag:s17] =	ssyncadd.s32 $0xFFFFC000  }
0x111: {  	[spmem:s2] =	stream.indirect.scatter.add.f32 [tilespmem:s12], [sflag:$0x3], $0x80, s10, s15, $0xb8;
	[tilespmem:$0x1D000] =	vst v63  }
0x112: {  	_ =	swait.ge [sflag:s13], $0x4000  }
0x113: {  	[sflag:s13] =	ssyncset.done $0x0  }
0x114: {  	[sflag:s13] =	ssyncadd.s32 $0xFFFFC000  }
0x115: {  	[tilespmem:s12], [sflag:$0x1] =	stream.indirect.gather [hbm4b:s4+s15], $0x80, s19, s15, $0xb8;
	[tilespmem:$0x1D000] =	vst v63  }
0x116: {  	_ =	swait.ge [sflag:s18], $0x4000  }
0x117: {  	[sflag:s18] =	ssyncset.done $0x0  }
0x118: {  	[sflag:s18] =	ssyncadd.s32 $0xFFFFC000  }
0x119: {  	[spmem:s2] =	stream.indirect.scatter.add.f32 [tilespmem:s16], [sflag:$0x3], $0x80, s20, s15, $0xb8;
	[tilespmem:$0x1D000] =	vst v63  }
0x11a: {  	_ =	swait.ge [sflag:s13], $0x4000  }
0x11b: {  	[sflag:s13] =	ssyncset.done $0x0  }
0x11c: {  	[sflag:s13] =	ssyncadd.s32 $0xFFFFC000  }
0x11d: {  	[tilespmem:s16], [sflag:$0x2] =	stream.indirect.gather [hbm4b:s4+s15], $0x80, s21, s15, $0xb8;
	[tilespmem:$0x1D000] =	vst v63  }
0x11e: {  	_ =	swait.ge [sflag:s17], $0x4000  }
0x11f: {  	[sflag:s17] =	ssyncset.done $0x0  }
0x120: {  	[sflag:s17] =	ssyncadd.s32 $0xFFFFC000  }
0x121: {  	[spmem:s2] =	stream.indirect.scatter.add.f32 [tilespmem:s12], [sflag:$0x3], $0x80, s22, s15, $0xb8;
	[tilespmem:$0x1D000] =	vst v63  }
0x122: {  	_ =	swait.ge [sflag:s13], $0x4000  }
0x123: {  	[sflag:s13] =	ssyncset.done $0x0  }
0x124: {  	[sflag:s13] =	ssyncadd.s32 $0xFFFFC000  }
0x125: {  	[tilespmem:s12], [sflag:$0x1] =	stream.indirect.gather [hbm4b:s4+s15], $0x80, s23, s15, $0xb8;
	[tilespmem:$0x1D000] =	vst v63  }
0x126: {  	_ =	swait.ge [sflag:s18], $0x4000  }
0x127: {  	[sflag:s18] =	ssyncset.done $0x0  }
0x128: {  	[sflag:s18] =	ssyncadd.s32 $0xFFFFC000  }
0x129: {  	[spmem:s2] =	stream.indirect.scatter.add.f32 [tilespmem:s16], [sflag:$0x3], $0x80, s24, s15, $0xb8;
	[tilespmem:$0x1D000] =	vst v63  }
0x12a: {  	_ =	swait.ge [sflag:s13], $0x4000  }
0x12b: {  	[sflag:s13] =	ssyncset.done $0x0  }
0x12c: {  	[sflag:s13] =	ssyncadd.s32 $0xFFFFC000  }
0x12d: {  	[tilespmem:s16], [sflag:$0x2] =	stream.indirect.gather [hbm4b:s4+s15], $0x80, s26, s15, $0xb8;
	[tilespmem:$0x1D000] =	vst v63  }
0x12e: {  	_ =	swait.ge [sflag:s17], $0x4000  }
0x12f: {  	[sflag:s17] =	ssyncset.done $0x0  }
0x130: {  	[sflag:s17] =	ssyncadd.s32 $0xFFFFC000  }
0x131: {  	[spmem:s2] =	stream.indirect.scatter.add.f32 [tilespmem:s12], [sflag:$0x3], $0x80, s28, s15, $0xb8;
	[tilespmem:$0x1D000] =	vst v63  }
0x132: {  	_ =	swait.ge [sflag:s13], $0x4000  }
0x133: {  	[sflag:s13] =	ssyncset.done $0x0  }
0x134: {  	[sflag:s13] =	ssyncadd.s32 $0xFFFFC000  }
0x135: {  	[tilespmem:s12], [sflag:$0x1] =	stream.indirect.gather [hbm4b:s4+s15], $0x80, s29, s15, $0xb8;
	[tilespmem:$0x1D000] =	vst v63  }
0x136: {  	_ =	swait.ge [sflag:s18], $0x4000  }
0x137: {  	[sflag:s18] =	ssyncset.done $0x0  }
0x138: {  	[sflag:s18] =	ssyncadd.s32 $0xFFFFC000  }
0x139: {  	[spmem:s2] =	stream.indirect.scatter.add.f32 [tilespmem:s16], [sflag:$0x3], $0x80, s30, s15, $0xb8;
	[tilespmem:$0x1D000] =	vst v63  }
0x13a: {  	_ =	swait.ge [sflag:s13], $0x4000  }
0x13b: {  	[sflag:s13] =	ssyncset.done $0x0  }
0x13c: {  	[sflag:s13] =	ssyncadd.s32 $0xFFFFC000  }
0x13d: {  	[tilespmem:s16], [sflag:$0x2] =	stream.indirect.gather [hbm4b:s4+s15], $0x80, s31, s15, $0xb8;
	[tilespmem:$0x1D000] =	vst v63  }
0x13e: {  	_ =	swait.ge [sflag:s17], $0x4000  }
0x13f: {  	[sflag:s17] =	ssyncset.done $0x0  }
0x140: {  	[sflag:s17] =	ssyncadd.s32 $0xFFFFC000  }
0x141: {  	[spmem:s2] =	stream.indirect.scatter.add.f32 [tilespmem:s12], [sflag:$0x3], $0x80, s1, s15, $0xb8;
	[tilespmem:$0x1D000] =	vst v63  }
0x142: {  	_ =	swait.ge [sflag:s13], $0x4000  }
0x143: {  	[sflag:s13] =	ssyncset.done $0x0  }
0x144: {  	[sflag:s13] =	ssyncadd.s32 $0xFFFFC000  }
0x145: {  	[tilespmem:s12], [sflag:$0x1] =	stream.indirect.gather [hbm4b:s4+s15], $0x80, s0, s15, $0xb8;
	[tilespmem:$0x1D000] =	vst v63  }
0x146: {  	_ =	swait.ge [sflag:s18], $0x4000  }
0x147: {  	[sflag:s18] =	ssyncset.done $0x0  }
0x148: {  	[sflag:s18] =	ssyncadd.s32 $0xFFFFC000  }
0x149: {  	[spmem:s2] =	stream.indirect.scatter.add.f32 [tilespmem:s16], [sflag:$0x3], $0x80, s6, s15, $0xb8;
	[tilespmem:$0x1D000] =	vst v63  }
0x14a: {  	_ =	swait.ge [sflag:s13], $0x4000  }
0x14b: {  	[sflag:s13] =	ssyncset.done $0x0  }
0x14c: {  	[sflag:s13] =	ssyncadd.s32 $0xFFFFC000  }
0x14d: {  	[tilespmem:s16], [sflag:$0x2] =	stream.indirect.gather [hbm4b:s4+s15], $0x80, s7, s15, $0xb8;
	[tilespmem:$0x1D000] =	vst v63  }
0x14e: {  	_ =	swait.ge [sflag:s17], $0x4000  }
0x14f: {  	[sflag:s17] =	ssyncset.done $0x0  }
0x150: {  	[sflag:s17] =	ssyncadd.s32 $0xFFFFC000  }
0x151: {  	[spmem:s2] =	stream.indirect.scatter.add.f32 [tilespmem:s12], [sflag:$0x3], $0x80, s8, s15, $0xb8;
	[tilespmem:$0x1D000] =	vst v63  }
0x152: {  	_ =	swait.ge [sflag:s13], $0x4000  }
0x153: {  	[sflag:s13] =	ssyncset.done $0x0  }
0x154: {  	[sflag:s13] =	ssyncadd.s32 $0xFFFFC000  }
0x155: {  	p0 =	sne.s32 s25, $0x900;
	_ =	swait.ge [sflag:s18], $0x4000  }
.Ltmp1:
0x156: {  	[sflag:s18] =	ssyncset.done $0x0;
	(pc) =	sbr.rel @p0 .LBB2_4-.Ltmp1, $4  }
0x157: {  	[sflag:s18] =	ssyncadd.s32 $0xFFFFC000  }
0x158: {  	[spmem:s2] =	stream.indirect.scatter.add.f32 [tilespmem:s16], [sflag:$0x3], $0x80, s9, s15, $0xb8;
	[tilespmem:$0x1D000] =	vst v63  }
0x159: {  	_ =	swait.ge [sflag:s13], $0x4000  }
0x15a: {  	s25 =	sadd.s32 $0x100, s25;
	s5 =	rddreg [dreg:$0x4];
	[sflag:s13] =	ssyncset.done $0x0  }
0x15b: {  	[sflag:s13] =	ssyncadd.s32 $0xFFFFC000;
	s5 =	sadd.s32 s11, s5  }
0x15c: {  	[tilespmem:s3], [sflag:$0x3] =	stream.linear.gather [hbm4b:s5+s3], $0x800, $0x38;
	[tilespmem:$0x1D000] =	vst v63  }
0x15d: {  	_ =	swait.ge [sflag:s13], $0x800  }
0x15e: {  	s10 =	rddreg [dreg:$0x3];
	[sflag:s13] =	ssyncset.done $0x0  }
0x15f: {  	s5 =	sadd.s32 s11, s10;
	[sflag:s13] =	ssyncadd.s32 $0xFFFFF800  }
0x160: {  	[tilespmem:s14], [sflag:$0x3] =	stream.linear.gather [hbm4b:s5+s3], $0x800, $0x38;
	[tilespmem:$0x1D000] =	vst v63  }
0x161: {  	_ =	swait.ge [sflag:s13], $0x800  }
0x162: {  	[sflag:s13] =	ssyncset.done $0x0  }
0x163: {  	[sflag:s13] =	ssyncadd.s32 $0xFFFFF800  }
0x164: {  	[tilespmem:s12], [sflag:$0x1] =	stream.indirect.gather [hbm4b:s4+s15], $0x80, s3, s15, $0xb8;
	[tilespmem:$0x1D000] =	vst v63  }
0x165: {  	_ = 	snop  }
0x166: {  	[tilespmem:s16], [sflag:$0x2] =	stream.indirect.gather [hbm4b:s4+s15], $0x80, s15, s15, $0xb8;
	[tilespmem:$0x1D000] =	vst v63  }
0x167: {  	_ =	swait.ge [sflag:s17], $0x4000  }
0x168: {  	[sflag:s17] =	ssyncset.done $0x0  }
0x169: {  	[sflag:s17] =	ssyncadd.s32 $0xFFFFC000  }
0x16a: {  	[spmem:s2] =	stream.indirect.scatter.add.f32 [tilespmem:s12], [sflag:$0x3], $0x80, s14, s15, $0xb8;
	[tilespmem:$0x1D000] =	vst v63  }
0x16b: {  	_ =	swait.ge [sflag:s13], $0x4000  }
0x16c: {  	[sflag:s13] =	ssyncset.done $0x0  }
0x16d: {  	s11 =	rddreg [dreg:$0x5];
	[sflag:s13] =	ssyncadd.s32 $0xFFFFC000  }
0x16e: {  	[tilespmem:s12], [sflag:$0x1] =	stream.indirect.gather [hbm4b:s4+s15], $0x80, s11, s15, $0xb8;
	[tilespmem:$0x1D000] =	vst v63  }
0x16f: {  	_ =	swait.ge [sflag:s18], $0x4000  }
0x170: {  	[sflag:s18] =	ssyncset.done $0x0  }
0x171: {  	s25 =	rddreg [dreg:$0x6];
	[sflag:s18] =	ssyncadd.s32 $0xFFFFC000  }
0x172: {  	[spmem:s2] =	stream.indirect.scatter.add.f32 [tilespmem:s16], [sflag:$0x3], $0x80, s25, s15, $0xb8;
	[tilespmem:$0x1D000] =	vst v63  }
0x173: {  	_ =	swait.ge [sflag:s13], $0x4000  }
0x174: {  	[sflag:s13] =	ssyncset.done $0x0  }
0x175: {  	s10 =	rddreg [dreg:$0x7];
	[sflag:s13] =	ssyncadd.s32 $0xFFFFC000  }
0x176: {  	[tilespmem:s16], [sflag:$0x2] =	stream.indirect.gather [hbm4b:s4+s15], $0x80, s10, s15, $0xb8;
	[tilespmem:$0x1D000] =	vst v63  }
0x177: {  	_ =	swait.ge [sflag:s17], $0x4000  }
0x178: {  	[sflag:s17] =	ssyncset.done $0x0  }
0x179: {  	s11 =	rddreg [dreg:$0x8];
	[sflag:s17] =	ssyncadd.s32 $0xFFFFC000  }
0x17a: {  	[spmem:s2] =	stream.indirect.scatter.add.f32 [tilespmem:s12], [sflag:$0x3], $0x80, s11, s15, $0xb8;
	[tilespmem:$0x1D000] =	vst v63  }
0x17b: {  	_ =	swait.ge [sflag:s13], $0x4000  }
0x17c: {  	[sflag:s13] =	ssyncset.done $0x0  }
0x17d: {  	s25 =	rddreg [dreg:$0x9];
	[sflag:s13] =	ssyncadd.s32 $0xFFFFC000  }
0x17e: {  	[tilespmem:s12], [sflag:$0x1] =	stream.indirect.gather [hbm4b:s4+s15], $0x80, s25, s15, $0xb8;
	[tilespmem:$0x1D000] =	vst v63  }
0x17f: {  	_ =	swait.ge [sflag:s18], $0x4000  }
0x180: {  	[sflag:s18] =	ssyncset.done $0x0  }
0x181: {  	s10 =	rddreg [dreg:$0xa];
	[sflag:s18] =	ssyncadd.s32 $0xFFFFC000  }
0x182: {  	[spmem:s2] =	stream.indirect.scatter.add.f32 [tilespmem:s16], [sflag:$0x3], $0x80, s10, s15, $0xb8;
	[tilespmem:$0x1D000] =	vst v63  }
0x183: {  	_ =	swait.ge [sflag:s13], $0x4000  }
0x184: {  	[sflag:s13] =	ssyncset.done $0x0  }
0x185: {  	s11 =	rddreg [dreg:$0xb];
	[sflag:s13] =	ssyncadd.s32 $0xFFFFC000  }
0x186: {  	[tilespmem:s16], [sflag:$0x2] =	stream.indirect.gather [hbm4b:s4+s15], $0x80, s11, s15, $0xb8;
	[tilespmem:$0x1D000] =	vst v63  }
0x187: {  	_ =	swait.ge [sflag:s17], $0x4000  }
0x188: {  	[sflag:s17] =	ssyncset.done $0x0  }
0x189: {  	s25 =	rddreg [dreg:$0xc];
	[sflag:s17] =	ssyncadd.s32 $0xFFFFC000  }
0x18a: {  	[spmem:s2] =	stream.indirect.scatter.add.f32 [tilespmem:s12], [sflag:$0x3], $0x80, s25, s15, $0xb8;
	[tilespmem:$0x1D000] =	vst v63  }
0x18b: {  	_ =	swait.ge [sflag:s13], $0x4000  }
0x18c: {  	[sflag:s13] =	ssyncset.done $0x0  }
0x18d: {  	s10 =	rddreg [dreg:$0xd];
	[sflag:s13] =	ssyncadd.s32 $0xFFFFC000  }
0x18e: {  	[tilespmem:s12], [sflag:$0x1] =	stream.indirect.gather [hbm4b:s4+s15], $0x80, s10, s15, $0xb8;
	[tilespmem:$0x1D000] =	vst v63  }
0x18f: {  	_ =	swait.ge [sflag:s18], $0x4000  }
0x190: {  	[sflag:s18] =	ssyncset.done $0x0  }
0x191: {  	s11 =	rddreg [dreg:$0xe];
	[sflag:s18] =	ssyncadd.s32 $0xFFFFC000  }
0x192: {  	[spmem:s2] =	stream.indirect.scatter.add.f32 [tilespmem:s16], [sflag:$0x3], $0x80, s11, s15, $0xb8;
	[tilespmem:$0x1D000] =	vst v63  }
0x193: {  	_ =	swait.ge [sflag:s13], $0x4000  }
0x194: {  	[sflag:s13] =	ssyncset.done $0x0  }
0x195: {  	s25 =	rddreg [dreg:$0xf];
	[sflag:s13] =	ssyncadd.s32 $0xFFFFC000  }
0x196: {  	[tilespmem:s16], [sflag:$0x2] =	stream.indirect.gather [hbm4b:s4+s15], $0x80, s25, s15, $0xb8;
	[tilespmem:$0x1D000] =	vst v63  }
0x197: {  	_ =	swait.ge [sflag:s17], $0x4000  }
0x198: {  	[sflag:s17] =	ssyncset.done $0x0  }
0x199: {  	s10 =	rddreg [dreg:$0x10];
	[sflag:s17] =	ssyncadd.s32 $0xFFFFC000  }
0x19a: {  	[spmem:s2] =	stream.indirect.scatter.add.f32 [tilespmem:s12], [sflag:$0x3], $0x80, s10, s15, $0xb8;
	[tilespmem:$0x1D000] =	vst v63  }
0x19b: {  	_ =	swait.ge [sflag:s13], $0x4000  }
0x19c: {  	[sflag:s13] =	ssyncset.done $0x0  }
0x19d: {  	[sflag:s13] =	ssyncadd.s32 $0xFFFFC000  }
0x19e: {  	[tilespmem:s12], [sflag:$0x1] =	stream.indirect.gather [hbm4b:s4+s15], $0x80, s19, s15, $0xb8;
	[tilespmem:$0x1D000] =	vst v63  }
0x19f: {  	_ =	swait.ge [sflag:s18], $0x4000  }
0x1a0: {  	[sflag:s18] =	ssyncset.done $0x0  }
0x1a1: {  	[sflag:s18] =	ssyncadd.s32 $0xFFFFC000  }
0x1a2: {  	[spmem:s2] =	stream.indirect.scatter.add.f32 [tilespmem:s16], [sflag:$0x3], $0x80, s20, s15, $0xb8;
	[tilespmem:$0x1D000] =	vst v63  }
0x1a3: {  	_ =	swait.ge [sflag:s13], $0x4000  }
0x1a4: {  	[sflag:s13] =	ssyncset.done $0x0  }
0x1a5: {  	[sflag:s13] =	ssyncadd.s32 $0xFFFFC000  }
0x1a6: {  	[tilespmem:s16], [sflag:$0x2] =	stream.indirect.gather [hbm4b:s4+s15], $0x80, s21, s15, $0xb8;
	[tilespmem:$0x1D000] =	vst v63  }
0x1a7: {  	_ =	swait.ge [sflag:s17], $0x4000  }
0x1a8: {  	[sflag:s17] =	ssyncset.done $0x0  }
0x1a9: {  	[sflag:s17] =	ssyncadd.s32 $0xFFFFC000  }
0x1aa: {  	[spmem:s2] =	stream.indirect.scatter.add.f32 [tilespmem:s12], [sflag:$0x3], $0x80, s22, s15, $0xb8;
	[tilespmem:$0x1D000] =	vst v63  }
0x1ab: {  	_ =	swait.ge [sflag:s13], $0x4000  }
0x1ac: {  	[sflag:s13] =	ssyncset.done $0x0  }
0x1ad: {  	[sflag:s13] =	ssyncadd.s32 $0xFFFFC000  }
0x1ae: {  	[tilespmem:s12], [sflag:$0x1] =	stream.indirect.gather [hbm4b:s4+s15], $0x80, s23, s15, $0xb8;
	[tilespmem:$0x1D000] =	vst v63  }
0x1af: {  	_ =	swait.ge [sflag:s18], $0x4000  }
0x1b0: {  	[sflag:s18] =	ssyncset.done $0x0  }
0x1b1: {  	[sflag:s18] =	ssyncadd.s32 $0xFFFFC000  }
0x1b2: {  	[spmem:s2] =	stream.indirect.scatter.add.f32 [tilespmem:s16], [sflag:$0x3], $0x80, s24, s15, $0xb8;
	[tilespmem:$0x1D000] =	vst v63  }
0x1b3: {  	_ =	swait.ge [sflag:s13], $0x4000  }
0x1b4: {  	[sflag:s13] =	ssyncset.done $0x0  }
0x1b5: {  	[sflag:s13] =	ssyncadd.s32 $0xFFFFC000  }
0x1b6: {  	[tilespmem:s16], [sflag:$0x2] =	stream.indirect.gather [hbm4b:s4+s15], $0x80, s26, s15, $0xb8;
	[tilespmem:$0x1D000] =	vst v63  }
0x1b7: {  	_ =	swait.ge [sflag:s17], $0x4000  }
0x1b8: {  	[sflag:s17] =	ssyncset.done $0x0  }
0x1b9: {  	[sflag:s17] =	ssyncadd.s32 $0xFFFFC000  }
0x1ba: {  	[spmem:s2] =	stream.indirect.scatter.add.f32 [tilespmem:s12], [sflag:$0x3], $0x80, s28, s15, $0xb8;
	[tilespmem:$0x1D000] =	vst v63  }
0x1bb: {  	_ =	swait.ge [sflag:s13], $0x4000  }
0x1bc: {  	[sflag:s13] =	ssyncset.done $0x0  }
0x1bd: {  	[sflag:s13] =	ssyncadd.s32 $0xFFFFC000  }
0x1be: {  	[tilespmem:s12], [sflag:$0x1] =	stream.indirect.gather [hbm4b:s4+s15], $0x80, s29, s15, $0xb8;
	[tilespmem:$0x1D000] =	vst v63  }
0x1bf: {  	_ =	swait.ge [sflag:s18], $0x4000  }
0x1c0: {  	[sflag:s18] =	ssyncset.done $0x0  }
0x1c1: {  	[sflag:s18] =	ssyncadd.s32 $0xFFFFC000  }
0x1c2: {  	[spmem:s2] =	stream.indirect.scatter.add.f32 [tilespmem:s16], [sflag:$0x3], $0x80, s30, s15, $0xb8;
	[tilespmem:$0x1D000] =	vst v63  }
0x1c3: {  	_ =	swait.ge [sflag:s13], $0x4000  }
0x1c4: {  	[sflag:s13] =	ssyncset.done $0x0  }
0x1c5: {  	[sflag:s13] =	ssyncadd.s32 $0xFFFFC000  }
0x1c6: {  	[tilespmem:s16], [sflag:$0x2] =	stream.indirect.gather [hbm4b:s4+s15], $0x80, s31, s15, $0xb8;
	[tilespmem:$0x1D000] =	vst v63  }
0x1c7: {  	_ =	swait.ge [sflag:s17], $0x4000  }
0x1c8: {  	[sflag:s17] =	ssyncset.done $0x0  }
0x1c9: {  	[sflag:s17] =	ssyncadd.s32 $0xFFFFC000  }
0x1ca: {  	[spmem:s2] =	stream.indirect.scatter.add.f32 [tilespmem:s12], [sflag:$0x3], $0x80, s1, s15, $0xb8;
	[tilespmem:$0x1D000] =	vst v63  }
0x1cb: {  	_ =	swait.ge [sflag:s13], $0x4000  }
0x1cc: {  	[sflag:s13] =	ssyncset.done $0x0  }
0x1cd: {  	[sflag:s13] =	ssyncadd.s32 $0xFFFFC000  }
0x1ce: {  	[tilespmem:s12], [sflag:$0x1] =	stream.indirect.gather [hbm4b:s4+s15], $0x80, s0, s15, $0xb8;
	[tilespmem:$0x1D000] =	vst v63  }
0x1cf: {  	_ =	swait.ge [sflag:s18], $0x4000  }
0x1d0: {  	[sflag:s18] =	ssyncset.done $0x0  }
0x1d1: {  	[sflag:s18] =	ssyncadd.s32 $0xFFFFC000  }
0x1d2: {  	[spmem:s2] =	stream.indirect.scatter.add.f32 [tilespmem:s16], [sflag:$0x3], $0x80, s6, s15, $0xb8;
	[tilespmem:$0x1D000] =	vst v63  }
0x1d3: {  	_ =	swait.ge [sflag:s13], $0x4000  }
0x1d4: {  	[sflag:s13] =	ssyncset.done $0x0  }
0x1d5: {  	[sflag:s13] =	ssyncadd.s32 $0xFFFFC000  }
0x1d6: {  	[tilespmem:s16], [sflag:$0x2] =	stream.indirect.gather [hbm4b:s4+s15], $0x80, s7, s15, $0xb8;
	[tilespmem:$0x1D000] =	vst v63  }
0x1d7: {  	_ =	swait.ge [sflag:s17], $0x4000  }
0x1d8: {  	[sflag:s17] =	ssyncset.done $0x0  }
0x1d9: {  	[sflag:s17] =	ssyncadd.s32 $0xFFFFC000  }
0x1da: {  	[spmem:s2] =	stream.indirect.scatter.add.f32 [tilespmem:s12], [sflag:$0x3], $0x80, s8, s15, $0xb8;
	[tilespmem:$0x1D000] =	vst v63  }
0x1db: {  	_ =	swait.ge [sflag:s13], $0x4000  }
0x1dc: {  	[sflag:s13] =	ssyncset.done $0x0  }
0x1dd: {  	[sflag:s13] =	ssyncadd.s32 $0xFFFFC000  }
0x1de: {  	_ =	swait.ge [sflag:s18], $0x4000  }
0x1df: {  	[sflag:s18] =	ssyncset.done $0x0  }
0x1e0: {  	[sflag:s18] =	ssyncadd.s32 $0xFFFFC000  }
0x1e1: {  	[spmem:s2] =	stream.indirect.scatter.add.f32 [tilespmem:s16], [sflag:$0x3], $0x80, s9, s15, $0xb8;
	[tilespmem:$0x1D000] =	vst v63  }
0x1e2: {  	_ =	swait.ge [sflag:s13], $0x4000  }
0x1e3: {  	[sflag:s13] =	ssyncset.done $0x0  }
0x1e4: {  	[sflag:s13] =	ssyncadd.s32 $0xFFFFC000  }
0x1e5: {  	s11 =	stileid.u32;
	[bflag:$0x0] =	sbarrier.arrive $0xFFFF  }
0x1e6: {  	s5 =	sshll.u32 s11, $0x6;
	s10 =	rddreg [dreg:$0x12]  }
0x1e7: {  	s5 =	sor.u32 $0x1C03, s5;
	s25 =	rddreg [dreg:$0x18]  }
0x1e8: {  	[hbm:s10], [sflag:s5] =	dma.local [spmem:s25], $0x2800  }
0x1e9: {  	_ =	swait.ge [sflag:s13], $0x2800  }
0x1ea: {  	s11 =	rddreg [dreg:$0x19]  }
0x1eb: {  	s25 =	rddreg [dreg:$0x13];
	s10 =	sadd.s32 $0x1, s11  }
0x1ec: {  	p0 =	sne.s32 s10, s25  }
.Ltmp2:
0x1ed: {  	_ = 	snop;
	(pc) =	sbr.rel @p0 .LBB2_1-.Ltmp2, $3  }
0x1ee: {  	_ =	sdelay $0x1  }
0x1ef: {  	[sflag:s13] =	ssyncset.done $0x0  }
0x1f0: {  	[sflag:s13] =	ssyncadd.s32 $0xFFFFD800  }
0x1f1: {  	_ =	sfence.sel $0x180000  }
0x1f2: {  	[bflag:$0x0] =	sbarrier.arrive $0xFFFF  }
0x1f3: {  	_ =	strace $0x90000050  }
0x1f4: {  	s0 =	stileid.u32;
	[bflag:$0x2] =	sbarrier.arrive $0xFFFF  }
0x1f5: {  	p0 =	sne.s32 s0, $0x0;
	s0 =	rddreg [dreg:$0x2]  }
0x1f6: {  	s0 =	sadd.s32 @!p0 $0x100000, s0  }
0x1f7: {  	[sflag:s0] =	ssyncadd.tile.s32 @!p0 $0x1;
	_ =	shalt  }
.Lfunc_end2:
_tile_overlayer_lowered:
.L_overlay_start_2:
0x1f8: {  	(tag) =	ssettag $0x2  }
0x1f9: {  	s0 =	rddreg [dreg:$0x0];
	s2 =	stileid.u32  }
0x1fa: {  	s1 =	rddreg [dreg:$0x1];
	p0 =	sne.s32 s2, $0x0  }
0x1fb: {  	s3 =	rddreg [dreg:$0x2];
	[bflag:$0x3] =	sbarrier.arrive $0xFFFF;
	s2 =	simm.s32 @!p0 $0x1C03  }
0x1fc: {  	[timem:s3], [sflag:s2] =	dma.local @!p0 [hbm:s0], s1  }
0x1fd: {  	s0 =	simm.s32 @!p0 $0x3  }
0x1fe: {  	_ =	swait.ge @!p0 [sflag:s0], s1  }
0x1ff: {  	s1 =	ssub.s32 @!p0 $0x0, s1;
	[sflag:s0] =	ssyncset.done @!p0 $0x0  }
0x200: {  	[sflag:s0] =	ssyncadd.s32 @!p0 s1  }
0x201: {  	[bflag:$0x3] =	sbarrier.arrive $0xFFFF  }
0x202: {  	_ =	shalt  }

</sc_bundles>
